<compile_context>
chip_gen: v7x
topology: tpu7x:2x2x1
jax: 0.10.2.dev20260603
libtpu: 0.0.44.dev20260713+nightly
codegen_flags: <defaults>
</compile_context>

<pallas_src>
import functools

import jax
import jax.numpy as jnp
from jax import lax
from jax.experimental import pallas as pl
from jax.experimental.pallas import tpu as pltpu, tpu_sc as plsc

N = 10000
E = 640000
DIN, DH, DOUT = 128, 128, 64

NC, NS = 2, 16
NW = NC * NS
C = 128
CHUNKS = 158
EW = CHUNKS * C
EPT = NW * EW
NP = 10240
RPT = NP // NS

_mesh = plsc.VectorSubcoreMesh(core_axis_name="c", subcore_axis_name="s")


@functools.partial(
    pl.kernel,
    out_type=jax.ShapeDtypeStruct((NC, NP), jnp.float32),
    mesh=_mesh,
    scratch_types=[
        pltpu.VMEM((CHUNKS, C), jnp.int32),
        pltpu.VMEM((C,), jnp.float32),
        pltpu.VMEM((C,), jnp.float32),
        pltpu.VMEM_SHARED((NP,), jnp.float32),
    ],
)
def _sc_deg(dst_hbm, out_hbm, idx_v, ones_v, zero_v, acc):
    c = lax.axis_index("c")
    s = lax.axis_index("s")
    wid = s * NC + c
    pltpu.sync_copy(dst_hbm.at[wid], idx_v)
    for k in range(C // 16):
        ones_v[pl.ds(k * 16, 16)] = jnp.ones((16,), jnp.float32)
        zero_v[pl.ds(k * 16, 16)] = jnp.zeros((16,), jnp.float32)
    for k in range(RPT // C):
        pltpu.sync_copy(zero_v, acc.at[pl.ds(s * RPT + k * C, C)])
    plsc.subcore_barrier()

    def body(j, carry):
        pltpu.sync_copy(ones_v, acc.at[idx_v.at[j]], add=True)
        return carry

    lax.fori_loop(0, CHUNKS, body, 0)
    plsc.subcore_barrier()
    pltpu.sync_copy(acc.at[pl.ds(s * RPT, RPT)],
                    out_hbm.at[c, pl.ds(s * RPT, RPT)])


def _make_sc_agg(d, npass):

    @functools.partial(
        pl.kernel,
        out_type=[jax.ShapeDtypeStruct((NC, NP, d), jnp.float32)] * npass,
        mesh=_mesh,
        scratch_types=[
            pltpu.VMEM((CHUNKS + 2, C), jnp.int32),
            pltpu.VMEM((CHUNKS, C), jnp.int32),
            [pltpu.VMEM((C, d), jnp.float32)] * 4,
            pltpu.VMEM((C, d), jnp.float32),
            [pltpu.SemaphoreType.DMA] * 4,
            [pltpu.SemaphoreType.DMA] * 4,
            pltpu.VMEM_SHARED((NP, d), jnp.float32),
        ],
        compiler_params=pltpu.CompilerParams(use_tc_tiling_on_sc=False),
    )
    def _sc_agg(*refs):
        ys = refs[:npass]
        src_hbm, dst_hbm = refs[npass], refs[npass + 1]
        outs = refs[npass + 2:2 * npass + 2]
        src_v, dst_v, bufs, zbuf, gsem, ssem, acc = refs[2 * npass + 2:]
        c = lax.axis_index("c")
        s = lax.axis_index("s")
        wid = s * NC + c
        pltpu.sync_copy(src_hbm.at[wid], src_v.at[pl.ds(0, CHUNKS)])
        pltpu.sync_copy(dst_hbm.at[wid], dst_v)
        for k in range(C // 16):
            src_v[CHUNKS, pl.ds(k * 16, 16)] = jnp.zeros((16,), jnp.int32)
            src_v[CHUNKS + 1, pl.ds(k * 16, 16)] = jnp.zeros((16,), jnp.int32)

        def zrow(r, carry):
            for k in range(d // 16):
                zbuf[r, pl.ds(k * 16, 16)] = jnp.zeros((16,), jnp.float32)
            return carry

        lax.fori_loop(0, C, zrow, 0)

        def zero_acc():
            for k in range(RPT // C):
                pltpu.sync_copy(zbuf, acc.at[pl.ds(s * RPT + k * C, C)])

        def make_ops(y_hbm):
            def gather(j, b):
                pltpu.async_copy(y_hbm.at[src_v.at[j]], bufs[b], gsem[b])

            def gather_wait(j, b):
                pltpu.make_async_copy(y_hbm.at[src_v.at[j]], bufs[b],
                                      gsem[b]).wait()

            def scatter(j, b):
                pltpu.async_copy(bufs[b], acc.at[dst_v.at[j]], ssem[b],
                                 add=True)

            def scatter_wait(j, b):
                pltpu.make_async_copy(bufs[b], acc.at[dst_v.at[j]],
                                      ssem[b]).wait()

            return gather, gather_wait, scatter, scatter_wait

        def prime(y_hbm):
            gather, _, _, _ = make_ops(y_hbm)
            gather(0, 0)
            gather(1, 1)

        def ring(y_hbm):
            gather, gather_wait, scatter, scatter_wait = make_ops(y_hbm)
            gather_wait(0, 0)
            scatter(0, 0)
            gather(2, 2)
            gather_wait(1, 1)
            scatter(1, 1)
            gather(3, 3)

            def body(i, carry):
                j0 = 2 + i * 4
                for t in range(4):
                    j = j0 + t
                    b = (2 + t) % 4
                    gather_wait(j, b)
                    scatter(j, b)
                    scatter_wait(j - 2, (b + 2) % 4)
                    gather(j + 2, (b + 2) % 4)
                return carry

            lax.fori_loop(0, (CHUNKS - 2) // 4, body, 0)
            scatter_wait(CHUNKS - 2, (CHUNKS - 2) % 4)
            scatter_wait(CHUNKS - 1, (CHUNKS - 1) % 4)
            gather_wait(CHUNKS, CHUNKS % 4)
            gather_wait(CHUNKS + 1, (CHUNKS + 1) % 4)

        for p in range(npass):
            prime(ys[p])
            if p > 0:
                plsc.subcore_barrier()
                pltpu.sync_copy(acc.at[pl.ds(s * RPT, RPT)],
                                outs[p - 1].at[c, pl.ds(s * RPT, RPT)])
            zero_acc()
            plsc.subcore_barrier()
            ring(ys[p])
        plsc.subcore_barrier()
        pltpu.sync_copy(acc.at[pl.ds(s * RPT, RPT)],
                        outs[npass - 1].at[c, pl.ds(s * RPT, RPT)])

    return _sc_agg


_sc_agg_l1 = _make_sc_agg(DOUT, 2)
_sc_agg_l2 = _make_sc_agg(DOUT, 1)


_BR = 1024


_DHH = DH // 2


def _tc_a_body(x_ref, w_ref, d_ref, oa_ref, ob_ref):
    deg = d_ref[:, 0:1] + d_ref[:, 1:2] + 1.0
    dinv = lax.rsqrt(deg)
    xw = jnp.dot(x_ref[...], w_ref[...], preferred_element_type=jnp.float32)
    y = xw * dinv
    oa_ref[...] = y[:, :_DHH]
    ob_ref[...] = y[:, _DHH:]


def _tc_a(x_pad, w1, degt):
    return pl.pallas_call(
        _tc_a_body,
        grid=(NP // _BR,),
        in_specs=[
            pl.BlockSpec((_BR, DIN), lambda i: (i, 0)),
            pl.BlockSpec((DIN, DH), lambda i: (0, 0)),
            pl.BlockSpec((_BR, NC), lambda i: (i, 0)),
        ],
        out_specs=[
            pl.BlockSpec((_BR, _DHH), lambda i: (i, 0)),
            pl.BlockSpec((_BR, _DHH), lambda i: (i, 0)),
        ],
        out_shape=[
            jax.ShapeDtypeStruct((NP, _DHH), jnp.float32),
            jax.ShapeDtypeStruct((NP, _DHH), jnp.float32),
        ],
    )(x_pad, w1, degt)


def _tc_b_body(pa_ref, pb_ref, ya_ref, yb_ref, d_ref, b_ref, w_ref, o_ref):
    deg = d_ref[:, 0:1] + d_ref[:, 1:2] + 1.0
    dinv = lax.rsqrt(deg)
    agga = pa_ref[0] + pa_ref[1] + ya_ref[...]
    aggb = pb_ref[0] + pb_ref[1] + yb_ref[...]
    ha = jnp.maximum(agga * dinv + b_ref[:, :_DHH], 0.0)
    hb = jnp.maximum(aggb * dinv + b_ref[:, _DHH:], 0.0)
    hw = (jnp.dot(ha, w_ref[:_DHH, :], preferred_element_type=jnp.float32)
          + jnp.dot(hb, w_ref[_DHH:, :], preferred_element_type=jnp.float32))
    o_ref[...] = hw * dinv


def _tc_b(p1a, p1b, y1a, y1b, degt, b1, w2):
    return pl.pallas_call(
        _tc_b_body,
        grid=(NP // _BR,),
        in_specs=[
            pl.BlockSpec((NC, _BR, _DHH), lambda i: (0, i, 0)),
            pl.BlockSpec((NC, _BR, _DHH), lambda i: (0, i, 0)),
            pl.BlockSpec((_BR, _DHH), lambda i: (i, 0)),
            pl.BlockSpec((_BR, _DHH), lambda i: (i, 0)),
            pl.BlockSpec((_BR, NC), lambda i: (i, 0)),
            pl.BlockSpec((1, DH), lambda i: (0, 0)),
            pl.BlockSpec((DH, DOUT), lambda i: (0, 0)),
        ],
        out_specs=pl.BlockSpec((_BR, DOUT), lambda i: (i, 0)),
        out_shape=jax.ShapeDtypeStruct((NP, DOUT), jnp.float32),
    )(p1a, p1b, y1a, y1b, degt, b1, w2)


_BRC = 1000


def _tc_c_body(p_ref, y_ref, d_ref, b_ref, o_ref):
    deg = d_ref[:, 0:1] + d_ref[:, 1:2] + 1.0
    dinv = lax.rsqrt(deg)
    agg = p_ref[0] + p_ref[1] + y_ref[...]
    o_ref[...] = agg * dinv + b_ref[...]


def _tc_c(p2, y2, degt, b2):
    return pl.pallas_call(
        _tc_c_body,
        grid=(N // _BRC,),
        in_specs=[
            pl.BlockSpec((NC, _BRC, DOUT), lambda i: (0, i, 0)),
            pl.BlockSpec((_BRC, DOUT), lambda i: (i, 0)),
            pl.BlockSpec((_BRC, NC), lambda i: (i, 0)),
            pl.BlockSpec((1, DOUT), lambda i: (0, 0)),
        ],
        out_specs=pl.BlockSpec((_BRC, DOUT), lambda i: (i, 0)),
        out_shape=jax.ShapeDtypeStruct((N, DOUT), jnp.float32),
    )(p2, y2, degt, b2)


def kernel(x, edge_index, W1, b1, W2, b2):
    src = edge_index[0]
    dst = edge_index[1]
    fill = jnp.full((EPT - E,), N, dtype=jnp.int32)
    src_p = jnp.concatenate([src, fill]).reshape(NW, CHUNKS, C)
    dst_p = jnp.concatenate([dst, fill]).reshape(NW, CHUNKS, C)
    degp = _sc_deg(dst_p)
    degt = degp.T
    y1a, y1b = _tc_a(x, W1, degt)
    p1a, p1b = _sc_agg_l1(y1a, y1b, src_p, dst_p)
    y2 = _tc_b(p1a, p1b, y1a, y1b, degt, b1.reshape(1, DH), W2)
    (p2,) = _sc_agg_l2(y2, src_p, dst_p)
    out = _tc_c(p2, y2, degt, b2.reshape(1, DOUT))
    return out

# --- scband reference (transcript-rebuilt; emitter-appended) ---
"""Pipeline reference for scband-gnnmodel-80023830659516 (READ-ONLY COPY).

The authoritative reference and input builder live on the scoring server;
editing this copy changes nothing except your own understanding.
"""

import jax, jax.numpy as jnp
import numpy as np


def _gcn_conv(x, edge_index, W, b):
    # Faithful PyG GCNConv: add self-loops, symmetric normalization D^-1/2 (A+I) D^-1/2 X W + b
    n = x.shape[0]
    src = edge_index[0]
    dst = edge_index[1]
    loop = jnp.arange(n, dtype=edge_index.dtype)
    src = jnp.concatenate([src, loop])
    dst = jnp.concatenate([dst, loop])
    deg = jnp.zeros((n,), dtype=x.dtype).at[dst].add(1.0)
    dinv = jnp.where(deg > 0, jax.lax.rsqrt(jnp.maximum(deg, 1e-12)), 0.0)
    norm = dinv[src] * dinv[dst]
    xw = x @ W
    msgs = xw[src] * norm[:, None]
    out = jax.ops.segment_sum(msgs, dst, num_segments=n)
    return out + b


def setup_inputs(seed: int = 0) -> dict:
    key = jax.random.key(seed)
    k0, k1, k2, k3 = jax.random.split(key, 4)
    n, e = 10000, 640000
    din, dh, dout = 128, 128, 64
    x = jax.random.normal(k0, (n, din), dtype=jnp.float32)
    edge_index = jax.random.randint(k1, (2, e), 0, n, dtype=jnp.int32)
    W1 = jax.random.normal(k2, (din, dh), dtype=jnp.float32) * (1.0 / np.sqrt(din))
    b1 = jnp.zeros((dh,), dtype=jnp.float32)
    W2 = jax.random.normal(k3, (dh, dout), dtype=jnp.float32) * (1.0 / np.sqrt(dh))
    b2 = jnp.zeros((dout,), dtype=jnp.float32)
    return {"x": x, "edge_index": edge_index, "W1": W1, "b1": b1, "W2": W2, "b2": b2}


def reference(x, edge_index, W1, b1, W2, b2):
    h = jax.nn.relu(_gcn_conv(x, edge_index, W1, b1))
    out = _gcn_conv(h, edge_index, W2, b2)
    return out

if __name__ == "__main__":
    import jax
    _d = setup_inputs()
    print(jax.jit(kernel)(*tuple(_d.values())))

</pallas_src>

<mosaic_0001>
#map = affine_map<(d0, d1) -> (0, 0, 0)>
#map1 = affine_map<(d0, d1) -> (0, 0)>
module attributes {stable_mosaic.version = 14 : i64} {
  func.func @_sc_deg(%arg0: i32, %arg1: i32, %arg2: memref<32x158x128xi32, #tpu.memory_space<hbm>>, %arg3: memref<2x10240xf32, #tpu.memory_space<hbm>>, %arg4: memref<158x128xi32, #tpu.memory_space<vmem>>, %arg5: memref<128xf32, #tpu.memory_space<vmem>>, %arg6: memref<128xf32, #tpu.memory_space<vmem>>, %arg7: memref<10240xf32, #tpu.memory_space<vmem_shared>>) attributes {dimension_semantics = [#tpu.dimension_semantics<core_parallel>, #tpu.dimension_semantics<subcore_parallel>], iteration_bounds = array<i64: 2, 16>, scalar_prefetch = 0 : i64, scratch_operands = 4 : i64, tpu.core_type = #tpu.core_type<sc_vector_subcore>, window_params = [{transform_indices = #map}, {transform_indices = #map1}]} {
    %mul3A = arith.constant 2 : i32
    %mul3A_0 = arith.muli %arg1, %mul3A : i32
    %add3A = arith.addi %mul3A_0, %arg0 : i32
    "tpu.region"() ({
      %run_scoped3A = tpu.sem_alloc : memref<!tpu.dma_semaphore, #tpu.memory_space<semaphore_mem>>
      %dma_start3A = arith.constant 0 : i32
      %dma_start3A_125 = arith.constant 0 : i32
      %dma_start3A_126 = tpu.memref_slice %arg2[%add3A, %dma_start3A, %dma_start3A_125] : memref<32x158x128xi32, #tpu.memory_space<hbm>> -> memref<1x158x128xi32, #tpu.memory_space<hbm>>
      %dma_start3A_127 = tpu.memref_squeeze %dma_start3A_126 : memref<1x158x128xi32, #tpu.memory_space<hbm>> -> memref<158x128xi32, #tpu.memory_space<hbm>>
      %dma_start3A_128 = arith.constant 0 : i32
      %dma_start3A_129 = arith.constant 0 : i32
      %dma_start3A_130 = tpu.memref_slice %arg2[%add3A, %dma_start3A_128, %dma_start3A_129] : memref<32x158x128xi32, #tpu.memory_space<hbm>> -> memref<1x158x128xi32, #tpu.memory_space<hbm>>
      %dma_start3A_131 = tpu.memref_squeeze %dma_start3A_130 : memref<1x158x128xi32, #tpu.memory_space<hbm>> -> memref<158x128xi32, #tpu.memory_space<hbm>>
      tpu.enqueue_dma source(%dma_start3A_131 : memref<158x128xi32, #tpu.memory_space<hbm>>) target(%arg4 : memref<158x128xi32, #tpu.memory_space<vmem>>) target_semaphore(%run_scoped3A : memref<!tpu.dma_semaphore, #tpu.memory_space<semaphore_mem>>)
      %dma_wait3A = arith.constant 0 : i32
      %dma_wait3A_132 = arith.constant 0 : i32
      %dma_wait3A_133 = tpu.memref_slice %arg2[%add3A, %dma_wait3A, %dma_wait3A_132] : memref<32x158x128xi32, #tpu.memory_space<hbm>> -> memref<1x158x128xi32, #tpu.memory_space<hbm>>
      %dma_wait3A_134 = tpu.memref_squeeze %dma_wait3A_133 : memref<1x158x128xi32, #tpu.memory_space<hbm>> -> memref<158x128xi32, #tpu.memory_space<hbm>>
      %dma_wait3A_135 = arith.constant 0 : i32
      %dma_wait3A_136 = arith.constant 0 : i32
      %dma_wait3A_137 = tpu.memref_slice %arg2[%add3A, %dma_wait3A_135, %dma_wait3A_136] : memref<32x158x128xi32, #tpu.memory_space<hbm>> -> memref<1x158x128xi32, #tpu.memory_space<hbm>>
      %dma_wait3A_138 = tpu.memref_squeeze %dma_wait3A_137 : memref<1x158x128xi32, #tpu.memory_space<hbm>> -> memref<158x128xi32, #tpu.memory_space<hbm>>
      tpu.wait_dma2 semaphore(%run_scoped3A : memref<!tpu.dma_semaphore, #tpu.memory_space<semaphore_mem>>) src(%dma_wait3A_138 : memref<158x128xi32, #tpu.memory_space<hbm>>) dst(%arg4 : memref<158x128xi32, #tpu.memory_space<vmem>>)
      tpu.yield
    }) : () -> ()
    %broadcast_in_dim3A = arith.constant 1.000000e+00 : f32
    %broadcast_in_dim3A_1 = vector.broadcast %broadcast_in_dim3A : f32 to vector<16xf32>
    %swap3A = arith.constant 0 : index
    %swap3A_2 = tpu.vector_load %arg5[%swap3A] {strides = array<i32>} : memref<128xf32, #tpu.memory_space<vmem>>, vector<16xf32>,
    %swap3A_3 = vector.shape_cast %swap3A_2 : vector<16xf32> to vector<16xf32>
    %swap3A_4 = vector.shape_cast %broadcast_in_dim3A_1 : vector<16xf32> to vector<16xf32>
    tpu.vector_store %arg5[%swap3A], %swap3A_4 {strides = array<i32>} : memref<128xf32, #tpu.memory_space<vmem>>, vector<16xf32>,
    %broadcast_in_dim3A_5 = arith.constant 0.000000e+00 : f32
    %broadcast_in_dim3A_6 = vector.broadcast %broadcast_in_dim3A_5 : f32 to vector<16xf32>
    %swap3A_7 = arith.constant 0 : index
    %swap3A_8 = tpu.vector_load %arg6[%swap3A_7] {strides = array<i32>} : memref<128xf32, #tpu.memory_space<vmem>>, vector<16xf32>,
    %swap3A_9 = vector.shape_cast %swap3A_8 : vector<16xf32> to vector<16xf32>
    %swap3A_10 = vector.shape_cast %broadcast_in_dim3A_6 : vector<16xf32> to vector<16xf32>
    tpu.vector_store %arg6[%swap3A_7], %swap3A_10 {strides = array<i32>} : memref<128xf32, #tpu.memory_space<vmem>>, vector<16xf32>,
    %broadcast_in_dim3A_11 = arith.constant 1.000000e+00 : f32
    %broadcast_in_dim3A_12 = vector.broadcast %broadcast_in_dim3A_11 : f32 to vector<16xf32>
    %swap3A_13 = arith.constant 16 : index
    %swap3A_14 = tpu.vector_load %arg5[%swap3A_13] {strides = array<i32>} : memref<128xf32, #tpu.memory_space<vmem>>, vector<16xf32>,
    %swap3A_15 = vector.shape_cast %swap3A_14 : vector<16xf32> to vector<16xf32>
    %swap3A_16 = vector.shape_cast %broadcast_in_dim3A_12 : vector<16xf32> to vector<16xf32>
    tpu.vector_store %arg5[%swap3A_13], %swap3A_16 {strides = array<i32>} : memref<128xf32, #tpu.memory_space<vmem>>, vector<16xf32>,
    %broadcast_in_dim3A_17 = arith.constant 0.000000e+00 : f32
    %broadcast_in_dim3A_18 = vector.broadcast %broadcast_in_dim3A_17 : f32 to vector<16xf32>
    %swap3A_19 = arith.constant 16 : index
    %swap3A_20 = tpu.vector_load %arg6[%swap3A_19] {strides = array<i32>} : memref<128xf32, #tpu.memory_space<vmem>>, vector<16xf32>,
    %swap3A_21 = vector.shape_cast %swap3A_20 : vector<16xf32> to vector<16xf32>
    %swap3A_22 = vector.shape_cast %broadcast_in_dim3A_18 : vector<16xf32> to vector<16xf32>
    tpu.vector_store %arg6[%swap3A_19], %swap3A_22 {strides = array<i32>} : memref<128xf32, #tpu.memory_space<vmem>>, vector<16xf32>,
    %broadcast_in_dim3A_23 = arith.constant 1.000000e+00 : f32
    %broadcast_in_dim3A_24 = vector.broadcast %broadcast_in_dim3A_23 : f32 to vector<16xf32>
    %swap3A_25 = arith.constant 32 : index
    %swap3A_26 = tpu.vector_load %arg5[%swap3A_25] {strides = array<i32>} : memref<128xf32, #tpu.memory_space<vmem>>, vector<16xf32>,
    %swap3A_27 = vector.shape_cast %swap3A_26 : vector<16xf32> to vector<16xf32>
    %swap3A_28 = vector.shape_cast %broadcast_in_dim3A_24 : vector<16xf32> to vector<16xf32>
    tpu.vector_store %arg5[%swap3A_25], %swap3A_28 {strides = array<i32>} : memref<128xf32, #tpu.memory_space<vmem>>, vector<16xf32>,
    %broadcast_in_dim3A_29 = arith.constant 0.000000e+00 : f32
    %broadcast_in_dim3A_30 = vector.broadcast %broadcast_in_dim3A_29 : f32 to vector<16xf32>
    %swap3A_31 = arith.constant 32 : index
    %swap3A_32 = tpu.vector_load %arg6[%swap3A_31] {strides = array<i32>} : memref<128xf32, #tpu.memory_space<vmem>>, vector<16xf32>,
    %swap3A_33 = vector.shape_cast %swap3A_32 : vector<16xf32> to vector<16xf32>
    %swap3A_34 = vector.shape_cast %broadcast_in_dim3A_30 : vector<16xf32> to vector<16xf32>
    tpu.vector_store %arg6[%swap3A_31], %swap3A_34 {strides = array<i32>} : memref<128xf32, #tpu.memory_space<vmem>>, vector<16xf32>,
    %broadcast_in_dim3A_35 = arith.constant 1.000000e+00 : f32
    %broadcast_in_dim3A_36 = vector.broadcast %broadcast_in_dim3A_35 : f32 to vector<16xf32>
    %swap3A_37 = arith.constant 48 : index
    %swap3A_38 = tpu.vector_load %arg5[%swap3A_37] {strides = array<i32>} : memref<128xf32, #tpu.memory_space<vmem>>, vector<16xf32>,
    %swap3A_39 = vector.shape_cast %swap3A_38 : vector<16xf32> to vector<16xf32>
    %swap3A_40 = vector.shape_cast %broadcast_in_dim3A_36 : vector<16xf32> to vector<16xf32>
    tpu.vector_store %arg5[%swap3A_37], %swap3A_40 {strides = array<i32>} : memref<128xf32, #tpu.memory_space<vmem>>, vector<16xf32>,
    %broadcast_in_dim3A_41 = arith.constant 0.000000e+00 : f32
    %broadcast_in_dim3A_42 = vector.broadcast %broadcast_in_dim3A_41 : f32 to vector<16xf32>
    %swap3A_43 = arith.constant 48 : index
    %swap3A_44 = tpu.vector_load %arg6[%swap3A_43] {strides = array<i32>} : memref<128xf32, #tpu.memory_space<vmem>>, vector<16xf32>,
    %swap3A_45 = vector.shape_cast %swap3A_44 : vector<16xf32> to vector<16xf32>
    %swap3A_46 = vector.shape_cast %broadcast_in_dim3A_42 : vector<16xf32> to vector<16xf32>
    tpu.vector_store %arg6[%swap3A_43], %swap3A_46 {strides = array<i32>} : memref<128xf32, #tpu.memory_space<vmem>>, vector<16xf32>,
    %broadcast_in_dim3A_47 = arith.constant 1.000000e+00 : f32
    %broadcast_in_dim3A_48 = vector.broadcast %broadcast_in_dim3A_47 : f32 to vector<16xf32>
    %swap3A_49 = arith.constant 64 : index
    %swap3A_50 = tpu.vector_load %arg5[%swap3A_49] {strides = array<i32>} : memref<128xf32, #tpu.memory_space<vmem>>, vector<16xf32>,
    %swap3A_51 = vector.shape_cast %swap3A_50 : vector<16xf32> to vector<16xf32>
    %swap3A_52 = vector.shape_cast %broadcast_in_dim3A_48 : vector<16xf32> to vector<16xf32>
    tpu.vector_store %arg5[%swap3A_49], %swap3A_52 {strides = array<i32>} : memref<128xf32, #tpu.memory_space<vmem>>, vector<16xf32>,
    %broadcast_in_dim3A_53 = arith.constant 0.000000e+00 : f32
    %broadcast_in_dim3A_54 = vector.broadcast %broadcast_in_dim3A_53 : f32 to vector<16xf32>
    %swap3A_55 = arith.constant 64 : index
    %swap3A_56 = tpu.vector_load %arg6[%swap3A_55] {strides = array<i32>} : memref<128xf32, #tpu.memory_space<vmem>>, vector<16xf32>,
    %swap3A_57 = vector.shape_cast %swap3A_56 : vector<16xf32> to vector<16xf32>
    %swap3A_58 = vector.shape_cast %broadcast_in_dim3A_54 : vector<16xf32> to vector<16xf32>
    tpu.vector_store %arg6[%swap3A_55], %swap3A_58 {strides = array<i32>} : memref<128xf32, #tpu.memory_space<vmem>>, vector<16xf32>,
    %broadcast_in_dim3A_59 = arith.constant 1.000000e+00 : f32
    %broadcast_in_dim3A_60 = vector.broadcast %broadcast_in_dim3A_59 : f32 to vector<16xf32>
    %swap3A_61 = arith.constant 80 : index
    %swap3A_62 = tpu.vector_load %arg5[%swap3A_61] {strides = array<i32>} : memref<128xf32, #tpu.memory_space<vmem>>, vector<16xf32>,
    %swap3A_63 = vector.shape_cast %swap3A_62 : vector<16xf32> to vector<16xf32>
    %swap3A_64 = vector.shape_cast %broadcast_in_dim3A_60 : vector<16xf32> to vector<16xf32>
    tpu.vector_store %arg5[%swap3A_61], %swap3A_64 {strides = array<i32>} : memref<128xf32, #tpu.memory_space<vmem>>, vector<16xf32>,
    %broadcast_in_dim3A_65 = arith.constant 0.000000e+00 : f32
    %broadcast_in_dim3A_66 = vector.broadcast %broadcast_in_dim3A_65 : f32 to vector<16xf32>
    %swap3A_67 = arith.constant 80 : index
    %swap3A_68 = tpu.vector_load %arg6[%swap3A_67] {strides = array<i32>} : memref<128xf32, #tpu.memory_space<vmem>>, vector<16xf32>,
    %swap3A_69 = vector.shape_cast %swap3A_68 : vector<16xf32> to vector<16xf32>
    %swap3A_70 = vector.shape_cast %broadcast_in_dim3A_66 : vector<16xf32> to vector<16xf32>
    tpu.vector_store %arg6[%swap3A_67], %swap3A_70 {strides = array<i32>} : memref<128xf32, #tpu.memory_space<vmem>>, vector<16xf32>,
    %broadcast_in_dim3A_71 = arith.constant 1.000000e+00 : f32
    %broadcast_in_dim3A_72 = vector.broadcast %broadcast_in_dim3A_71 : f32 to vector<16xf32>
    %swap3A_73 = arith.constant 96 : index
    %swap3A_74 = tpu.vector_load %arg5[%swap3A_73] {strides = array<i32>} : memref<128xf32, #tpu.memory_space<vmem>>, vector<16xf32>,
    %swap3A_75 = vector.shape_cast %swap3A_74 : vector<16xf32> to vector<16xf32>
    %swap3A_76 = vector.shape_cast %broadcast_in_dim3A_72 : vector<16xf32> to vector<16xf32>
    tpu.vector_store %arg5[%swap3A_73], %swap3A_76 {strides = array<i32>} : memref<128xf32, #tpu.memory_space<vmem>>, vector<16xf32>,
    %broadcast_in_dim3A_77 = arith.constant 0.000000e+00 : f32
    %broadcast_in_dim3A_78 = vector.broadcast %broadcast_in_dim3A_77 : f32 to vector<16xf32>
    %swap3A_79 = arith.constant 96 : index
    %swap3A_80 = tpu.vector_load %arg6[%swap3A_79] {strides = array<i32>} : memref<128xf32, #tpu.memory_space<vmem>>, vector<16xf32>,
    %swap3A_81 = vector.shape_cast %swap3A_80 : vector<16xf32> to vector<16xf32>
    %swap3A_82 = vector.shape_cast %broadcast_in_dim3A_78 : vector<16xf32> to vector<16xf32>
    tpu.vector_store %arg6[%swap3A_79], %swap3A_82 {strides = array<i32>} : memref<128xf32, #tpu.memory_space<vmem>>, vector<16xf32>,
    %broadcast_in_dim3A_83 = arith.constant 1.000000e+00 : f32
    %broadcast_in_dim3A_84 = vector.broadcast %broadcast_in_dim3A_83 : f32 to vector<16xf32>
    %swap3A_85 = arith.constant 112 : index
    %swap3A_86 = tpu.vector_load %arg5[%swap3A_85] {strides = array<i32>} : memref<128xf32, #tpu.memory_space<vmem>>, vector<16xf32>,
    %swap3A_87 = vector.shape_cast %swap3A_86 : vector<16xf32> to vector<16xf32>
    %swap3A_88 = vector.shape_cast %broadcast_in_dim3A_84 : vector<16xf32> to vector<16xf32>
    tpu.vector_store %arg5[%swap3A_85], %swap3A_88 {strides = array<i32>} : memref<128xf32, #tpu.memory_space<vmem>>, vector<16xf32>,
    %broadcast_in_dim3A_89 = arith.constant 0.000000e+00 : f32
    %broadcast_in_dim3A_90 = vector.broadcast %broadcast_in_dim3A_89 : f32 to vector<16xf32>
    %swap3A_91 = arith.constant 112 : index
    %swap3A_92 = tpu.vector_load %arg6[%swap3A_91] {strides = array<i32>} : memref<128xf32, #tpu.memory_space<vmem>>, vector<16xf32>,
    %swap3A_93 = vector.shape_cast %swap3A_92 : vector<16xf32> to vector<16xf32>
    %swap3A_94 = vector.shape_cast %broadcast_in_dim3A_90 : vector<16xf32> to vector<16xf32>
    tpu.vector_store %arg6[%swap3A_91], %swap3A_94 {strides = array<i32>} : memref<128xf32, #tpu.memory_space<vmem>>, vector<16xf32>,
    %mul3A_95 = arith.constant 640 : i32
    %mul3A_96 = arith.muli %arg1, %mul3A_95 : i32
    %add3A_97 = arith.constant 0 : i32
    %add3A_98 = arith.addi %mul3A_96, %add3A_97 : i32
    "tpu.region"() ({
      %run_scoped3A = tpu.sem_alloc : memref<!tpu.dma_semaphore, #tpu.memory_space<semaphore_mem>>
      %dma_start3A = tpu.memref_slice %arg7[%add3A_98] : memref<10240xf32, #tpu.memory_space<vmem_shared>> -> memref<128xf32, #tpu.memory_space<vmem_shared>>
      %dma_start3A_125 = tpu.memref_slice %arg7[%add3A_98] : memref<10240xf32, #tpu.memory_space<vmem_shared>> -> memref<128xf32, #tpu.memory_space<vmem_shared>>
      tpu.enqueue_dma source(%arg6 : memref<128xf32, #tpu.memory_space<vmem>>) target(%dma_start3A_125 : memref<128xf32, #tpu.memory_space<vmem_shared>>) target_semaphore(%run_scoped3A : memref<!tpu.dma_semaphore, #tpu.memory_space<semaphore_mem>>)
      %dma_wait3A = tpu.memref_slice %arg7[%add3A_98] : memref<10240xf32, #tpu.memory_space<vmem_shared>> -> memref<128xf32, #tpu.memory_space<vmem_shared>>
      %dma_wait3A_126 = tpu.memref_slice %arg7[%add3A_98] : memref<10240xf32, #tpu.memory_space<vmem_shared>> -> memref<128xf32, #tpu.memory_space<vmem_shared>>
      tpu.wait_dma2 semaphore(%run_scoped3A : memref<!tpu.dma_semaphore, #tpu.memory_space<semaphore_mem>>) src(%arg6 : memref<128xf32, #tpu.memory_space<vmem>>) dst(%dma_wait3A_126 : memref<128xf32, #tpu.memory_space<vmem_shared>>)
      tpu.yield
    }) : () -> ()
    %mul3A_99 = arith.constant 640 : i32
    %mul3A_100 = arith.muli %arg1, %mul3A_99 : i32
    %add3A_101 = arith.constant 128 : i32
    %add3A_102 = arith.addi %mul3A_100, %add3A_101 : i32
    "tpu.region"() ({
      %run_scoped3A = tpu.sem_alloc : memref<!tpu.dma_semaphore, #tpu.memory_space<semaphore_mem>>
      %dma_start3A = tpu.memref_slice %arg7[%add3A_102] : memref<10240xf32, #tpu.memory_space<vmem_shared>> -> memref<128xf32, #tpu.memory_space<vmem_shared>>
      %dma_start3A_125 = tpu.memref_slice %arg7[%add3A_102] : memref<10240xf32, #tpu.memory_space<vmem_shared>> -> memref<128xf32, #tpu.memory_space<vmem_shared>>
      tpu.enqueue_dma source(%arg6 : memref<128xf32, #tpu.memory_space<vmem>>) target(%dma_start3A_125 : memref<128xf32, #tpu.memory_space<vmem_shared>>) target_semaphore(%run_scoped3A : memref<!tpu.dma_semaphore, #tpu.memory_space<semaphore_mem>>)
      %dma_wait3A = tpu.memref_slice %arg7[%add3A_102] : memref<10240xf32, #tpu.memory_space<vmem_shared>> -> memref<128xf32, #tpu.memory_space<vmem_shared>>
      %dma_wait3A_126 = tpu.memref_slice %arg7[%add3A_102] : memref<10240xf32, #tpu.memory_space<vmem_shared>> -> memref<128xf32, #tpu.memory_space<vmem_shared>>
      tpu.wait_dma2 semaphore(%run_scoped3A : memref<!tpu.dma_semaphore, #tpu.memory_space<semaphore_mem>>) src(%arg6 : memref<128xf32, #tpu.memory_space<vmem>>) dst(%dma_wait3A_126 : memref<128xf32, #tpu.memory_space<vmem_shared>>)
      tpu.yield
    }) : () -> ()
    %mul3A_103 = arith.constant 640 : i32
    %mul3A_104 = arith.muli %arg1, %mul3A_103 : i32
    %add3A_105 = arith.constant 256 : i32
    %add3A_106 = arith.addi %mul3A_104, %add3A_105 : i32
    "tpu.region"() ({
      %run_scoped3A = tpu.sem_alloc : memref<!tpu.dma_semaphore, #tpu.memory_space<semaphore_mem>>
      %dma_start3A = tpu.memref_slice %arg7[%add3A_106] : memref<10240xf32, #tpu.memory_space<vmem_shared>> -> memref<128xf32, #tpu.memory_space<vmem_shared>>
      %dma_start3A_125 = tpu.memref_slice %arg7[%add3A_106] : memref<10240xf32, #tpu.memory_space<vmem_shared>> -> memref<128xf32, #tpu.memory_space<vmem_shared>>
      tpu.enqueue_dma source(%arg6 : memref<128xf32, #tpu.memory_space<vmem>>) target(%dma_start3A_125 : memref<128xf32, #tpu.memory_space<vmem_shared>>) target_semaphore(%run_scoped3A : memref<!tpu.dma_semaphore, #tpu.memory_space<semaphore_mem>>)
      %dma_wait3A = tpu.memref_slice %arg7[%add3A_106] : memref<10240xf32, #tpu.memory_space<vmem_shared>> -> memref<128xf32, #tpu.memory_space<vmem_shared>>
      %dma_wait3A_126 = tpu.memref_slice %arg7[%add3A_106] : memref<10240xf32, #tpu.memory_space<vmem_shared>> -> memref<128xf32, #tpu.memory_space<vmem_shared>>
      tpu.wait_dma2 semaphore(%run_scoped3A : memref<!tpu.dma_semaphore, #tpu.memory_space<semaphore_mem>>) src(%arg6 : memref<128xf32, #tpu.memory_space<vmem>>) dst(%dma_wait3A_126 : memref<128xf32, #tpu.memory_space<vmem_shared>>)
      tpu.yield
    }) : () -> ()
    %mul3A_107 = arith.constant 640 : i32
    %mul3A_108 = arith.muli %arg1, %mul3A_107 : i32
    %add3A_109 = arith.constant 384 : i32
    %add3A_110 = arith.addi %mul3A_108, %add3A_109 : i32
    "tpu.region"() ({
      %run_scoped3A = tpu.sem_alloc : memref<!tpu.dma_semaphore, #tpu.memory_space<semaphore_mem>>
      %dma_start3A = tpu.memref_slice %arg7[%add3A_110] : memref<10240xf32, #tpu.memory_space<vmem_shared>> -> memref<128xf32, #tpu.memory_space<vmem_shared>>
      %dma_start3A_125 = tpu.memref_slice %arg7[%add3A_110] : memref<10240xf32, #tpu.memory_space<vmem_shared>> -> memref<128xf32, #tpu.memory_space<vmem_shared>>
      tpu.enqueue_dma source(%arg6 : memref<128xf32, #tpu.memory_space<vmem>>) target(%dma_start3A_125 : memref<128xf32, #tpu.memory_space<vmem_shared>>) target_semaphore(%run_scoped3A : memref<!tpu.dma_semaphore, #tpu.memory_space<semaphore_mem>>)
      %dma_wait3A = tpu.memref_slice %arg7[%add3A_110] : memref<10240xf32, #tpu.memory_space<vmem_shared>> -> memref<128xf32, #tpu.memory_space<vmem_shared>>
      %dma_wait3A_126 = tpu.memref_slice %arg7[%add3A_110] : memref<10240xf32, #tpu.memory_space<vmem_shared>> -> memref<128xf32, #tpu.memory_space<vmem_shared>>
      tpu.wait_dma2 semaphore(%run_scoped3A : memref<!tpu.dma_semaphore, #tpu.memory_space<semaphore_mem>>) src(%arg6 : memref<128xf32, #tpu.memory_space<vmem>>) dst(%dma_wait3A_126 : memref<128xf32, #tpu.memory_space<vmem_shared>>)
      tpu.yield
    }) : () -> ()
    %mul3A_111 = arith.constant 640 : i32
    %mul3A_112 = arith.muli %arg1, %mul3A_111 : i32
    %add3A_113 = arith.constant 512 : i32
    %add3A_114 = arith.addi %mul3A_112, %add3A_113 : i32
    "tpu.region"() ({
      %run_scoped3A = tpu.sem_alloc : memref<!tpu.dma_semaphore, #tpu.memory_space<semaphore_mem>>
      %dma_start3A = tpu.memref_slice %arg7[%add3A_114] : memref<10240xf32, #tpu.memory_space<vmem_shared>> -> memref<128xf32, #tpu.memory_space<vmem_shared>>
      %dma_start3A_125 = tpu.memref_slice %arg7[%add3A_114] : memref<10240xf32, #tpu.memory_space<vmem_shared>> -> memref<128xf32, #tpu.memory_space<vmem_shared>>
      tpu.enqueue_dma source(%arg6 : memref<128xf32, #tpu.memory_space<vmem>>) target(%dma_start3A_125 : memref<128xf32, #tpu.memory_space<vmem_shared>>) target_semaphore(%run_scoped3A : memref<!tpu.dma_semaphore, #tpu.memory_space<semaphore_mem>>)
      %dma_wait3A = tpu.memref_slice %arg7[%add3A_114] : memref<10240xf32, #tpu.memory_space<vmem_shared>> -> memref<128xf32, #tpu.memory_space<vmem_shared>>
      %dma_wait3A_126 = tpu.memref_slice %arg7[%add3A_114] : memref<10240xf32, #tpu.memory_space<vmem_shared>> -> memref<128xf32, #tpu.memory_space<vmem_shared>>
      tpu.wait_dma2 semaphore(%run_scoped3A : memref<!tpu.dma_semaphore, #tpu.memory_space<semaphore_mem>>) src(%arg6 : memref<128xf32, #tpu.memory_space<vmem>>) dst(%dma_wait3A_126 : memref<128xf32, #tpu.memory_space<vmem_shared>>)
      tpu.yield
    }) : () -> ()
    %barrier3A = arith.constant 0 : index
    tpu.barrier barrier_id(%barrier3A)
    %scan3A = arith.constant 0 : i32
    %scan3A_115 = arith.constant 0 : i32
    %scan3A_116 = arith.constant 158 : i32
    %scan3A_117 = arith.addi %scan3A_115, %scan3A_116 : i32
    %scan3A_118 = arith.constant 1 : i32
    scf.for %scan3A_125 = %scan3A_115 to %scan3A_117 step %scan3A_118  : i32 {
      "tpu.region"() ({
        %run_scoped3A = tpu.sem_alloc : memref<!tpu.dma_semaphore, #tpu.memory_space<semaphore_mem>>
        %dma_start3A = arith.constant 0 : i32
        %dma_start3A_126 = tpu.memref_slice %arg4[%scan3A_125, %dma_start3A] : memref<158x128xi32, #tpu.memory_space<vmem>> -> memref<1x128xi32, #tpu.memory_space<vmem>>
        %dma_start3A_127 = tpu.memref_squeeze %dma_start3A_126 : memref<1x128xi32, #tpu.memory_space<vmem>> -> memref<128xi32, #tpu.memory_space<vmem>>
        %dma_start3A_128 = arith.constant 0 : i32
        %dma_start3A_129 = tpu.memref_slice %arg7[%dma_start3A_128] : memref<10240xf32, #tpu.memory_space<vmem_shared>> -> memref<10240xf32, #tpu.memory_space<vmem_shared>>
        tpu.enqueue_indirect_dma source(%arg5 : memref<128xf32, #tpu.memory_space<vmem>>) target(%dma_start3A_129 : memref<10240xf32, #tpu.memory_space<vmem_shared>>) offsets(%dma_start3A_127 : memref<128xi32, #tpu.memory_space<vmem>>) semaphore(%run_scoped3A : memref<!tpu.dma_semaphore, #tpu.memory_space<semaphore_mem>>) {add = true}
        %dma_wait3A = arith.constant 0 : i32
        %dma_wait3A_130 = tpu.memref_slice %arg4[%scan3A_125, %dma_wait3A] : memref<158x128xi32, #tpu.memory_space<vmem>> -> memref<1x128xi32, #tpu.memory_space<vmem>>
        %dma_wait3A_131 = tpu.memref_squeeze %dma_wait3A_130 : memref<1x128xi32, #tpu.memory_space<vmem>> -> memref<128xi32, #tpu.memory_space<vmem>>
        %dma_wait3A_132 = arith.constant 0 : i32
        %dma_wait3A_133 = tpu.memref_slice %arg7[%dma_wait3A_132] : memref<10240xf32, #tpu.memory_space<vmem_shared>> -> memref<10240xf32, #tpu.memory_space<vmem_shared>>
        tpu.wait_indirect_dma semaphore(%run_scoped3A : memref<!tpu.dma_semaphore, #tpu.memory_space<semaphore_mem>>) src(%arg5 : memref<128xf32, #tpu.memory_space<vmem>>) dst(%dma_wait3A_133 : memref<10240xf32, #tpu.memory_space<vmem_shared>>)
        tpu.yield
      }) : () -> ()
    }
    %scan3A_119 = arith.constant 158 : i32
    %barrier3A_120 = arith.constant 0 : index
    tpu.barrier barrier_id(%barrier3A_120)
    %mul3A_121 = arith.constant 640 : i32
    %mul3A_122 = arith.muli %arg1, %mul3A_121 : i32
    %mul3A_123 = arith.constant 640 : i32
    %mul3A_124 = arith.muli %arg1, %mul3A_123 : i32
    "tpu.region"() ({
      %run_scoped3A = tpu.sem_alloc : memref<!tpu.dma_semaphore, #tpu.memory_space<semaphore_mem>>
      %dma_start3A = tpu.memref_slice %arg3[%arg0, %mul3A_124] : memref<2x10240xf32, #tpu.memory_space<hbm>> -> memref<1x640xf32, #tpu.memory_space<hbm>>
      %dma_start3A_125 = tpu.memref_squeeze %dma_start3A : memref<1x640xf32, #tpu.memory_space<hbm>> -> memref<640xf32, #tpu.memory_space<hbm>>
      %dma_start3A_126 = tpu.memref_slice %arg7[%mul3A_122] : memref<10240xf32, #tpu.memory_space<vmem_shared>> -> memref<640xf32, #tpu.memory_space<vmem_shared>>
      tpu.enqueue_dma source(%dma_start3A_126 : memref<640xf32, #tpu.memory_space<vmem_shared>>) target(%dma_start3A_125 : memref<640xf32, #tpu.memory_space<hbm>>) target_semaphore(%run_scoped3A : memref<!tpu.dma_semaphore, #tpu.memory_space<semaphore_mem>>)
      %dma_wait3A = tpu.memref_slice %arg3[%arg0, %mul3A_124] : memref<2x10240xf32, #tpu.memory_space<hbm>> -> memref<1x640xf32, #tpu.memory_space<hbm>>
      %dma_wait3A_127 = tpu.memref_squeeze %dma_wait3A : memref<1x640xf32, #tpu.memory_space<hbm>> -> memref<640xf32, #tpu.memory_space<hbm>>
      %dma_wait3A_128 = tpu.memref_slice %arg7[%mul3A_122] : memref<10240xf32, #tpu.memory_space<vmem_shared>> -> memref<640xf32, #tpu.memory_space<vmem_shared>>
      tpu.wait_dma2 semaphore(%run_scoped3A : memref<!tpu.dma_semaphore, #tpu.memory_space<semaphore_mem>>) src(%dma_wait3A_128 : memref<640xf32, #tpu.memory_space<vmem_shared>>) dst(%dma_wait3A_127 : memref<640xf32, #tpu.memory_space<hbm>>)
      tpu.yield
    }) : () -> ()
    return
  }
}

#map = affine_map<(d0, d1) -> (0, 0)>
#map1 = affine_map<(d0, d1) -> (0, 0, 0)>
module attributes {stable_mosaic.version = 14 : i64} {
  func.func @_sc_agg(%arg0: i32, %arg1: i32, %arg2: memref<10240x64xf32, #tpu.memory_space<hbm>>, %arg3: memref<32x158x128xi32, #tpu.memory_space<hbm>>, %arg4: memref<32x158x128xi32, #tpu.memory_space<hbm>>, %arg5: memref<2x10240x64xf32, #tpu.memory_space<hbm>>, %arg6: memref<160x128xi32, #tpu.memory_space<vmem>>, %arg7: memref<158x128xi32, #tpu.memory_space<vmem>>, %arg8: memref<128x64xf32, #tpu.memory_space<vmem>>, %arg9: memref<128x64xf32, #tpu.memory_space<vmem>>, %arg10: memref<128x64xf32, #tpu.memory_space<vmem>>, %arg11: memref<128x64xf32, #tpu.memory_space<vmem>>, %arg12: memref<128x64xf32, #tpu.memory_space<vmem>>, %arg13: memref<!tpu.dma_semaphore, #tpu.memory_space<semaphore_mem>>, %arg14: memref<!tpu.dma_semaphore, #tpu.memory_space<semaphore_mem>>, %arg15: memref<!tpu.dma_semaphore, #tpu.memory_space<semaphore_mem>>, %arg16: memref<!tpu.dma_semaphore, #tpu.memory_space<semaphore_mem>>, %arg17: memref<!tpu.dma_semaphore, #tpu.memory_space<semaphore_mem>>, %arg18: memref<!tpu.dma_semaphore, #tpu.memory_space<semaphore_mem>>, %arg19: memref<!tpu.dma_semaphore, #tpu.memory_space<semaphore_mem>>, %arg20: memref<!tpu.dma_semaphore, #tpu.memory_space<semaphore_mem>>, %arg21: memref<10240x64xf32, #tpu.memory_space<vmem_shared>>) attributes {dimension_semantics = [#tpu.dimension_semantics<core_parallel>, #tpu.dimension_semantics<subcore_parallel>], iteration_bounds = array<i64: 2, 16>, scalar_prefetch = 0 : i64, scratch_operands = 16 : i64, tpu.core_type = #tpu.core_type<sc_vector_subcore>, window_params = [{transform_indices = #map}, {transform_indices = #map1}, {transform_indices = #map1}, {transform_indices = #map1}]} {
    %mul3A = arith.constant 2 : i32
    %mul3A_0 = arith.muli %arg1, %mul3A : i32
    %add3A = arith.addi %mul3A_0, %arg0 : i32
    "tpu.region"() ({
      %run_scoped3A = tpu.sem_alloc : memref<!tpu.dma_semaphore, #tpu.memory_space<semaphore_mem>>
      %dma_start3A_245 = arith.constant 0 : i32
      %dma_start3A_246 = arith.constant 0 : i32
      %dma_start3A_247 = tpu.memref_slice %arg6[%dma_start3A_245, %dma_start3A_246] : memref<160x128xi32, #tpu.memory_space<vmem>> -> memref<158x128xi32, #tpu.memory_space<vmem>>
      %dma_start3A_248 = arith.constant 0 : i32
      %dma_start3A_249 = arith.constant 0 : i32
      %dma_start3A_250 = tpu.memref_slice %arg3[%add3A, %dma_start3A_248, %dma_start3A_249] : memref<32x158x128xi32, #tpu.memory_space<hbm>> -> memref<1x158x128xi32, #tpu.memory_space<hbm>>
      %dma_start3A_251 = tpu.memref_squeeze %dma_start3A_250 : memref<1x158x128xi32, #tpu.memory_space<hbm>> -> memref<158x128xi32, #tpu.memory_space<hbm>>
      %dma_start3A_252 = arith.constant 0 : i32
      %dma_start3A_253 = arith.constant 0 : i32
      %dma_start3A_254 = tpu.memref_slice %arg6[%dma_start3A_252, %dma_start3A_253] : memref<160x128xi32, #tpu.memory_space<vmem>> -> memref<158x128xi32, #tpu.memory_space<vmem>>
      %dma_start3A_255 = arith.constant 0 : i32
      %dma_start3A_256 = arith.constant 0 : i32
      %dma_start3A_257 = tpu.memref_slice %arg3[%add3A, %dma_start3A_255, %dma_start3A_256] : memref<32x158x128xi32, #tpu.memory_space<hbm>> -> memref<1x158x128xi32, #tpu.memory_space<hbm>>
      %dma_start3A_258 = tpu.memref_squeeze %dma_start3A_257 : memref<1x158x128xi32, #tpu.memory_space<hbm>> -> memref<158x128xi32, #tpu.memory_space<hbm>>
      tpu.enqueue_dma source(%dma_start3A_258 : memref<158x128xi32, #tpu.memory_space<hbm>>) target(%dma_start3A_254 : memref<158x128xi32, #tpu.memory_space<vmem>>) target_semaphore(%run_scoped3A : memref<!tpu.dma_semaphore, #tpu.memory_space<semaphore_mem>>)
      %dma_wait3A_259 = arith.constant 0 : i32
      %dma_wait3A_260 = arith.constant 0 : i32
      %dma_wait3A_261 = tpu.memref_slice %arg6[%dma_wait3A_259, %dma_wait3A_260] : memref<160x128xi32, #tpu.memory_space<vmem>> -> memref<158x128xi32, #tpu.memory_space<vmem>>
      %dma_wait3A_262 = arith.constant 0 : i32
      %dma_wait3A_263 = arith.constant 0 : i32
      %dma_wait3A_264 = tpu.memref_slice %arg3[%add3A, %dma_wait3A_262, %dma_wait3A_263] : memref<32x158x128xi32, #tpu.memory_space<hbm>> -> memref<1x158x128xi32, #tpu.memory_space<hbm>>
      %dma_wait3A_265 = tpu.memref_squeeze %dma_wait3A_264 : memref<1x158x128xi32, #tpu.memory_space<hbm>> -> memref<158x128xi32, #tpu.memory_space<hbm>>
      %dma_wait3A_266 = arith.constant 0 : i32
      %dma_wait3A_267 = arith.constant 0 : i32
      %dma_wait3A_268 = tpu.memref_slice %arg6[%dma_wait3A_266, %dma_wait3A_267] : memref<160x128xi32, #tpu.memory_space<vmem>> -> memref<158x128xi32, #tpu.memory_space<vmem>>
      %dma_wait3A_269 = arith.constant 0 : i32
      %dma_wait3A_270 = arith.constant 0 : i32
      %dma_wait3A_271 = tpu.memref_slice %arg3[%add3A, %dma_wait3A_269, %dma_wait3A_270] : memref<32x158x128xi32, #tpu.memory_space<hbm>> -> memref<1x158x128xi32, #tpu.memory_space<hbm>>
      %dma_wait3A_272 = tpu.memref_squeeze %dma_wait3A_271 : memref<1x158x128xi32, #tpu.memory_space<hbm>> -> memref<158x128xi32, #tpu.memory_space<hbm>>
      tpu.wait_dma2 semaphore(%run_scoped3A : memref<!tpu.dma_semaphore, #tpu.memory_space<semaphore_mem>>) src(%dma_wait3A_272 : memref<158x128xi32, #tpu.memory_space<hbm>>) dst(%dma_wait3A_268 : memref<158x128xi32, #tpu.memory_space<vmem>>)
      tpu.yield
    }) : () -> ()
    "tpu.region"() ({
      %run_scoped3A = tpu.sem_alloc : memref<!tpu.dma_semaphore, #tpu.memory_space<semaphore_mem>>
      %dma_start3A_245 = arith.constant 0 : i32
      %dma_start3A_246 = arith.constant 0 : i32
      %dma_start3A_247 = tpu.memref_slice %arg4[%add3A, %dma_start3A_245, %dma_start3A_246] : memref<32x158x128xi32, #tpu.memory_space<hbm>> -> memref<1x158x128xi32, #tpu.memory_space<hbm>>
      %dma_start3A_248 = tpu.memref_squeeze %dma_start3A_247 : memref<1x158x128xi32, #tpu.memory_space<hbm>> -> memref<158x128xi32, #tpu.memory_space<hbm>>
      %dma_start3A_249 = arith.constant 0 : i32
      %dma_start3A_250 = arith.constant 0 : i32
      %dma_start3A_251 = tpu.memref_slice %arg4[%add3A, %dma_start3A_249, %dma_start3A_250] : memref<32x158x128xi32, #tpu.memory_space<hbm>> -> memref<1x158x128xi32, #tpu.memory_space<hbm>>
      %dma_start3A_252 = tpu.memref_squeeze %dma_start3A_251 : memref<1x158x128xi32, #tpu.memory_space<hbm>> -> memref<158x128xi32, #tpu.memory_space<hbm>>
      tpu.enqueue_dma source(%dma_start3A_252 : memref<158x128xi32, #tpu.memory_space<hbm>>) target(%arg7 : memref<158x128xi32, #tpu.memory_space<vmem>>) target_semaphore(%run_scoped3A : memref<!tpu.dma_semaphore, #tpu.memory_space<semaphore_mem>>)
      %dma_wait3A_253 = arith.constant 0 : i32
      %dma_wait3A_254 = arith.constant 0 : i32
      %dma_wait3A_255 = tpu.memref_slice %arg4[%add3A, %dma_wait3A_253, %dma_wait3A_254] : memref<32x158x128xi32, #tpu.memory_space<hbm>> -> memref<1x158x128xi32, #tpu.memory_space<hbm>>
      %dma_wait3A_256 = tpu.memref_squeeze %dma_wait3A_255 : memref<1x158x128xi32, #tpu.memory_space<hbm>> -> memref<158x128xi32, #tpu.memory_space<hbm>>
      %dma_wait3A_257 = arith.constant 0 : i32
      %dma_wait3A_258 = arith.constant 0 : i32
      %dma_wait3A_259 = tpu.memref_slice %arg4[%add3A, %dma_wait3A_257, %dma_wait3A_258] : memref<32x158x128xi32, #tpu.memory_space<hbm>> -> memref<1x158x128xi32, #tpu.memory_space<hbm>>
      %dma_wait3A_260 = tpu.memref_squeeze %dma_wait3A_259 : memref<1x158x128xi32, #tpu.memory_space<hbm>> -> memref<158x128xi32, #tpu.memory_space<hbm>>
      tpu.wait_dma2 semaphore(%run_scoped3A : memref<!tpu.dma_semaphore, #tpu.memory_space<semaphore_mem>>) src(%dma_wait3A_260 : memref<158x128xi32, #tpu.memory_space<hbm>>) dst(%arg7 : memref<158x128xi32, #tpu.memory_space<vmem>>)
      tpu.yield
    }) : () -> ()
    %broadcast_in_dim3A = arith.constant 0 : i32
    %broadcast_in_dim3A_1 = vector.broadcast %broadcast_in_dim3A : i32 to vector<16xi32>
    %swap3A = arith.constant 158 : i32
    %swap3A_2 = arith.index_cast %swap3A : i32 to index
    %swap3A_3 = arith.constant 0 : index
    %swap3A_4 = tpu.vector_load %arg6[%swap3A_2, %swap3A_3] {strides = array<i32>} : memref<160x128xi32, #tpu.memory_space<vmem>>, vector<1x16xi32>,
    %swap3A_5 = vector.shape_cast %swap3A_4 : vector<1x16xi32> to vector<16xi32>
    %swap3A_6 = vector.shape_cast %broadcast_in_dim3A_1 : vector<16xi32> to vector<1x16xi32>
    tpu.vector_store %arg6[%swap3A_2, %swap3A_3], %swap3A_6 {strides = array<i32>} : memref<160x128xi32, #tpu.memory_space<vmem>>, vector<1x16xi32>,
    %broadcast_in_dim3A_7 = arith.constant 0 : i32
    %broadcast_in_dim3A_8 = vector.broadcast %broadcast_in_dim3A_7 : i32 to vector<16xi32>
    %swap3A_9 = arith.constant 159 : i32
    %swap3A_10 = arith.index_cast %swap3A_9 : i32 to index
    %swap3A_11 = arith.constant 0 : index
    %swap3A_12 = tpu.vector_load %arg6[%swap3A_10, %swap3A_11] {strides = array<i32>} : memref<160x128xi32, #tpu.memory_space<vmem>>, vector<1x16xi32>,
    %swap3A_13 = vector.shape_cast %swap3A_12 : vector<1x16xi32> to vector<16xi32>
    %swap3A_14 = vector.shape_cast %broadcast_in_dim3A_8 : vector<16xi32> to vector<1x16xi32>
    tpu.vector_store %arg6[%swap3A_10, %swap3A_11], %swap3A_14 {strides = array<i32>} : memref<160x128xi32, #tpu.memory_space<vmem>>, vector<1x16xi32>,
    %broadcast_in_dim3A_15 = arith.constant 0 : i32
    %broadcast_in_dim3A_16 = vector.broadcast %broadcast_in_dim3A_15 : i32 to vector<16xi32>
    %swap3A_17 = arith.constant 158 : i32
    %swap3A_18 = arith.index_cast %swap3A_17 : i32 to index
    %swap3A_19 = arith.constant 16 : index
    %swap3A_20 = tpu.vector_load %arg6[%swap3A_18, %swap3A_19] {strides = array<i32>} : memref<160x128xi32, #tpu.memory_space<vmem>>, vector<1x16xi32>,
    %swap3A_21 = vector.shape_cast %swap3A_20 : vector<1x16xi32> to vector<16xi32>
    %swap3A_22 = vector.shape_cast %broadcast_in_dim3A_16 : vector<16xi32> to vector<1x16xi32>
    tpu.vector_store %arg6[%swap3A_18, %swap3A_19], %swap3A_22 {strides = array<i32>} : memref<160x128xi32, #tpu.memory_space<vmem>>, vector<1x16xi32>,
    %broadcast_in_dim3A_23 = arith.constant 0 : i32
    %broadcast_in_dim3A_24 = vector.broadcast %broadcast_in_dim3A_23 : i32 to vector<16xi32>
    %swap3A_25 = arith.constant 159 : i32
    %swap3A_26 = arith.index_cast %swap3A_25 : i32 to index
    %swap3A_27 = arith.constant 16 : index
    %swap3A_28 = tpu.vector_load %arg6[%swap3A_26, %swap3A_27] {strides = array<i32>} : memref<160x128xi32, #tpu.memory_space<vmem>>, vector<1x16xi32>,
    %swap3A_29 = vector.shape_cast %swap3A_28 : vector<1x16xi32> to vector<16xi32>
    %swap3A_30 = vector.shape_cast %broadcast_in_dim3A_24 : vector<16xi32> to vector<1x16xi32>
    tpu.vector_store %arg6[%swap3A_26, %swap3A_27], %swap3A_30 {strides = array<i32>} : memref<160x128xi32, #tpu.memory_space<vmem>>, vector<1x16xi32>,
    %broadcast_in_dim3A_31 = arith.constant 0 : i32
    %broadcast_in_dim3A_32 = vector.broadcast %broadcast_in_dim3A_31 : i32 to vector<16xi32>
    %swap3A_33 = arith.constant 158 : i32
    %swap3A_34 = arith.index_cast %swap3A_33 : i32 to index
    %swap3A_35 = arith.constant 32 : index
    %swap3A_36 = tpu.vector_load %arg6[%swap3A_34, %swap3A_35] {strides = array<i32>} : memref<160x128xi32, #tpu.memory_space<vmem>>, vector<1x16xi32>,
    %swap3A_37 = vector.shape_cast %swap3A_36 : vector<1x16xi32> to vector<16xi32>
    %swap3A_38 = vector.shape_cast %broadcast_in_dim3A_32 : vector<16xi32> to vector<1x16xi32>
    tpu.vector_store %arg6[%swap3A_34, %swap3A_35], %swap3A_38 {strides = array<i32>} : memref<160x128xi32, #tpu.memory_space<vmem>>, vector<1x16xi32>,
    %broadcast_in_dim3A_39 = arith.constant 0 : i32
    %broadcast_in_dim3A_40 = vector.broadcast %broadcast_in_dim3A_39 : i32 to vector<16xi32>
    %swap3A_41 = arith.constant 159 : i32
    %swap3A_42 = arith.index_cast %swap3A_41 : i32 to index
    %swap3A_43 = arith.constant 32 : index
    %swap3A_44 = tpu.vector_load %arg6[%swap3A_42, %swap3A_43] {strides = array<i32>} : memref<160x128xi32, #tpu.memory_space<vmem>>, vector<1x16xi32>,
    %swap3A_45 = vector.shape_cast %swap3A_44 : vector<1x16xi32> to vector<16xi32>
    %swap3A_46 = vector.shape_cast %broadcast_in_dim3A_40 : vector<16xi32> to vector<1x16xi32>
    tpu.vector_store %arg6[%swap3A_42, %swap3A_43], %swap3A_46 {strides = array<i32>} : memref<160x128xi32, #tpu.memory_space<vmem>>, vector<1x16xi32>,
    %broadcast_in_dim3A_47 = arith.constant 0 : i32
    %broadcast_in_dim3A_48 = vector.broadcast %broadcast_in_dim3A_47 : i32 to vector<16xi32>
    %swap3A_49 = arith.constant 158 : i32
    %swap3A_50 = arith.index_cast %swap3A_49 : i32 to index
    %swap3A_51 = arith.constant 48 : index
    %swap3A_52 = tpu.vector_load %arg6[%swap3A_50, %swap3A_51] {strides = array<i32>} : memref<160x128xi32, #tpu.memory_space<vmem>>, vector<1x16xi32>,
    %swap3A_53 = vector.shape_cast %swap3A_52 : vector<1x16xi32> to vector<16xi32>
    %swap3A_54 = vector.shape_cast %broadcast_in_dim3A_48 : vector<16xi32> to vector<1x16xi32>
    tpu.vector_store %arg6[%swap3A_50, %swap3A_51], %swap3A_54 {strides = array<i32>} : memref<160x128xi32, #tpu.memory_space<vmem>>, vector<1x16xi32>,
    %broadcast_in_dim3A_55 = arith.constant 0 : i32
    %broadcast_in_dim3A_56 = vector.broadcast %broadcast_in_dim3A_55 : i32 to vector<16xi32>
    %swap3A_57 = arith.constant 159 : i32
    %swap3A_58 = arith.index_cast %swap3A_57 : i32 to index
    %swap3A_59 = arith.constant 48 : index
    %swap3A_60 = tpu.vector_load %arg6[%swap3A_58, %swap3A_59] {strides = array<i32>} : memref<160x128xi32, #tpu.memory_space<vmem>>, vector<1x16xi32>,
    %swap3A_61 = vector.shape_cast %swap3A_60 : vector<1x16xi32> to vector<16xi32>
    %swap3A_62 = vector.shape_cast %broadcast_in_dim3A_56 : vector<16xi32> to vector<1x16xi32>
    tpu.vector_store %arg6[%swap3A_58, %swap3A_59], %swap3A_62 {strides = array<i32>} : memref<160x128xi32, #tpu.memory_space<vmem>>, vector<1x16xi32>,
    %broadcast_in_dim3A_63 = arith.constant 0 : i32
    %broadcast_in_dim3A_64 = vector.broadcast %broadcast_in_dim3A_63 : i32 to vector<16xi32>
    %swap3A_65 = arith.constant 158 : i32
    %swap3A_66 = arith.index_cast %swap3A_65 : i32 to index
    %swap3A_67 = arith.constant 64 : index
    %swap3A_68 = tpu.vector_load %arg6[%swap3A_66, %swap3A_67] {strides = array<i32>} : memref<160x128xi32, #tpu.memory_space<vmem>>, vector<1x16xi32>,
    %swap3A_69 = vector.shape_cast %swap3A_68 : vector<1x16xi32> to vector<16xi32>
    %swap3A_70 = vector.shape_cast %broadcast_in_dim3A_64 : vector<16xi32> to vector<1x16xi32>
    tpu.vector_store %arg6[%swap3A_66, %swap3A_67], %swap3A_70 {strides = array<i32>} : memref<160x128xi32, #tpu.memory_space<vmem>>, vector<1x16xi32>,
    %broadcast_in_dim3A_71 = arith.constant 0 : i32
    %broadcast_in_dim3A_72 = vector.broadcast %broadcast_in_dim3A_71 : i32 to vector<16xi32>
    %swap3A_73 = arith.constant 159 : i32
    %swap3A_74 = arith.index_cast %swap3A_73 : i32 to index
    %swap3A_75 = arith.constant 64 : index
    %swap3A_76 = tpu.vector_load %arg6[%swap3A_74, %swap3A_75] {strides = array<i32>} : memref<160x128xi32, #tpu.memory_space<vmem>>, vector<1x16xi32>,
    %swap3A_77 = vector.shape_cast %swap3A_76 : vector<1x16xi32> to vector<16xi32>
    %swap3A_78 = vector.shape_cast %broadcast_in_dim3A_72 : vector<16xi32> to vector<1x16xi32>
    tpu.vector_store %arg6[%swap3A_74, %swap3A_75], %swap3A_78 {strides = array<i32>} : memref<160x128xi32, #tpu.memory_space<vmem>>, vector<1x16xi32>,
    %broadcast_in_dim3A_79 = arith.constant 0 : i32
    %broadcast_in_dim3A_80 = vector.broadcast %broadcast_in_dim3A_79 : i32 to vector<16xi32>
    %swap3A_81 = arith.constant 158 : i32
    %swap3A_82 = arith.index_cast %swap3A_81 : i32 to index
    %swap3A_83 = arith.constant 80 : index
    %swap3A_84 = tpu.vector_load %arg6[%swap3A_82, %swap3A_83] {strides = array<i32>} : memref<160x128xi32, #tpu.memory_space<vmem>>, vector<1x16xi32>,
    %swap3A_85 = vector.shape_cast %swap3A_84 : vector<1x16xi32> to vector<16xi32>
    %swap3A_86 = vector.shape_cast %broadcast_in_dim3A_80 : vector<16xi32> to vector<1x16xi32>
    tpu.vector_store %arg6[%swap3A_82, %swap3A_83], %swap3A_86 {strides = array<i32>} : memref<160x128xi32, #tpu.memory_space<vmem>>, vector<1x16xi32>,
    %broadcast_in_dim3A_87 = arith.constant 0 : i32
    %broadcast_in_dim3A_88 = vector.broadcast %broadcast_in_dim3A_87 : i32 to vector<16xi32>
    %swap3A_89 = arith.constant 159 : i32
    %swap3A_90 = arith.index_cast %swap3A_89 : i32 to index
    %swap3A_91 = arith.constant 80 : index
    %swap3A_92 = tpu.vector_load %arg6[%swap3A_90, %swap3A_91] {strides = array<i32>} : memref<160x128xi32, #tpu.memory_space<vmem>>, vector<1x16xi32>,
    %swap3A_93 = vector.shape_cast %swap3A_92 : vector<1x16xi32> to vector<16xi32>
    %swap3A_94 = vector.shape_cast %broadcast_in_dim3A_88 : vector<16xi32> to vector<1x16xi32>
    tpu.vector_store %arg6[%swap3A_90, %swap3A_91], %swap3A_94 {strides = array<i32>} : memref<160x128xi32, #tpu.memory_space<vmem>>, vector<1x16xi32>,
    %broadcast_in_dim3A_95 = arith.constant 0 : i32
    %broadcast_in_dim3A_96 = vector.broadcast %broadcast_in_dim3A_95 : i32 to vector<16xi32>
    %swap3A_97 = arith.constant 158 : i32
    %swap3A_98 = arith.index_cast %swap3A_97 : i32 to index
    %swap3A_99 = arith.constant 96 : index
    %swap3A_100 = tpu.vector_load %arg6[%swap3A_98, %swap3A_99] {strides = array<i32>} : memref<160x128xi32, #tpu.memory_space<vmem>>, vector<1x16xi32>,
    %swap3A_101 = vector.shape_cast %swap3A_100 : vector<1x16xi32> to vector<16xi32>
    %swap3A_102 = vector.shape_cast %broadcast_in_dim3A_96 : vector<16xi32> to vector<1x16xi32>
    tpu.vector_store %arg6[%swap3A_98, %swap3A_99], %swap3A_102 {strides = array<i32>} : memref<160x128xi32, #tpu.memory_space<vmem>>, vector<1x16xi32>,
    %broadcast_in_dim3A_103 = arith.constant 0 : i32
    %broadcast_in_dim3A_104 = vector.broadcast %broadcast_in_dim3A_103 : i32 to vector<16xi32>
    %swap3A_105 = arith.constant 159 : i32
    %swap3A_106 = arith.index_cast %swap3A_105 : i32 to index
    %swap3A_107 = arith.constant 96 : index
    %swap3A_108 = tpu.vector_load %arg6[%swap3A_106, %swap3A_107] {strides = array<i32>} : memref<160x128xi32, #tpu.memory_space<vmem>>, vector<1x16xi32>,
    %swap3A_109 = vector.shape_cast %swap3A_108 : vector<1x16xi32> to vector<16xi32>
    %swap3A_110 = vector.shape_cast %broadcast_in_dim3A_104 : vector<16xi32> to vector<1x16xi32>
    tpu.vector_store %arg6[%swap3A_106, %swap3A_107], %swap3A_110 {strides = array<i32>} : memref<160x128xi32, #tpu.memory_space<vmem>>, vector<1x16xi32>,
    %broadcast_in_dim3A_111 = arith.constant 0 : i32
    %broadcast_in_dim3A_112 = vector.broadcast %broadcast_in_dim3A_111 : i32 to vector<16xi32>
    %swap3A_113 = arith.constant 158 : i32
    %swap3A_114 = arith.index_cast %swap3A_113 : i32 to index
    %swap3A_115 = arith.constant 112 : index
    %swap3A_116 = tpu.vector_load %arg6[%swap3A_114, %swap3A_115] {strides = array<i32>} : memref<160x128xi32, #tpu.memory_space<vmem>>, vector<1x16xi32>,
    %swap3A_117 = vector.shape_cast %swap3A_116 : vector<1x16xi32> to vector<16xi32>
    %swap3A_118 = vector.shape_cast %broadcast_in_dim3A_112 : vector<16xi32> to vector<1x16xi32>
    tpu.vector_store %arg6[%swap3A_114, %swap3A_115], %swap3A_118 {strides = array<i32>} : memref<160x128xi32, #tpu.memory_space<vmem>>, vector<1x16xi32>,
    %broadcast_in_dim3A_119 = arith.constant 0 : i32
    %broadcast_in_dim3A_120 = vector.broadcast %broadcast_in_dim3A_119 : i32 to vector<16xi32>
    %swap3A_121 = arith.constant 159 : i32
    %swap3A_122 = arith.index_cast %swap3A_121 : i32 to index
    %swap3A_123 = arith.constant 112 : index
    %swap3A_124 = tpu.vector_load %arg6[%swap3A_122, %swap3A_123] {strides = array<i32>} : memref<160x128xi32, #tpu.memory_space<vmem>>, vector<1x16xi32>,
    %swap3A_125 = vector.shape_cast %swap3A_124 : vector<1x16xi32> to vector<16xi32>
    %swap3A_126 = vector.shape_cast %broadcast_in_dim3A_120 : vector<16xi32> to vector<1x16xi32>
    tpu.vector_store %arg6[%swap3A_122, %swap3A_123], %swap3A_126 {strides = array<i32>} : memref<160x128xi32, #tpu.memory_space<vmem>>, vector<1x16xi32>,
    %scan3A = arith.constant 0 : i32
    %scan3A_127 = arith.constant 0 : i32
    %scan3A_128 = arith.constant 128 : i32
    %scan3A_129 = arith.addi %scan3A_127, %scan3A_128 : i32
    %scan3A_130 = arith.constant 1 : i32
    scf.for %scan3A_245 = %scan3A_127 to %scan3A_129 step %scan3A_130  : i32 {
      %broadcast_in_dim3A_246 = arith.constant 0.000000e+00 : f32
      %broadcast_in_dim3A_247 = vector.broadcast %broadcast_in_dim3A_246 : f32 to vector<16xf32>
      %swap3A_248 = arith.index_cast %scan3A_245 : i32 to index
      %swap3A_249 = arith.constant 0 : index
      %swap3A_250 = tpu.vector_load %arg12[%swap3A_248, %swap3A_249] {strides = array<i32>} : memref<128x64xf32, #tpu.memory_space<vmem>>, vector<1x16xf32>,
      %swap3A_251 = vector.shape_cast %swap3A_250 : vector<1x16xf32> to vector<16xf32>
      %swap3A_252 = vector.shape_cast %broadcast_in_dim3A_247 : vector<16xf32> to vector<1x16xf32>
      tpu.vector_store %arg12[%swap3A_248, %swap3A_249], %swap3A_252 {strides = array<i32>} : memref<128x64xf32, #tpu.memory_space<vmem>>, vector<1x16xf32>,
      %broadcast_in_dim3A_253 = arith.constant 0.000000e+00 : f32
      %broadcast_in_dim3A_254 = vector.broadcast %broadcast_in_dim3A_253 : f32 to vector<16xf32>
      %swap3A_255 = arith.index_cast %scan3A_245 : i32 to index
      %swap3A_256 = arith.constant 16 : index
      %swap3A_257 = tpu.vector_load %arg12[%swap3A_255, %swap3A_256] {strides = array<i32>} : memref<128x64xf32, #tpu.memory_space<vmem>>, vector<1x16xf32>,
      %swap3A_258 = vector.shape_cast %swap3A_257 : vector<1x16xf32> to vector<16xf32>
      %swap3A_259 = vector.shape_cast %broadcast_in_dim3A_254 : vector<16xf32> to vector<1x16xf32>
      tpu.vector_store %arg12[%swap3A_255, %swap3A_256], %swap3A_259 {strides = array<i32>} : memref<128x64xf32, #tpu.memory_space<vmem>>, vector<1x16xf32>,
      %broadcast_in_dim3A_260 = arith.constant 0.000000e+00 : f32
      %broadcast_in_dim3A_261 = vector.broadcast %broadcast_in_dim3A_260 : f32 to vector<16xf32>
      %swap3A_262 = arith.index_cast %scan3A_245 : i32 to index
      %swap3A_263 = arith.constant 32 : index
      %swap3A_264 = tpu.vector_load %arg12[%swap3A_262, %swap3A_263] {strides = array<i32>} : memref<128x64xf32, #tpu.memory_space<vmem>>, vector<1x16xf32>,
      %swap3A_265 = vector.shape_cast %swap3A_264 : vector<1x16xf32> to vector<16xf32>
      %swap3A_266 = vector.shape_cast %broadcast_in_dim3A_261 : vector<16xf32> to vector<1x16xf32>
      tpu.vector_store %arg12[%swap3A_262, %swap3A_263], %swap3A_266 {strides = array<i32>} : memref<128x64xf32, #tpu.memory_space<vmem>>, vector<1x16xf32>,
      %broadcast_in_dim3A_267 = arith.constant 0.000000e+00 : f32
      %broadcast_in_dim3A_268 = vector.broadcast %broadcast_in_dim3A_267 : f32 to vector<16xf32>
      %swap3A_269 = arith.index_cast %scan3A_245 : i32 to index
      %swap3A_270 = arith.constant 48 : index
      %swap3A_271 = tpu.vector_load %arg12[%swap3A_269, %swap3A_270] {strides = array<i32>} : memref<128x64xf32, #tpu.memory_space<vmem>>, vector<1x16xf32>,
      %swap3A_272 = vector.shape_cast %swap3A_271 : vector<1x16xf32> to vector<16xf32>
      %swap3A_273 = vector.shape_cast %broadcast_in_dim3A_268 : vector<16xf32> to vector<1x16xf32>
      tpu.vector_store %arg12[%swap3A_269, %swap3A_270], %swap3A_273 {strides = array<i32>} : memref<128x64xf32, #tpu.memory_space<vmem>>, vector<1x16xf32>,
    }
    %scan3A_131 = arith.constant 128 : i32
    %dma_start3A = arith.constant 0 : i32
    %dma_start3A_132 = arith.constant 0 : i32
    %dma_start3A_133 = tpu.memref_slice %arg6[%dma_start3A, %dma_start3A_132] : memref<160x128xi32, #tpu.memory_space<vmem>> -> memref<1x128xi32, #tpu.memory_space<vmem>>
    %dma_start3A_134 = tpu.memref_squeeze %dma_start3A_133 : memref<1x128xi32, #tpu.memory_space<vmem>> -> memref<128xi32, #tpu.memory_space<vmem>>
    %dma_start3A_135 = arith.constant 0 : i32
    %dma_start3A_136 = arith.constant 0 : i32
    %dma_start3A_137 = tpu.memref_slice %arg2[%dma_start3A_135, %dma_start3A_136] : memref<10240x64xf32, #tpu.memory_space<hbm>> -> memref<10240x64xf32, #tpu.memory_space<hbm>>
    tpu.enqueue_indirect_dma source(%dma_start3A_137 : memref<10240x64xf32, #tpu.memory_space<hbm>>) target(%arg8 : memref<128x64xf32, #tpu.memory_space<vmem>>) offsets(%dma_start3A_134 : memref<128xi32, #tpu.memory_space<vmem>>) semaphore(%arg13 : memref<!tpu.dma_semaphore, #tpu.memory_space<semaphore_mem>>)
    %dma_start3A_138 = arith.constant 1 : i32
    %dma_start3A_139 = arith.constant 0 : i32
    %dma_start3A_140 = tpu.memref_slice %arg6[%dma_start3A_138, %dma_start3A_139] : memref<160x128xi32, #tpu.memory_space<vmem>> -> memref<1x128xi32, #tpu.memory_space<vmem>>
    %dma_start3A_141 = tpu.memref_squeeze %dma_start3A_140 : memref<1x128xi32, #tpu.memory_space<vmem>> -> memref<128xi32, #tpu.memory_space<vmem>>
    %dma_start3A_142 = arith.constant 0 : i32
    %dma_start3A_143 = arith.constant 0 : i32
    %dma_start3A_144 = tpu.memref_slice %arg2[%dma_start3A_142, %dma_start3A_143] : memref<10240x64xf32, #tpu.memory_space<hbm>> -> memref<10240x64xf32, #tpu.memory_space<hbm>>
    tpu.enqueue_indirect_dma source(%dma_start3A_144 : memref<10240x64xf32, #tpu.memory_space<hbm>>) target(%arg9 : memref<128x64xf32, #tpu.memory_space<vmem>>) offsets(%dma_start3A_141 : memref<128xi32, #tpu.memory_space<vmem>>) semaphore(%arg14 : memref<!tpu.dma_semaphore, #tpu.memory_space<semaphore_mem>>)
    %mul3A_145 = arith.constant 640 : i32
    %mul3A_146 = arith.muli %arg1, %mul3A_145 : i32
    %add3A_147 = arith.constant 0 : i32
    %add3A_148 = arith.addi %mul3A_146, %add3A_147 : i32
    "tpu.region"() ({
      %run_scoped3A = tpu.sem_alloc : memref<!tpu.dma_semaphore, #tpu.memory_space<semaphore_mem>>
      %dma_start3A_245 = arith.constant 0 : i32
      %dma_start3A_246 = tpu.memref_slice %arg21[%add3A_148, %dma_start3A_245] : memref<10240x64xf32, #tpu.memory_space<vmem_shared>> -> memref<128x64xf32, #tpu.memory_space<vmem_shared>>
      %dma_start3A_247 = arith.constant 0 : i32
      %dma_start3A_248 = tpu.memref_slice %arg21[%add3A_148, %dma_start3A_247] : memref<10240x64xf32, #tpu.memory_space<vmem_shared>> -> memref<128x64xf32, #tpu.memory_space<vmem_shared>>
      tpu.enqueue_dma source(%arg12 : memref<128x64xf32, #tpu.memory_space<vmem>>) target(%dma_start3A_248 : memref<128x64xf32, #tpu.memory_space<vmem_shared>>) target_semaphore(%run_scoped3A : memref<!tpu.dma_semaphore, #tpu.memory_space<semaphore_mem>>)
      %dma_wait3A_249 = arith.constant 0 : i32
      %dma_wait3A_250 = tpu.memref_slice %arg21[%add3A_148, %dma_wait3A_249] : memref<10240x64xf32, #tpu.memory_space<vmem_shared>> -> memref<128x64xf32, #tpu.memory_space<vmem_shared>>
      %dma_wait3A_251 = arith.constant 0 : i32
      %dma_wait3A_252 = tpu.memref_slice %arg21[%add3A_148, %dma_wait3A_251] : memref<10240x64xf32, #tpu.memory_space<vmem_shared>> -> memref<128x64xf32, #tpu.memory_space<vmem_shared>>
      tpu.wait_dma2 semaphore(%run_scoped3A : memref<!tpu.dma_semaphore, #tpu.memory_space<semaphore_mem>>) src(%arg12 : memref<128x64xf32, #tpu.memory_space<vmem>>) dst(%dma_wait3A_252 : memref<128x64xf32, #tpu.memory_space<vmem_shared>>)
      tpu.yield
    }) : () -> ()
    %mul3A_149 = arith.constant 640 : i32
    %mul3A_150 = arith.muli %arg1, %mul3A_149 : i32
    %add3A_151 = arith.constant 128 : i32
    %add3A_152 = arith.addi %mul3A_150, %add3A_151 : i32
    "tpu.region"() ({
      %run_scoped3A = tpu.sem_alloc : memref<!tpu.dma_semaphore, #tpu.memory_space<semaphore_mem>>
      %dma_start3A_245 = arith.constant 0 : i32
      %dma_start3A_246 = tpu.memref_slice %arg21[%add3A_152, %dma_start3A_245] : memref<10240x64xf32, #tpu.memory_space<vmem_shared>> -> memref<128x64xf32, #tpu.memory_space<vmem_shared>>
      %dma_start3A_247 = arith.constant 0 : i32
      %dma_start3A_248 = tpu.memref_slice %arg21[%add3A_152, %dma_start3A_247] : memref<10240x64xf32, #tpu.memory_space<vmem_shared>> -> memref<128x64xf32, #tpu.memory_space<vmem_shared>>
      tpu.enqueue_dma source(%arg12 : memref<128x64xf32, #tpu.memory_space<vmem>>) target(%dma_start3A_248 : memref<128x64xf32, #tpu.memory_space<vmem_shared>>) target_semaphore(%run_scoped3A : memref<!tpu.dma_semaphore, #tpu.memory_space<semaphore_mem>>)
      %dma_wait3A_249 = arith.constant 0 : i32
      %dma_wait3A_250 = tpu.memref_slice %arg21[%add3A_152, %dma_wait3A_249] : memref<10240x64xf32, #tpu.memory_space<vmem_shared>> -> memref<128x64xf32, #tpu.memory_space<vmem_shared>>
      %dma_wait3A_251 = arith.constant 0 : i32
      %dma_wait3A_252 = tpu.memref_slice %arg21[%add3A_152, %dma_wait3A_251] : memref<10240x64xf32, #tpu.memory_space<vmem_shared>> -> memref<128x64xf32, #tpu.memory_space<vmem_shared>>
      tpu.wait_dma2 semaphore(%run_scoped3A : memref<!tpu.dma_semaphore, #tpu.memory_space<semaphore_mem>>) src(%arg12 : memref<128x64xf32, #tpu.memory_space<vmem>>) dst(%dma_wait3A_252 : memref<128x64xf32, #tpu.memory_space<vmem_shared>>)
      tpu.yield
    }) : () -> ()
    %mul3A_153 = arith.constant 640 : i32
    %mul3A_154 = arith.muli %arg1, %mul3A_153 : i32
    %add3A_155 = arith.constant 256 : i32
    %add3A_156 = arith.addi %mul3A_154, %add3A_155 : i32
    "tpu.region"() ({
      %run_scoped3A = tpu.sem_alloc : memref<!tpu.dma_semaphore, #tpu.memory_space<semaphore_mem>>
      %dma_start3A_245 = arith.constant 0 : i32
      %dma_start3A_246 = tpu.memref_slice %arg21[%add3A_156, %dma_start3A_245] : memref<10240x64xf32, #tpu.memory_space<vmem_shared>> -> memref<128x64xf32, #tpu.memory_space<vmem_shared>>
      %dma_start3A_247 = arith.constant 0 : i32
      %dma_start3A_248 = tpu.memref_slice %arg21[%add3A_156, %dma_start3A_247] : memref<10240x64xf32, #tpu.memory_space<vmem_shared>> -> memref<128x64xf32, #tpu.memory_space<vmem_shared>>
      tpu.enqueue_dma source(%arg12 : memref<128x64xf32, #tpu.memory_space<vmem>>) target(%dma_start3A_248 : memref<128x64xf32, #tpu.memory_space<vmem_shared>>) target_semaphore(%run_scoped3A : memref<!tpu.dma_semaphore, #tpu.memory_space<semaphore_mem>>)
      %dma_wait3A_249 = arith.constant 0 : i32
      %dma_wait3A_250 = tpu.memref_slice %arg21[%add3A_156, %dma_wait3A_249] : memref<10240x64xf32, #tpu.memory_space<vmem_shared>> -> memref<128x64xf32, #tpu.memory_space<vmem_shared>>
      %dma_wait3A_251 = arith.constant 0 : i32
      %dma_wait3A_252 = tpu.memref_slice %arg21[%add3A_156, %dma_wait3A_251] : memref<10240x64xf32, #tpu.memory_space<vmem_shared>> -> memref<128x64xf32, #tpu.memory_space<vmem_shared>>
      tpu.wait_dma2 semaphore(%run_scoped3A : memref<!tpu.dma_semaphore, #tpu.memory_space<semaphore_mem>>) src(%arg12 : memref<128x64xf32, #tpu.memory_space<vmem>>) dst(%dma_wait3A_252 : memref<128x64xf32, #tpu.memory_space<vmem_shared>>)
      tpu.yield
    }) : () -> ()
    %mul3A_157 = arith.constant 640 : i32
    %mul3A_158 = arith.muli %arg1, %mul3A_157 : i32
    %add3A_159 = arith.constant 384 : i32
    %add3A_160 = arith.addi %mul3A_158, %add3A_159 : i32
    "tpu.region"() ({
      %run_scoped3A = tpu.sem_alloc : memref<!tpu.dma_semaphore, #tpu.memory_space<semaphore_mem>>
      %dma_start3A_245 = arith.constant 0 : i32
      %dma_start3A_246 = tpu.memref_slice %arg21[%add3A_160, %dma_start3A_245] : memref<10240x64xf32, #tpu.memory_space<vmem_shared>> -> memref<128x64xf32, #tpu.memory_space<vmem_shared>>
      %dma_start3A_247 = arith.constant 0 : i32
      %dma_start3A_248 = tpu.memref_slice %arg21[%add3A_160, %dma_start3A_247] : memref<10240x64xf32, #tpu.memory_space<vmem_shared>> -> memref<128x64xf32, #tpu.memory_space<vmem_shared>>
      tpu.enqueue_dma source(%arg12 : memref<128x64xf32, #tpu.memory_space<vmem>>) target(%dma_start3A_248 : memref<128x64xf32, #tpu.memory_space<vmem_shared>>) target_semaphore(%run_scoped3A : memref<!tpu.dma_semaphore, #tpu.memory_space<semaphore_mem>>)
      %dma_wait3A_249 = arith.constant 0 : i32
      %dma_wait3A_250 = tpu.memref_slice %arg21[%add3A_160, %dma_wait3A_249] : memref<10240x64xf32, #tpu.memory_space<vmem_shared>> -> memref<128x64xf32, #tpu.memory_space<vmem_shared>>
      %dma_wait3A_251 = arith.constant 0 : i32
      %dma_wait3A_252 = tpu.memref_slice %arg21[%add3A_160, %dma_wait3A_251] : memref<10240x64xf32, #tpu.memory_space<vmem_shared>> -> memref<128x64xf32, #tpu.memory_space<vmem_shared>>
      tpu.wait_dma2 semaphore(%run_scoped3A : memref<!tpu.dma_semaphore, #tpu.memory_space<semaphore_mem>>) src(%arg12 : memref<128x64xf32, #tpu.memory_space<vmem>>) dst(%dma_wait3A_252 : memref<128x64xf32, #tpu.memory_space<vmem_shared>>)
      tpu.yield
    }) : () -> ()
    %mul3A_161 = arith.constant 640 : i32
    %mul3A_162 = arith.muli %arg1, %mul3A_161 : i32
    %add3A_163 = arith.constant 512 : i32
    %add3A_164 = arith.addi %mul3A_162, %add3A_163 : i32
    "tpu.region"() ({
      %run_scoped3A = tpu.sem_alloc : memref<!tpu.dma_semaphore, #tpu.memory_space<semaphore_mem>>
      %dma_start3A_245 = arith.constant 0 : i32
      %dma_start3A_246 = tpu.memref_slice %arg21[%add3A_164, %dma_start3A_245] : memref<10240x64xf32, #tpu.memory_space<vmem_shared>> -> memref<128x64xf32, #tpu.memory_space<vmem_shared>>
      %dma_start3A_247 = arith.constant 0 : i32
      %dma_start3A_248 = tpu.memref_slice %arg21[%add3A_164, %dma_start3A_247] : memref<10240x64xf32, #tpu.memory_space<vmem_shared>> -> memref<128x64xf32, #tpu.memory_space<vmem_shared>>
      tpu.enqueue_dma source(%arg12 : memref<128x64xf32, #tpu.memory_space<vmem>>) target(%dma_start3A_248 : memref<128x64xf32, #tpu.memory_space<vmem_shared>>) target_semaphore(%run_scoped3A : memref<!tpu.dma_semaphore, #tpu.memory_space<semaphore_mem>>)
      %dma_wait3A_249 = arith.constant 0 : i32
      %dma_wait3A_250 = tpu.memref_slice %arg21[%add3A_164, %dma_wait3A_249] : memref<10240x64xf32, #tpu.memory_space<vmem_shared>> -> memref<128x64xf32, #tpu.memory_space<vmem_shared>>
      %dma_wait3A_251 = arith.constant 0 : i32
      %dma_wait3A_252 = tpu.memref_slice %arg21[%add3A_164, %dma_wait3A_251] : memref<10240x64xf32, #tpu.memory_space<vmem_shared>> -> memref<128x64xf32, #tpu.memory_space<vmem_shared>>
      tpu.wait_dma2 semaphore(%run_scoped3A : memref<!tpu.dma_semaphore, #tpu.memory_space<semaphore_mem>>) src(%arg12 : memref<128x64xf32, #tpu.memory_space<vmem>>) dst(%dma_wait3A_252 : memref<128x64xf32, #tpu.memory_space<vmem_shared>>)
      tpu.yield
    }) : () -> ()
    %barrier3A = arith.constant 0 : index
    tpu.barrier barrier_id(%barrier3A)
    %dma_wait3A = arith.constant 0 : i32
    %dma_wait3A_165 = arith.constant 0 : i32
    %dma_wait3A_166 = tpu.memref_slice %arg6[%dma_wait3A, %dma_wait3A_165] : memref<160x128xi32, #tpu.memory_space<vmem>> -> memref<1x128xi32, #tpu.memory_space<vmem>>
    %dma_wait3A_167 = tpu.memref_squeeze %dma_wait3A_166 : memref<1x128xi32, #tpu.memory_space<vmem>> -> memref<128xi32, #tpu.memory_space<vmem>>
    %dma_wait3A_168 = arith.constant 0 : i32
    %dma_wait3A_169 = arith.constant 0 : i32
    %dma_wait3A_170 = tpu.memref_slice %arg2[%dma_wait3A_168, %dma_wait3A_169] : memref<10240x64xf32, #tpu.memory_space<hbm>> -> memref<10240x64xf32, #tpu.memory_space<hbm>>
    tpu.wait_indirect_dma semaphore(%arg13 : memref<!tpu.dma_semaphore, #tpu.memory_space<semaphore_mem>>) src(%dma_wait3A_170 : memref<10240x64xf32, #tpu.memory_space<hbm>>) dst(%arg8 : memref<128x64xf32, #tpu.memory_space<vmem>>)
    %dma_start3A_171 = arith.constant 0 : i32
    %dma_start3A_172 = arith.constant 0 : i32
    %dma_start3A_173 = tpu.memref_slice %arg7[%dma_start3A_171, %dma_start3A_172] : memref<158x128xi32, #tpu.memory_space<vmem>> -> memref<1x128xi32, #tpu.memory_space<vmem>>
    %dma_start3A_174 = tpu.memref_squeeze %dma_start3A_173 : memref<1x128xi32, #tpu.memory_space<vmem>> -> memref<128xi32, #tpu.memory_space<vmem>>
    %dma_start3A_175 = arith.constant 0 : i32
    %dma_start3A_176 = arith.constant 0 : i32
    %dma_start3A_177 = tpu.memref_slice %arg21[%dma_start3A_175, %dma_start3A_176] : memref<10240x64xf32, #tpu.memory_space<vmem_shared>> -> memref<10240x64xf32, #tpu.memory_space<vmem_shared>>
    tpu.enqueue_indirect_dma source(%arg8 : memref<128x64xf32, #tpu.memory_space<vmem>>) target(%dma_start3A_177 : memref<10240x64xf32, #tpu.memory_space<vmem_shared>>) offsets(%dma_start3A_174 : memref<128xi32, #tpu.memory_space<vmem>>) semaphore(%arg17 : memref<!tpu.dma_semaphore, #tpu.memory_space<semaphore_mem>>) {add = true}
    %dma_start3A_178 = arith.constant 2 : i32
    %dma_start3A_179 = arith.constant 0 : i32
    %dma_start3A_180 = tpu.memref_slice %arg6[%dma_start3A_178, %dma_start3A_179] : memref<160x128xi32, #tpu.memory_space<vmem>> -> memref<1x128xi32, #tpu.memory_space<vmem>>
    %dma_start3A_181 = tpu.memref_squeeze %dma_start3A_180 : memref<1x128xi32, #tpu.memory_space<vmem>> -> memref<128xi32, #tpu.memory_space<vmem>>
    %dma_start3A_182 = arith.constant 0 : i32
    %dma_start3A_183 = arith.constant 0 : i32
    %dma_start3A_184 = tpu.memref_slice %arg2[%dma_start3A_182, %dma_start3A_183] : memref<10240x64xf32, #tpu.memory_space<hbm>> -> memref<10240x64xf32, #tpu.memory_space<hbm>>
    tpu.enqueue_indirect_dma source(%dma_start3A_184 : memref<10240x64xf32, #tpu.memory_space<hbm>>) target(%arg10 : memref<128x64xf32, #tpu.memory_space<vmem>>) offsets(%dma_start3A_181 : memref<128xi32, #tpu.memory_space<vmem>>) semaphore(%arg15 : memref<!tpu.dma_semaphore, #tpu.memory_space<semaphore_mem>>)
    %dma_wait3A_185 = arith.constant 1 : i32
    %dma_wait3A_186 = arith.constant 0 : i32
    %dma_wait3A_187 = tpu.memref_slice %arg6[%dma_wait3A_185, %dma_wait3A_186] : memref<160x128xi32, #tpu.memory_space<vmem>> -> memref<1x128xi32, #tpu.memory_space<vmem>>
    %dma_wait3A_188 = tpu.memref_squeeze %dma_wait3A_187 : memref<1x128xi32, #tpu.memory_space<vmem>> -> memref<128xi32, #tpu.memory_space<vmem>>
    %dma_wait3A_189 = arith.constant 0 : i32
    %dma_wait3A_190 = arith.constant 0 : i32
    %dma_wait3A_191 = tpu.memref_slice %arg2[%dma_wait3A_189, %dma_wait3A_190] : memref<10240x64xf32, #tpu.memory_space<hbm>> -> memref<10240x64xf32, #tpu.memory_space<hbm>>
    tpu.wait_indirect_dma semaphore(%arg14 : memref<!tpu.dma_semaphore, #tpu.memory_space<semaphore_mem>>) src(%dma_wait3A_191 : memref<10240x64xf32, #tpu.memory_space<hbm>>) dst(%arg9 : memref<128x64xf32, #tpu.memory_space<vmem>>)
    %dma_start3A_192 = arith.constant 1 : i32
    %dma_start3A_193 = arith.constant 0 : i32
    %dma_start3A_194 = tpu.memref_slice %arg7[%dma_start3A_192, %dma_start3A_193] : memref<158x128xi32, #tpu.memory_space<vmem>> -> memref<1x128xi32, #tpu.memory_space<vmem>>
    %dma_start3A_195 = tpu.memref_squeeze %dma_start3A_194 : memref<1x128xi32, #tpu.memory_space<vmem>> -> memref<128xi32, #tpu.memory_space<vmem>>
    %dma_start3A_196 = arith.constant 0 : i32
    %dma_start3A_197 = arith.constant 0 : i32
    %dma_start3A_198 = tpu.memref_slice %arg21[%dma_start3A_196, %dma_start3A_197] : memref<10240x64xf32, #tpu.memory_space<vmem_shared>> -> memref<10240x64xf32, #tpu.memory_space<vmem_shared>>
    tpu.enqueue_indirect_dma source(%arg9 : memref<128x64xf32, #tpu.memory_space<vmem>>) target(%dma_start3A_198 : memref<10240x64xf32, #tpu.memory_space<vmem_shared>>) offsets(%dma_start3A_195 : memref<128xi32, #tpu.memory_space<vmem>>) semaphore(%arg18 : memref<!tpu.dma_semaphore, #tpu.memory_space<semaphore_mem>>) {add = true}
    %dma_start3A_199 = arith.constant 3 : i32
    %dma_start3A_200 = arith.constant 0 : i32
    %dma_start3A_201 = tpu.memref_slice %arg6[%dma_start3A_199, %dma_start3A_200] : memref<160x128xi32, #tpu.memory_space<vmem>> -> memref<1x128xi32, #tpu.memory_space<vmem>>
    %dma_start3A_202 = tpu.memref_squeeze %dma_start3A_201 : memref<1x128xi32, #tpu.memory_space<vmem>> -> memref<128xi32, #tpu.memory_space<vmem>>
    %dma_start3A_203 = arith.constant 0 : i32
    %dma_start3A_204 = arith.constant 0 : i32
    %dma_start3A_205 = tpu.memref_slice %arg2[%dma_start3A_203, %dma_start3A_204] : memref<10240x64xf32, #tpu.memory_space<hbm>> -> memref<10240x64xf32, #tpu.memory_space<hbm>>
    tpu.enqueue_indirect_dma source(%dma_start3A_205 : memref<10240x64xf32, #tpu.memory_space<hbm>>) target(%arg11 : memref<128x64xf32, #tpu.memory_space<vmem>>) offsets(%dma_start3A_202 : memref<128xi32, #tpu.memory_space<vmem>>) semaphore(%arg16 : memref<!tpu.dma_semaphore, #tpu.memory_space<semaphore_mem>>)
    %scan3A_206 = arith.constant 0 : i32
    %scan3A_207 = arith.constant 0 : i32
    %scan3A_208 = arith.constant 39 : i32
    %scan3A_209 = arith.addi %scan3A_207, %scan3A_208 : i32
    %scan3A_210 = arith.constant 1 : i32
    scf.for %scan3A_245 = %scan3A_207 to %scan3A_209 step %scan3A_210  : i32 {
      %mul3A_246 = arith.constant 4 : i32
      %mul3A_247 = arith.muli %scan3A_245, %mul3A_246 : i32
      %add3A_248 = arith.constant 2 : i32
      %add3A_249 = arith.addi %add3A_248, %mul3A_247 : i32
      %add3A_250 = arith.constant 0 : i32
      %add3A_251 = arith.addi %add3A_249, %add3A_250 : i32
      %dma_wait3A_252 = arith.constant 0 : i32
      %dma_wait3A_253 = tpu.memref_slice %arg6[%add3A_251, %dma_wait3A_252] : memref<160x128xi32, #tpu.memory_space<vmem>> -> memref<1x128xi32, #tpu.memory_space<vmem>>
      %dma_wait3A_254 = tpu.memref_squeeze %dma_wait3A_253 : memref<1x128xi32, #tpu.memory_space<vmem>> -> memref<128xi32, #tpu.memory_space<vmem>>
      %dma_wait3A_255 = arith.constant 0 : i32
      %dma_wait3A_256 = arith.constant 0 : i32
      %dma_wait3A_257 = tpu.memref_slice %arg2[%dma_wait3A_255, %dma_wait3A_256] : memref<10240x64xf32, #tpu.memory_space<hbm>> -> memref<10240x64xf32, #tpu.memory_space<hbm>>
      tpu.wait_indirect_dma semaphore(%arg15 : memref<!tpu.dma_semaphore, #tpu.memory_space<semaphore_mem>>) src(%dma_wait3A_257 : memref<10240x64xf32, #tpu.memory_space<hbm>>) dst(%arg10 : memref<128x64xf32, #tpu.memory_space<vmem>>)
      %dma_start3A_258 = arith.constant 0 : i32
      %dma_start3A_259 = tpu.memref_slice %arg7[%add3A_251, %dma_start3A_258] : memref<158x128xi32, #tpu.memory_space<vmem>> -> memref<1x128xi32, #tpu.memory_space<vmem>>
      %dma_start3A_260 = tpu.memref_squeeze %dma_start3A_259 : memref<1x128xi32, #tpu.memory_space<vmem>> -> memref<128xi32, #tpu.memory_space<vmem>>
      %dma_start3A_261 = arith.constant 0 : i32
      %dma_start3A_262 = arith.constant 0 : i32
      %dma_start3A_263 = tpu.memref_slice %arg21[%dma_start3A_261, %dma_start3A_262] : memref<10240x64xf32, #tpu.memory_space<vmem_shared>> -> memref<10240x64xf32, #tpu.memory_space<vmem_shared>>
      tpu.enqueue_indirect_dma source(%arg10 : memref<128x64xf32, #tpu.memory_space<vmem>>) target(%dma_start3A_263 : memref<10240x64xf32, #tpu.memory_space<vmem_shared>>) offsets(%dma_start3A_260 : memref<128xi32, #tpu.memory_space<vmem>>) semaphore(%arg19 : memref<!tpu.dma_semaphore, #tpu.memory_space<semaphore_mem>>) {add = true}
      %sub3A = arith.constant 2 : i32
      %sub3A_264 = arith.subi %add3A_251, %sub3A : i32
      %dma_wait3A_265 = arith.constant 0 : i32
      %dma_wait3A_266 = tpu.memref_slice %arg7[%sub3A_264, %dma_wait3A_265] : memref<158x128xi32, #tpu.memory_space<vmem>> -> memref<1x128xi32, #tpu.memory_space<vmem>>
      %dma_wait3A_267 = tpu.memref_squeeze %dma_wait3A_266 : memref<1x128xi32, #tpu.memory_space<vmem>> -> memref<128xi32, #tpu.memory_space<vmem>>
      %dma_wait3A_268 = arith.constant 0 : i32
      %dma_wait3A_269 = arith.constant 0 : i32
      %dma_wait3A_270 = tpu.memref_slice %arg21[%dma_wait3A_268, %dma_wait3A_269] : memref<10240x64xf32, #tpu.memory_space<vmem_shared>> -> memref<10240x64xf32, #tpu.memory_space<vmem_shared>>
      tpu.wait_indirect_dma semaphore(%arg17 : memref<!tpu.dma_semaphore, #tpu.memory_space<semaphore_mem>>) src(%arg8 : memref<128x64xf32, #tpu.memory_space<vmem>>) dst(%dma_wait3A_270 : memref<10240x64xf32, #tpu.memory_space<vmem_shared>>)
      %add3A_271 = arith.constant 2 : i32
      %add3A_272 = arith.addi %add3A_251, %add3A_271 : i32
      %dma_start3A_273 = arith.constant 0 : i32
      %dma_start3A_274 = tpu.memref_slice %arg6[%add3A_272, %dma_start3A_273] : memref<160x128xi32, #tpu.memory_space<vmem>> -> memref<1x128xi32, #tpu.memory_space<vmem>>
      %dma_start3A_275 = tpu.memref_squeeze %dma_start3A_274 : memref<1x128xi32, #tpu.memory_space<vmem>> -> memref<128xi32, #tpu.memory_space<vmem>>
      %dma_start3A_276 = arith.constant 0 : i32
      %dma_start3A_277 = arith.constant 0 : i32
      %dma_start3A_278 = tpu.memref_slice %arg2[%dma_start3A_276, %dma_start3A_277] : memref<10240x64xf32, #tpu.memory_space<hbm>> -> memref<10240x64xf32, #tpu.memory_space<hbm>>
      tpu.enqueue_indirect_dma source(%dma_start3A_278 : memref<10240x64xf32, #tpu.memory_space<hbm>>) target(%arg8 : memref<128x64xf32, #tpu.memory_space<vmem>>) offsets(%dma_start3A_275 : memref<128xi32, #tpu.memory_space<vmem>>) semaphore(%arg13 : memref<!tpu.dma_semaphore, #tpu.memory_space<semaphore_mem>>)
      %add3A_279 = arith.constant 1 : i32
      %add3A_280 = arith.addi %add3A_249, %add3A_279 : i32
      %dma_wait3A_281 = arith.constant 0 : i32
      %dma_wait3A_282 = tpu.memref_slice %arg6[%add3A_280, %dma_wait3A_281] : memref<160x128xi32, #tpu.memory_space<vmem>> -> memref<1x128xi32, #tpu.memory_space<vmem>>
      %dma_wait3A_283 = tpu.memref_squeeze %dma_wait3A_282 : memref<1x128xi32, #tpu.memory_space<vmem>> -> memref<128xi32, #tpu.memory_space<vmem>>
      %dma_wait3A_284 = arith.constant 0 : i32
      %dma_wait3A_285 = arith.constant 0 : i32
      %dma_wait3A_286 = tpu.memref_slice %arg2[%dma_wait3A_284, %dma_wait3A_285] : memref<10240x64xf32, #tpu.memory_space<hbm>> -> memref<10240x64xf32, #tpu.memory_space<hbm>>
      tpu.wait_indirect_dma semaphore(%arg16 : memref<!tpu.dma_semaphore, #tpu.memory_space<semaphore_mem>>) src(%dma_wait3A_286 : memref<10240x64xf32, #tpu.memory_space<hbm>>) dst(%arg11 : memref<128x64xf32, #tpu.memory_space<vmem>>)
      %dma_start3A_287 = arith.constant 0 : i32
      %dma_start3A_288 = tpu.memref_slice %arg7[%add3A_280, %dma_start3A_287] : memref<158x128xi32, #tpu.memory_space<vmem>> -> memref<1x128xi32, #tpu.memory_space<vmem>>
      %dma_start3A_289 = tpu.memref_squeeze %dma_start3A_288 : memref<1x128xi32, #tpu.memory_space<vmem>> -> memref<128xi32, #tpu.memory_space<vmem>>
      %dma_start3A_290 = arith.constant 0 : i32
      %dma_start3A_291 = arith.constant 0 : i32
      %dma_start3A_292 = tpu.memref_slice %arg21[%dma_start3A_290, %dma_start3A_291] : memref<10240x64xf32, #tpu.memory_space<vmem_shared>> -> memref<10240x64xf32, #tpu.memory_space<vmem_shared>>
      tpu.enqueue_indirect_dma source(%arg11 : memref<128x64xf32, #tpu.memory_space<vmem>>) target(%dma_start3A_292 : memref<10240x64xf32, #tpu.memory_space<vmem_shared>>) offsets(%dma_start3A_289 : memref<128xi32, #tpu.memory_space<vmem>>) semaphore(%arg20 : memref<!tpu.dma_semaphore, #tpu.memory_space<semaphore_mem>>) {add = true}
      %sub3A_293 = arith.constant 2 : i32
      %sub3A_294 = arith.subi %add3A_280, %sub3A_293 : i32
      %dma_wait3A_295 = arith.constant 0 : i32
      %dma_wait3A_296 = tpu.memref_slice %arg7[%sub3A_294, %dma_wait3A_295] : memref<158x128xi32, #tpu.memory_space<vmem>> -> memref<1x128xi32, #tpu.memory_space<vmem>>
      %dma_wait3A_297 = tpu.memref_squeeze %dma_wait3A_296 : memref<1x128xi32, #tpu.memory_space<vmem>> -> memref<128xi32, #tpu.memory_space<vmem>>
      %dma_wait3A_298 = arith.constant 0 : i32
      %dma_wait3A_299 = arith.constant 0 : i32
      %dma_wait3A_300 = tpu.memref_slice %arg21[%dma_wait3A_298, %dma_wait3A_299] : memref<10240x64xf32, #tpu.memory_space<vmem_shared>> -> memref<10240x64xf32, #tpu.memory_space<vmem_shared>>
      tpu.wait_indirect_dma semaphore(%arg18 : memref<!tpu.dma_semaphore, #tpu.memory_space<semaphore_mem>>) src(%arg9 : memref<128x64xf32, #tpu.memory_space<vmem>>) dst(%dma_wait3A_300 : memref<10240x64xf32, #tpu.memory_space<vmem_shared>>)
      %add3A_301 = arith.constant 2 : i32
      %add3A_302 = arith.addi %add3A_280, %add3A_301 : i32
      %dma_start3A_303 = arith.constant 0 : i32
      %dma_start3A_304 = tpu.memref_slice %arg6[%add3A_302, %dma_start3A_303] : memref<160x128xi32, #tpu.memory_space<vmem>> -> memref<1x128xi32, #tpu.memory_space<vmem>>
      %dma_start3A_305 = tpu.memref_squeeze %dma_start3A_304 : memref<1x128xi32, #tpu.memory_space<vmem>> -> memref<128xi32, #tpu.memory_space<vmem>>
      %dma_start3A_306 = arith.constant 0 : i32
      %dma_start3A_307 = arith.constant 0 : i32
      %dma_start3A_308 = tpu.memref_slice %arg2[%dma_start3A_306, %dma_start3A_307] : memref<10240x64xf32, #tpu.memory_space<hbm>> -> memref<10240x64xf32, #tpu.memory_space<hbm>>
      tpu.enqueue_indirect_dma source(%dma_start3A_308 : memref<10240x64xf32, #tpu.memory_space<hbm>>) target(%arg9 : memref<128x64xf32, #tpu.memory_space<vmem>>) offsets(%dma_start3A_305 : memref<128xi32, #tpu.memory_space<vmem>>) semaphore(%arg14 : memref<!tpu.dma_semaphore, #tpu.memory_space<semaphore_mem>>)
      %add3A_309 = arith.constant 2 : i32
      %add3A_310 = arith.addi %add3A_249, %add3A_309 : i32
      %dma_wait3A_311 = arith.constant 0 : i32
      %dma_wait3A_312 = tpu.memref_slice %arg6[%add3A_310, %dma_wait3A_311] : memref<160x128xi32, #tpu.memory_space<vmem>> -> memref<1x128xi32, #tpu.memory_space<vmem>>
      %dma_wait3A_313 = tpu.memref_squeeze %dma_wait3A_312 : memref<1x128xi32, #tpu.memory_space<vmem>> -> memref<128xi32, #tpu.memory_space<vmem>>
      %dma_wait3A_314 = arith.constant 0 : i32
      %dma_wait3A_315 = arith.constant 0 : i32
      %dma_wait3A_316 = tpu.memref_slice %arg2[%dma_wait3A_314, %dma_wait3A_315] : memref<10240x64xf32, #tpu.memory_space<hbm>> -> memref<10240x64xf32, #tpu.memory_space<hbm>>
      tpu.wait_indirect_dma semaphore(%arg13 : memref<!tpu.dma_semaphore, #tpu.memory_space<semaphore_mem>>) src(%dma_wait3A_316 : memref<10240x64xf32, #tpu.memory_space<hbm>>) dst(%arg8 : memref<128x64xf32, #tpu.memory_space<vmem>>)
      %dma_start3A_317 = arith.constant 0 : i32
      %dma_start3A_318 = tpu.memref_slice %arg7[%add3A_310, %dma_start3A_317] : memref<158x128xi32, #tpu.memory_space<vmem>> -> memref<1x128xi32, #tpu.memory_space<vmem>>
      %dma_start3A_319 = tpu.memref_squeeze %dma_start3A_318 : memref<1x128xi32, #tpu.memory_space<vmem>> -> memref<128xi32, #tpu.memory_space<vmem>>
      %dma_start3A_320 = arith.constant 0 : i32
      %dma_start3A_321 = arith.constant 0 : i32
      %dma_start3A_322 = tpu.memref_slice %arg21[%dma_start3A_320, %dma_start3A_321] : memref<10240x64xf32, #tpu.memory_space<vmem_shared>> -> memref<10240x64xf32, #tpu.memory_space<vmem_shared>>
      tpu.enqueue_indirect_dma source(%arg8 : memref<128x64xf32, #tpu.memory_space<vmem>>) target(%dma_start3A_322 : memref<10240x64xf32, #tpu.memory_space<vmem_shared>>) offsets(%dma_start3A_319 : memref<128xi32, #tpu.memory_space<vmem>>) semaphore(%arg17 : memref<!tpu.dma_semaphore, #tpu.memory_space<semaphore_mem>>) {add = true}
      %sub3A_323 = arith.constant 2 : i32
      %sub3A_324 = arith.subi %add3A_310, %sub3A_323 : i32
      %dma_wait3A_325 = arith.constant 0 : i32
      %dma_wait3A_326 = tpu.memref_slice %arg7[%sub3A_324, %dma_wait3A_325] : memref<158x128xi32, #tpu.memory_space<vmem>> -> memref<1x128xi32, #tpu.memory_space<vmem>>
      %dma_wait3A_327 = tpu.memref_squeeze %dma_wait3A_326 : memref<1x128xi32, #tpu.memory_space<vmem>> -> memref<128xi32, #tpu.memory_space<vmem>>
      %dma_wait3A_328 = arith.constant 0 : i32
      %dma_wait3A_329 = arith.constant 0 : i32
      %dma_wait3A_330 = tpu.memref_slice %arg21[%dma_wait3A_328, %dma_wait3A_329] : memref<10240x64xf32, #tpu.memory_space<vmem_shared>> -> memref<10240x64xf32, #tpu.memory_space<vmem_shared>>
      tpu.wait_indirect_dma semaphore(%arg19 : memref<!tpu.dma_semaphore, #tpu.memory_space<semaphore_mem>>) src(%arg10 : memref<128x64xf32, #tpu.memory_space<vmem>>) dst(%dma_wait3A_330 : memref<10240x64xf32, #tpu.memory_space<vmem_shared>>)
      %add3A_331 = arith.constant 2 : i32
      %add3A_332 = arith.addi %add3A_310, %add3A_331 : i32
      %dma_start3A_333 = arith.constant 0 : i32
      %dma_start3A_334 = tpu.memref_slice %arg6[%add3A_332, %dma_start3A_333] : memref<160x128xi32, #tpu.memory_space<vmem>> -> memref<1x128xi32, #tpu.memory_space<vmem>>
      %dma_start3A_335 = tpu.memref_squeeze %dma_start3A_334 : memref<1x128xi32, #tpu.memory_space<vmem>> -> memref<128xi32, #tpu.memory_space<vmem>>
      %dma_start3A_336 = arith.constant 0 : i32
      %dma_start3A_337 = arith.constant 0 : i32
      %dma_start3A_338 = tpu.memref_slice %arg2[%dma_start3A_336, %dma_start3A_337] : memref<10240x64xf32, #tpu.memory_space<hbm>> -> memref<10240x64xf32, #tpu.memory_space<hbm>>
      tpu.enqueue_indirect_dma source(%dma_start3A_338 : memref<10240x64xf32, #tpu.memory_space<hbm>>) target(%arg10 : memref<128x64xf32, #tpu.memory_space<vmem>>) offsets(%dma_start3A_335 : memref<128xi32, #tpu.memory_space<vmem>>) semaphore(%arg15 : memref<!tpu.dma_semaphore, #tpu.memory_space<semaphore_mem>>)
      %add3A_339 = arith.constant 3 : i32
      %add3A_340 = arith.addi %add3A_249, %add3A_339 : i32
      %dma_wait3A_341 = arith.constant 0 : i32
      %dma_wait3A_342 = tpu.memref_slice %arg6[%add3A_340, %dma_wait3A_341] : memref<160x128xi32, #tpu.memory_space<vmem>> -> memref<1x128xi32, #tpu.memory_space<vmem>>
      %dma_wait3A_343 = tpu.memref_squeeze %dma_wait3A_342 : memref<1x128xi32, #tpu.memory_space<vmem>> -> memref<128xi32, #tpu.memory_space<vmem>>
      %dma_wait3A_344 = arith.constant 0 : i32
      %dma_wait3A_345 = arith.constant 0 : i32
      %dma_wait3A_346 = tpu.memref_slice %arg2[%dma_wait3A_344, %dma_wait3A_345] : memref<10240x64xf32, #tpu.memory_space<hbm>> -> memref<10240x64xf32, #tpu.memory_space<hbm>>
      tpu.wait_indirect_dma semaphore(%arg14 : memref<!tpu.dma_semaphore, #tpu.memory_space<semaphore_mem>>) src(%dma_wait3A_346 : memref<10240x64xf32, #tpu.memory_space<hbm>>) dst(%arg9 : memref<128x64xf32, #tpu.memory_space<vmem>>)
      %dma_start3A_347 = arith.constant 0 : i32
      %dma_start3A_348 = tpu.memref_slice %arg7[%add3A_340, %dma_start3A_347] : memref<158x128xi32, #tpu.memory_space<vmem>> -> memref<1x128xi32, #tpu.memory_space<vmem>>
      %dma_start3A_349 = tpu.memref_squeeze %dma_start3A_348 : memref<1x128xi32, #tpu.memory_space<vmem>> -> memref<128xi32, #tpu.memory_space<vmem>>
      %dma_start3A_350 = arith.constant 0 : i32
      %dma_start3A_351 = arith.constant 0 : i32
      %dma_start3A_352 = tpu.memref_slice %arg21[%dma_start3A_350, %dma_start3A_351] : memref<10240x64xf32, #tpu.memory_space<vmem_shared>> -> memref<10240x64xf32, #tpu.memory_space<vmem_shared>>
      tpu.enqueue_indirect_dma source(%arg9 : memref<128x64xf32, #tpu.memory_space<vmem>>) target(%dma_start3A_352 : memref<10240x64xf32, #tpu.memory_space<vmem_shared>>) offsets(%dma_start3A_349 : memref<128xi32, #tpu.memory_space<vmem>>) semaphore(%arg18 : memref<!tpu.dma_semaphore, #tpu.memory_space<semaphore_mem>>) {add = true}
      %sub3A_353 = arith.constant 2 : i32
      %sub3A_354 = arith.subi %add3A_340, %sub3A_353 : i32
      %dma_wait3A_355 = arith.constant 0 : i32
      %dma_wait3A_356 = tpu.memref_slice %arg7[%sub3A_354, %dma_wait3A_355] : memref<158x128xi32, #tpu.memory_space<vmem>> -> memref<1x128xi32, #tpu.memory_space<vmem>>
      %dma_wait3A_357 = tpu.memref_squeeze %dma_wait3A_356 : memref<1x128xi32, #tpu.memory_space<vmem>> -> memref<128xi32, #tpu.memory_space<vmem>>
      %dma_wait3A_358 = arith.constant 0 : i32
      %dma_wait3A_359 = arith.constant 0 : i32
      %dma_wait3A_360 = tpu.memref_slice %arg21[%dma_wait3A_358, %dma_wait3A_359] : memref<10240x64xf32, #tpu.memory_space<vmem_shared>> -> memref<10240x64xf32, #tpu.memory_space<vmem_shared>>
      tpu.wait_indirect_dma semaphore(%arg20 : memref<!tpu.dma_semaphore, #tpu.memory_space<semaphore_mem>>) src(%arg11 : memref<128x64xf32, #tpu.memory_space<vmem>>) dst(%dma_wait3A_360 : memref<10240x64xf32, #tpu.memory_space<vmem_shared>>)
      %add3A_361 = arith.constant 2 : i32
      %add3A_362 = arith.addi %add3A_340, %add3A_361 : i32
      %dma_start3A_363 = arith.constant 0 : i32
      %dma_start3A_364 = tpu.memref_slice %arg6[%add3A_362, %dma_start3A_363] : memref<160x128xi32, #tpu.memory_space<vmem>> -> memref<1x128xi32, #tpu.memory_space<vmem>>
      %dma_start3A_365 = tpu.memref_squeeze %dma_start3A_364 : memref<1x128xi32, #tpu.memory_space<vmem>> -> memref<128xi32, #tpu.memory_space<vmem>>
      %dma_start3A_366 = arith.constant 0 : i32
      %dma_start3A_367 = arith.constant 0 : i32
      %dma_start3A_368 = tpu.memref_slice %arg2[%dma_start3A_366, %dma_start3A_367] : memref<10240x64xf32, #tpu.memory_space<hbm>> -> memref<10240x64xf32, #tpu.memory_space<hbm>>
      tpu.enqueue_indirect_dma source(%dma_start3A_368 : memref<10240x64xf32, #tpu.memory_space<hbm>>) target(%arg11 : memref<128x64xf32, #tpu.memory_space<vmem>>) offsets(%dma_start3A_365 : memref<128xi32, #tpu.memory_space<vmem>>) semaphore(%arg16 : memref<!tpu.dma_semaphore, #tpu.memory_space<semaphore_mem>>)
    }
    %scan3A_211 = arith.constant 39 : i32
    %dma_wait3A_212 = arith.constant 156 : i32
    %dma_wait3A_213 = arith.constant 0 : i32
    %dma_wait3A_214 = tpu.memref_slice %arg7[%dma_wait3A_212, %dma_wait3A_213] : memref<158x128xi32, #tpu.memory_space<vmem>> -> memref<1x128xi32, #tpu.memory_space<vmem>>
    %dma_wait3A_215 = tpu.memref_squeeze %dma_wait3A_214 : memref<1x128xi32, #tpu.memory_space<vmem>> -> memref<128xi32, #tpu.memory_space<vmem>>
    %dma_wait3A_216 = arith.constant 0 : i32
    %dma_wait3A_217 = arith.constant 0 : i32
    %dma_wait3A_218 = tpu.memref_slice %arg21[%dma_wait3A_216, %dma_wait3A_217] : memref<10240x64xf32, #tpu.memory_space<vmem_shared>> -> memref<10240x64xf32, #tpu.memory_space<vmem_shared>>
    tpu.wait_indirect_dma semaphore(%arg17 : memref<!tpu.dma_semaphore, #tpu.memory_space<semaphore_mem>>) src(%arg8 : memref<128x64xf32, #tpu.memory_space<vmem>>) dst(%dma_wait3A_218 : memref<10240x64xf32, #tpu.memory_space<vmem_shared>>)
    %dma_wait3A_219 = arith.constant 157 : i32
    %dma_wait3A_220 = arith.constant 0 : i32
    %dma_wait3A_221 = tpu.memref_slice %arg7[%dma_wait3A_219, %dma_wait3A_220] : memref<158x128xi32, #tpu.memory_space<vmem>> -> memref<1x128xi32, #tpu.memory_space<vmem>>
    %dma_wait3A_222 = tpu.memref_squeeze %dma_wait3A_221 : memref<1x128xi32, #tpu.memory_space<vmem>> -> memref<128xi32, #tpu.memory_space<vmem>>
    %dma_wait3A_223 = arith.constant 0 : i32
    %dma_wait3A_224 = arith.constant 0 : i32
    %dma_wait3A_225 = tpu.memref_slice %arg21[%dma_wait3A_223, %dma_wait3A_224] : memref<10240x64xf32, #tpu.memory_space<vmem_shared>> -> memref<10240x64xf32, #tpu.memory_space<vmem_shared>>
    tpu.wait_indirect_dma semaphore(%arg18 : memref<!tpu.dma_semaphore, #tpu.memory_space<semaphore_mem>>) src(%arg9 : memref<128x64xf32, #tpu.memory_space<vmem>>) dst(%dma_wait3A_225 : memref<10240x64xf32, #tpu.memory_space<vmem_shared>>)
    %dma_wait3A_226 = arith.constant 158 : i32
    %dma_wait3A_227 = arith.constant 0 : i32
    %dma_wait3A_228 = tpu.memref_slice %arg6[%dma_wait3A_226, %dma_wait3A_227] : memref<160x128xi32, #tpu.memory_space<vmem>> -> memref<1x128xi32, #tpu.memory_space<vmem>>
    %dma_wait3A_229 = tpu.memref_squeeze %dma_wait3A_228 : memref<1x128xi32, #tpu.memory_space<vmem>> -> memref<128xi32, #tpu.memory_space<vmem>>
    %dma_wait3A_230 = arith.constant 0 : i32
    %dma_wait3A_231 = arith.constant 0 : i32
    %dma_wait3A_232 = tpu.memref_slice %arg2[%dma_wait3A_230, %dma_wait3A_231] : memref<10240x64xf32, #tpu.memory_space<hbm>> -> memref<10240x64xf32, #tpu.memory_space<hbm>>
    tpu.wait_indirect_dma semaphore(%arg15 : memref<!tpu.dma_semaphore, #tpu.memory_space<semaphore_mem>>) src(%dma_wait3A_232 : memref<10240x64xf32, #tpu.memory_space<hbm>>) dst(%arg10 : memref<128x64xf32, #tpu.memory_space<vmem>>)
    %dma_wait3A_233 = arith.constant 159 : i32
    %dma_wait3A_234 = arith.constant 0 : i32
    %dma_wait3A_235 = tpu.memref_slice %arg6[%dma_wait3A_233, %dma_wait3A_234] : memref<160x128xi32, #tpu.memory_space<vmem>> -> memref<1x128xi32, #tpu.memory_space<vmem>>
    %dma_wait3A_236 = tpu.memref_squeeze %dma_wait3A_235 : memref<1x128xi32, #tpu.memory_space<vmem>> -> memref<128xi32, #tpu.memory_space<vmem>>
    %dma_wait3A_237 = arith.constant 0 : i32
    %dma_wait3A_238 = arith.constant 0 : i32
    %dma_wait3A_239 = tpu.memref_slice %arg2[%dma_wait3A_237, %dma_wait3A_238] : memref<10240x64xf32, #tpu.memory_space<hbm>> -> memref<10240x64xf32, #tpu.memory_space<hbm>>
    tpu.wait_indirect_dma semaphore(%arg16 : memref<!tpu.dma_semaphore, #tpu.memory_space<semaphore_mem>>) src(%dma_wait3A_239 : memref<10240x64xf32, #tpu.memory_space<hbm>>) dst(%arg11 : memref<128x64xf32, #tpu.memory_space<vmem>>)
    %barrier3A_240 = arith.constant 0 : index
    tpu.barrier barrier_id(%barrier3A_240)
    %mul3A_241 = arith.constant 640 : i32
    %mul3A_242 = arith.muli %arg1, %mul3A_241 : i32
    %mul3A_243 = arith.constant 640 : i32
    %mul3A_244 = arith.muli %arg1, %mul3A_243 : i32
    "tpu.region"() ({
      %run_scoped3A = tpu.sem_alloc : memref<!tpu.dma_semaphore, #tpu.memory_space<semaphore_mem>>
      %dma_start3A_245 = arith.constant 0 : i32
      %dma_start3A_246 = tpu.memref_slice %arg5[%arg0, %mul3A_244, %dma_start3A_245] : memref<2x10240x64xf32, #tpu.memory_space<hbm>> -> memref<1x640x64xf32, #tpu.memory_space<hbm>>
      %dma_start3A_247 = tpu.memref_squeeze %dma_start3A_246 : memref<1x640x64xf32, #tpu.memory_space<hbm>> -> memref<640x64xf32, #tpu.memory_space<hbm>>
      %dma_start3A_248 = arith.constant 0 : i32
      %dma_start3A_249 = tpu.memref_slice %arg21[%mul3A_242, %dma_start3A_248] : memref<10240x64xf32, #tpu.memory_space<vmem_shared>> -> memref<640x64xf32, #tpu.memory_space<vmem_shared>>
      tpu.enqueue_dma source(%dma_start3A_249 : memref<640x64xf32, #tpu.memory_space<vmem_shared>>) target(%dma_start3A_247 : memref<640x64xf32, #tpu.memory_space<hbm>>) target_semaphore(%run_scoped3A : memref<!tpu.dma_semaphore, #tpu.memory_space<semaphore_mem>>)
      %dma_wait3A_250 = arith.constant 0 : i32
      %dma_wait3A_251 = tpu.memref_slice %arg5[%arg0, %mul3A_244, %dma_wait3A_250] : memref<2x10240x64xf32, #tpu.memory_space<hbm>> -> memref<1x640x64xf32, #tpu.memory_space<hbm>>
      %dma_wait3A_252 = tpu.memref_squeeze %dma_wait3A_251 : memref<1x640x64xf32, #tpu.memory_space<hbm>> -> memref<640x64xf32, #tpu.memory_space<hbm>>
      %dma_wait3A_253 = arith.constant 0 : i32
      %dma_wait3A_254 = tpu.memref_slice %arg21[%mul3A_242, %dma_wait3A_253] : memref<10240x64xf32, #tpu.memory_space<vmem_shared>> -> memref<640x64xf32, #tpu.memory_space<vmem_shared>>
      tpu.wait_dma2 semaphore(%run_scoped3A : memref<!tpu.dma_semaphore, #tpu.memory_space<semaphore_mem>>) src(%dma_wait3A_254 : memref<640x64xf32, #tpu.memory_space<vmem_shared>>) dst(%dma_wait3A_252 : memref<640x64xf32, #tpu.memory_space<hbm>>)
      tpu.yield
    }) : () -> ()
    return
  }
}

#map = affine_map<(d0, d1) -> (0, 0)>
#map1 = affine_map<(d0, d1) -> (0, 0, 0)>
module attributes {stable_mosaic.version = 14 : i64} {
  func.func @_sc_agg(%arg0: i32, %arg1: i32, %arg2: memref<10240x64xf32, #tpu.memory_space<hbm>>, %arg3: memref<10240x64xf32, #tpu.memory_space<hbm>>, %arg4: memref<32x158x128xi32, #tpu.memory_space<hbm>>, %arg5: memref<32x158x128xi32, #tpu.memory_space<hbm>>, %arg6: memref<2x10240x64xf32, #tpu.memory_space<hbm>>, %arg7: memref<2x10240x64xf32, #tpu.memory_space<hbm>>, %arg8: memref<160x128xi32, #tpu.memory_space<vmem>>, %arg9: memref<158x128xi32, #tpu.memory_space<vmem>>, %arg10: memref<128x64xf32, #tpu.memory_space<vmem>>, %arg11: memref<128x64xf32, #tpu.memory_space<vmem>>, %arg12: memref<128x64xf32, #tpu.memory_space<vmem>>, %arg13: memref<128x64xf32, #tpu.memory_space<vmem>>, %arg14: memref<128x64xf32, #tpu.memory_space<vmem>>, %arg15: memref<!tpu.dma_semaphore, #tpu.memory_space<semaphore_mem>>, %arg16: memref<!tpu.dma_semaphore, #tpu.memory_space<semaphore_mem>>, %arg17: memref<!tpu.dma_semaphore, #tpu.memory_space<semaphore_mem>>, %arg18: memref<!tpu.dma_semaphore, #tpu.memory_space<semaphore_mem>>, %arg19: memref<!tpu.dma_semaphore, #tpu.memory_space<semaphore_mem>>, %arg20: memref<!tpu.dma_semaphore, #tpu.memory_space<semaphore_mem>>, %arg21: memref<!tpu.dma_semaphore, #tpu.memory_space<semaphore_mem>>, %arg22: memref<!tpu.dma_semaphore, #tpu.memory_space<semaphore_mem>>, %arg23: memref<10240x64xf32, #tpu.memory_space<vmem_shared>>) attributes {dimension_semantics = [#tpu.dimension_semantics<core_parallel>, #tpu.dimension_semantics<subcore_parallel>], iteration_bounds = array<i64: 2, 16>, scalar_prefetch = 0 : i64, scratch_operands = 16 : i64, tpu.core_type = #tpu.core_type<sc_vector_subcore>, window_params = [{transform_indices = #map}, {transform_indices = #map}, {transform_indices = #map1}, {transform_indices = #map1}, {transform_indices = #map1}, {transform_indices = #map1}]} {
    %mul3A = arith.constant 2 : i32
    %mul3A_0 = arith.muli %arg1, %mul3A : i32
    %add3A = arith.addi %mul3A_0, %arg0 : i32
    "tpu.region"() ({
      %run_scoped3A = tpu.sem_alloc : memref<!tpu.dma_semaphore, #tpu.memory_space<semaphore_mem>>
      %dma_start3A_361 = arith.constant 0 : i32
      %dma_start3A_362 = arith.constant 0 : i32
      %dma_start3A_363 = tpu.memref_slice %arg8[%dma_start3A_361, %dma_start3A_362] : memref<160x128xi32, #tpu.memory_space<vmem>> -> memref<158x128xi32, #tpu.memory_space<vmem>>
      %dma_start3A_364 = arith.constant 0 : i32
      %dma_start3A_365 = arith.constant 0 : i32
      %dma_start3A_366 = tpu.memref_slice %arg4[%add3A, %dma_start3A_364, %dma_start3A_365] : memref<32x158x128xi32, #tpu.memory_space<hbm>> -> memref<1x158x128xi32, #tpu.memory_space<hbm>>
      %dma_start3A_367 = tpu.memref_squeeze %dma_start3A_366 : memref<1x158x128xi32, #tpu.memory_space<hbm>> -> memref<158x128xi32, #tpu.memory_space<hbm>>
      %dma_start3A_368 = arith.constant 0 : i32
      %dma_start3A_369 = arith.constant 0 : i32
      %dma_start3A_370 = tpu.memref_slice %arg8[%dma_start3A_368, %dma_start3A_369] : memref<160x128xi32, #tpu.memory_space<vmem>> -> memref<158x128xi32, #tpu.memory_space<vmem>>
      %dma_start3A_371 = arith.constant 0 : i32
      %dma_start3A_372 = arith.constant 0 : i32
      %dma_start3A_373 = tpu.memref_slice %arg4[%add3A, %dma_start3A_371, %dma_start3A_372] : memref<32x158x128xi32, #tpu.memory_space<hbm>> -> memref<1x158x128xi32, #tpu.memory_space<hbm>>
      %dma_start3A_374 = tpu.memref_squeeze %dma_start3A_373 : memref<1x158x128xi32, #tpu.memory_space<hbm>> -> memref<158x128xi32, #tpu.memory_space<hbm>>
      tpu.enqueue_dma source(%dma_start3A_374 : memref<158x128xi32, #tpu.memory_space<hbm>>) target(%dma_start3A_370 : memref<158x128xi32, #tpu.memory_space<vmem>>) target_semaphore(%run_scoped3A : memref<!tpu.dma_semaphore, #tpu.memory_space<semaphore_mem>>)
      %dma_wait3A_375 = arith.constant 0 : i32
      %dma_wait3A_376 = arith.constant 0 : i32
      %dma_wait3A_377 = tpu.memref_slice %arg8[%dma_wait3A_375, %dma_wait3A_376] : memref<160x128xi32, #tpu.memory_space<vmem>> -> memref<158x128xi32, #tpu.memory_space<vmem>>
      %dma_wait3A_378 = arith.constant 0 : i32
      %dma_wait3A_379 = arith.constant 0 : i32
      %dma_wait3A_380 = tpu.memref_slice %arg4[%add3A, %dma_wait3A_378, %dma_wait3A_379] : memref<32x158x128xi32, #tpu.memory_space<hbm>> -> memref<1x158x128xi32, #tpu.memory_space<hbm>>
      %dma_wait3A_381 = tpu.memref_squeeze %dma_wait3A_380 : memref<1x158x128xi32, #tpu.memory_space<hbm>> -> memref<158x128xi32, #tpu.memory_space<hbm>>
      %dma_wait3A_382 = arith.constant 0 : i32
      %dma_wait3A_383 = arith.constant 0 : i32
      %dma_wait3A_384 = tpu.memref_slice %arg8[%dma_wait3A_382, %dma_wait3A_383] : memref<160x128xi32, #tpu.memory_space<vmem>> -> memref<158x128xi32, #tpu.memory_space<vmem>>
      %dma_wait3A_385 = arith.constant 0 : i32
      %dma_wait3A_386 = arith.constant 0 : i32
      %dma_wait3A_387 = tpu.memref_slice %arg4[%add3A, %dma_wait3A_385, %dma_wait3A_386] : memref<32x158x128xi32, #tpu.memory_space<hbm>> -> memref<1x158x128xi32, #tpu.memory_space<hbm>>
      %dma_wait3A_388 = tpu.memref_squeeze %dma_wait3A_387 : memref<1x158x128xi32, #tpu.memory_space<hbm>> -> memref<158x128xi32, #tpu.memory_space<hbm>>
      tpu.wait_dma2 semaphore(%run_scoped3A : memref<!tpu.dma_semaphore, #tpu.memory_space<semaphore_mem>>) src(%dma_wait3A_388 : memref<158x128xi32, #tpu.memory_space<hbm>>) dst(%dma_wait3A_384 : memref<158x128xi32, #tpu.memory_space<vmem>>)
      tpu.yield
    }) : () -> ()
    "tpu.region"() ({
      %run_scoped3A = tpu.sem_alloc : memref<!tpu.dma_semaphore, #tpu.memory_space<semaphore_mem>>
      %dma_start3A_361 = arith.constant 0 : i32
      %dma_start3A_362 = arith.constant 0 : i32
      %dma_start3A_363 = tpu.memref_slice %arg5[%add3A, %dma_start3A_361, %dma_start3A_362] : memref<32x158x128xi32, #tpu.memory_space<hbm>> -> memref<1x158x128xi32, #tpu.memory_space<hbm>>
      %dma_start3A_364 = tpu.memref_squeeze %dma_start3A_363 : memref<1x158x128xi32, #tpu.memory_space<hbm>> -> memref<158x128xi32, #tpu.memory_space<hbm>>
      %dma_start3A_365 = arith.constant 0 : i32
      %dma_start3A_366 = arith.constant 0 : i32
      %dma_start3A_367 = tpu.memref_slice %arg5[%add3A, %dma_start3A_365, %dma_start3A_366] : memref<32x158x128xi32, #tpu.memory_space<hbm>> -> memref<1x158x128xi32, #tpu.memory_space<hbm>>
      %dma_start3A_368 = tpu.memref_squeeze %dma_start3A_367 : memref<1x158x128xi32, #tpu.memory_space<hbm>> -> memref<158x128xi32, #tpu.memory_space<hbm>>
      tpu.enqueue_dma source(%dma_start3A_368 : memref<158x128xi32, #tpu.memory_space<hbm>>) target(%arg9 : memref<158x128xi32, #tpu.memory_space<vmem>>) target_semaphore(%run_scoped3A : memref<!tpu.dma_semaphore, #tpu.memory_space<semaphore_mem>>)
      %dma_wait3A_369 = arith.constant 0 : i32
      %dma_wait3A_370 = arith.constant 0 : i32
      %dma_wait3A_371 = tpu.memref_slice %arg5[%add3A, %dma_wait3A_369, %dma_wait3A_370] : memref<32x158x128xi32, #tpu.memory_space<hbm>> -> memref<1x158x128xi32, #tpu.memory_space<hbm>>
      %dma_wait3A_372 = tpu.memref_squeeze %dma_wait3A_371 : memref<1x158x128xi32, #tpu.memory_space<hbm>> -> memref<158x128xi32, #tpu.memory_space<hbm>>
      %dma_wait3A_373 = arith.constant 0 : i32
      %dma_wait3A_374 = arith.constant 0 : i32
      %dma_wait3A_375 = tpu.memref_slice %arg5[%add3A, %dma_wait3A_373, %dma_wait3A_374] : memref<32x158x128xi32, #tpu.memory_space<hbm>> -> memref<1x158x128xi32, #tpu.memory_space<hbm>>
      %dma_wait3A_376 = tpu.memref_squeeze %dma_wait3A_375 : memref<1x158x128xi32, #tpu.memory_space<hbm>> -> memref<158x128xi32, #tpu.memory_space<hbm>>
      tpu.wait_dma2 semaphore(%run_scoped3A : memref<!tpu.dma_semaphore, #tpu.memory_space<semaphore_mem>>) src(%dma_wait3A_376 : memref<158x128xi32, #tpu.memory_space<hbm>>) dst(%arg9 : memref<158x128xi32, #tpu.memory_space<vmem>>)
      tpu.yield
    }) : () -> ()
    %broadcast_in_dim3A = arith.constant 0 : i32
    %broadcast_in_dim3A_1 = vector.broadcast %broadcast_in_dim3A : i32 to vector<16xi32>
    %swap3A = arith.constant 158 : i32
    %swap3A_2 = arith.index_cast %swap3A : i32 to index
    %swap3A_3 = arith.constant 0 : index
    %swap3A_4 = tpu.vector_load %arg8[%swap3A_2, %swap3A_3] {strides = array<i32>} : memref<160x128xi32, #tpu.memory_space<vmem>>, vector<1x16xi32>,
    %swap3A_5 = vector.shape_cast %swap3A_4 : vector<1x16xi32> to vector<16xi32>
    %swap3A_6 = vector.shape_cast %broadcast_in_dim3A_1 : vector<16xi32> to vector<1x16xi32>
    tpu.vector_store %arg8[%swap3A_2, %swap3A_3], %swap3A_6 {strides = array<i32>} : memref<160x128xi32, #tpu.memory_space<vmem>>, vector<1x16xi32>,
    %broadcast_in_dim3A_7 = arith.constant 0 : i32
    %broadcast_in_dim3A_8 = vector.broadcast %broadcast_in_dim3A_7 : i32 to vector<16xi32>
    %swap3A_9 = arith.constant 159 : i32
    %swap3A_10 = arith.index_cast %swap3A_9 : i32 to index
    %swap3A_11 = arith.constant 0 : index
    %swap3A_12 = tpu.vector_load %arg8[%swap3A_10, %swap3A_11] {strides = array<i32>} : memref<160x128xi32, #tpu.memory_space<vmem>>, vector<1x16xi32>,
    %swap3A_13 = vector.shape_cast %swap3A_12 : vector<1x16xi32> to vector<16xi32>
    %swap3A_14 = vector.shape_cast %broadcast_in_dim3A_8 : vector<16xi32> to vector<1x16xi32>
    tpu.vector_store %arg8[%swap3A_10, %swap3A_11], %swap3A_14 {strides = array<i32>} : memref<160x128xi32, #tpu.memory_space<vmem>>, vector<1x16xi32>,
    %broadcast_in_dim3A_15 = arith.constant 0 : i32
    %broadcast_in_dim3A_16 = vector.broadcast %broadcast_in_dim3A_15 : i32 to vector<16xi32>
    %swap3A_17 = arith.constant 158 : i32
    %swap3A_18 = arith.index_cast %swap3A_17 : i32 to index
    %swap3A_19 = arith.constant 16 : index
    %swap3A_20 = tpu.vector_load %arg8[%swap3A_18, %swap3A_19] {strides = array<i32>} : memref<160x128xi32, #tpu.memory_space<vmem>>, vector<1x16xi32>,
    %swap3A_21 = vector.shape_cast %swap3A_20 : vector<1x16xi32> to vector<16xi32>
    %swap3A_22 = vector.shape_cast %broadcast_in_dim3A_16 : vector<16xi32> to vector<1x16xi32>
    tpu.vector_store %arg8[%swap3A_18, %swap3A_19], %swap3A_22 {strides = array<i32>} : memref<160x128xi32, #tpu.memory_space<vmem>>, vector<1x16xi32>,
    %broadcast_in_dim3A_23 = arith.constant 0 : i32
    %broadcast_in_dim3A_24 = vector.broadcast %broadcast_in_dim3A_23 : i32 to vector<16xi32>
    %swap3A_25 = arith.constant 159 : i32
    %swap3A_26 = arith.index_cast %swap3A_25 : i32 to index
    %swap3A_27 = arith.constant 16 : index
    %swap3A_28 = tpu.vector_load %arg8[%swap3A_26, %swap3A_27] {strides = array<i32>} : memref<160x128xi32, #tpu.memory_space<vmem>>, vector<1x16xi32>,
    %swap3A_29 = vector.shape_cast %swap3A_28 : vector<1x16xi32> to vector<16xi32>
    %swap3A_30 = vector.shape_cast %broadcast_in_dim3A_24 : vector<16xi32> to vector<1x16xi32>
    tpu.vector_store %arg8[%swap3A_26, %swap3A_27], %swap3A_30 {strides = array<i32>} : memref<160x128xi32, #tpu.memory_space<vmem>>, vector<1x16xi32>,
    %broadcast_in_dim3A_31 = arith.constant 0 : i32
    %broadcast_in_dim3A_32 = vector.broadcast %broadcast_in_dim3A_31 : i32 to vector<16xi32>
    %swap3A_33 = arith.constant 158 : i32
    %swap3A_34 = arith.index_cast %swap3A_33 : i32 to index
    %swap3A_35 = arith.constant 32 : index
    %swap3A_36 = tpu.vector_load %arg8[%swap3A_34, %swap3A_35] {strides = array<i32>} : memref<160x128xi32, #tpu.memory_space<vmem>>, vector<1x16xi32>,
    %swap3A_37 = vector.shape_cast %swap3A_36 : vector<1x16xi32> to vector<16xi32>
    %swap3A_38 = vector.shape_cast %broadcast_in_dim3A_32 : vector<16xi32> to vector<1x16xi32>
    tpu.vector_store %arg8[%swap3A_34, %swap3A_35], %swap3A_38 {strides = array<i32>} : memref<160x128xi32, #tpu.memory_space<vmem>>, vector<1x16xi32>,
    %broadcast_in_dim3A_39 = arith.constant 0 : i32
    %broadcast_in_dim3A_40 = vector.broadcast %broadcast_in_dim3A_39 : i32 to vector<16xi32>
    %swap3A_41 = arith.constant 159 : i32
    %swap3A_42 = arith.index_cast %swap3A_41 : i32 to index
    %swap3A_43 = arith.constant 32 : index
    %swap3A_44 = tpu.vector_load %arg8[%swap3A_42, %swap3A_43] {strides = array<i32>} : memref<160x128xi32, #tpu.memory_space<vmem>>, vector<1x16xi32>,
    %swap3A_45 = vector.shape_cast %swap3A_44 : vector<1x16xi32> to vector<16xi32>
    %swap3A_46 = vector.shape_cast %broadcast_in_dim3A_40 : vector<16xi32> to vector<1x16xi32>
    tpu.vector_store %arg8[%swap3A_42, %swap3A_43], %swap3A_46 {strides = array<i32>} : memref<160x128xi32, #tpu.memory_space<vmem>>, vector<1x16xi32>,
    %broadcast_in_dim3A_47 = arith.constant 0 : i32
    %broadcast_in_dim3A_48 = vector.broadcast %broadcast_in_dim3A_47 : i32 to vector<16xi32>
    %swap3A_49 = arith.constant 158 : i32
    %swap3A_50 = arith.index_cast %swap3A_49 : i32 to index
    %swap3A_51 = arith.constant 48 : index
    %swap3A_52 = tpu.vector_load %arg8[%swap3A_50, %swap3A_51] {strides = array<i32>} : memref<160x128xi32, #tpu.memory_space<vmem>>, vector<1x16xi32>,
    %swap3A_53 = vector.shape_cast %swap3A_52 : vector<1x16xi32> to vector<16xi32>
    %swap3A_54 = vector.shape_cast %broadcast_in_dim3A_48 : vector<16xi32> to vector<1x16xi32>
    tpu.vector_store %arg8[%swap3A_50, %swap3A_51], %swap3A_54 {strides = array<i32>} : memref<160x128xi32, #tpu.memory_space<vmem>>, vector<1x16xi32>,
    %broadcast_in_dim3A_55 = arith.constant 0 : i32
    %broadcast_in_dim3A_56 = vector.broadcast %broadcast_in_dim3A_55 : i32 to vector<16xi32>
    %swap3A_57 = arith.constant 159 : i32
    %swap3A_58 = arith.index_cast %swap3A_57 : i32 to index
    %swap3A_59 = arith.constant 48 : index
    %swap3A_60 = tpu.vector_load %arg8[%swap3A_58, %swap3A_59] {strides = array<i32>} : memref<160x128xi32, #tpu.memory_space<vmem>>, vector<1x16xi32>,
    %swap3A_61 = vector.shape_cast %swap3A_60 : vector<1x16xi32> to vector<16xi32>
    %swap3A_62 = vector.shape_cast %broadcast_in_dim3A_56 : vector<16xi32> to vector<1x16xi32>
    tpu.vector_store %arg8[%swap3A_58, %swap3A_59], %swap3A_62 {strides = array<i32>} : memref<160x128xi32, #tpu.memory_space<vmem>>, vector<1x16xi32>,
    %broadcast_in_dim3A_63 = arith.constant 0 : i32
    %broadcast_in_dim3A_64 = vector.broadcast %broadcast_in_dim3A_63 : i32 to vector<16xi32>
    %swap3A_65 = arith.constant 158 : i32
    %swap3A_66 = arith.index_cast %swap3A_65 : i32 to index
    %swap3A_67 = arith.constant 64 : index
    %swap3A_68 = tpu.vector_load %arg8[%swap3A_66, %swap3A_67] {strides = array<i32>} : memref<160x128xi32, #tpu.memory_space<vmem>>, vector<1x16xi32>,
    %swap3A_69 = vector.shape_cast %swap3A_68 : vector<1x16xi32> to vector<16xi32>
    %swap3A_70 = vector.shape_cast %broadcast_in_dim3A_64 : vector<16xi32> to vector<1x16xi32>
    tpu.vector_store %arg8[%swap3A_66, %swap3A_67], %swap3A_70 {strides = array<i32>} : memref<160x128xi32, #tpu.memory_space<vmem>>, vector<1x16xi32>,
    %broadcast_in_dim3A_71 = arith.constant 0 : i32
    %broadcast_in_dim3A_72 = vector.broadcast %broadcast_in_dim3A_71 : i32 to vector<16xi32>
    %swap3A_73 = arith.constant 159 : i32
    %swap3A_74 = arith.index_cast %swap3A_73 : i32 to index
    %swap3A_75 = arith.constant 64 : index
    %swap3A_76 = tpu.vector_load %arg8[%swap3A_74, %swap3A_75] {strides = array<i32>} : memref<160x128xi32, #tpu.memory_space<vmem>>, vector<1x16xi32>,
    %swap3A_77 = vector.shape_cast %swap3A_76 : vector<1x16xi32> to vector<16xi32>
    %swap3A_78 = vector.shape_cast %broadcast_in_dim3A_72 : vector<16xi32> to vector<1x16xi32>
    tpu.vector_store %arg8[%swap3A_74, %swap3A_75], %swap3A_78 {strides = array<i32>} : memref<160x128xi32, #tpu.memory_space<vmem>>, vector<1x16xi32>,
    %broadcast_in_dim3A_79 = arith.constant 0 : i32
    %broadcast_in_dim3A_80 = vector.broadcast %broadcast_in_dim3A_79 : i32 to vector<16xi32>
    %swap3A_81 = arith.constant 158 : i32
    %swap3A_82 = arith.index_cast %swap3A_81 : i32 to index
    %swap3A_83 = arith.constant 80 : index
    %swap3A_84 = tpu.vector_load %arg8[%swap3A_82, %swap3A_83] {strides = array<i32>} : memref<160x128xi32, #tpu.memory_space<vmem>>, vector<1x16xi32>,
    %swap3A_85 = vector.shape_cast %swap3A_84 : vector<1x16xi32> to vector<16xi32>
    %swap3A_86 = vector.shape_cast %broadcast_in_dim3A_80 : vector<16xi32> to vector<1x16xi32>
    tpu.vector_store %arg8[%swap3A_82, %swap3A_83], %swap3A_86 {strides = array<i32>} : memref<160x128xi32, #tpu.memory_space<vmem>>, vector<1x16xi32>,
    %broadcast_in_dim3A_87 = arith.constant 0 : i32
    %broadcast_in_dim3A_88 = vector.broadcast %broadcast_in_dim3A_87 : i32 to vector<16xi32>
    %swap3A_89 = arith.constant 159 : i32
    %swap3A_90 = arith.index_cast %swap3A_89 : i32 to index
    %swap3A_91 = arith.constant 80 : index
    %swap3A_92 = tpu.vector_load %arg8[%swap3A_90, %swap3A_91] {strides = array<i32>} : memref<160x128xi32, #tpu.memory_space<vmem>>, vector<1x16xi32>,
    %swap3A_93 = vector.shape_cast %swap3A_92 : vector<1x16xi32> to vector<16xi32>
    %swap3A_94 = vector.shape_cast %broadcast_in_dim3A_88 : vector<16xi32> to vector<1x16xi32>
    tpu.vector_store %arg8[%swap3A_90, %swap3A_91], %swap3A_94 {strides = array<i32>} : memref<160x128xi32, #tpu.memory_space<vmem>>, vector<1x16xi32>,
    %broadcast_in_dim3A_95 = arith.constant 0 : i32
    %broadcast_in_dim3A_96 = vector.broadcast %broadcast_in_dim3A_95 : i32 to vector<16xi32>
    %swap3A_97 = arith.constant 158 : i32
    %swap3A_98 = arith.index_cast %swap3A_97 : i32 to index
    %swap3A_99 = arith.constant 96 : index
    %swap3A_100 = tpu.vector_load %arg8[%swap3A_98, %swap3A_99] {strides = array<i32>} : memref<160x128xi32, #tpu.memory_space<vmem>>, vector<1x16xi32>,
    %swap3A_101 = vector.shape_cast %swap3A_100 : vector<1x16xi32> to vector<16xi32>
    %swap3A_102 = vector.shape_cast %broadcast_in_dim3A_96 : vector<16xi32> to vector<1x16xi32>
    tpu.vector_store %arg8[%swap3A_98, %swap3A_99], %swap3A_102 {strides = array<i32>} : memref<160x128xi32, #tpu.memory_space<vmem>>, vector<1x16xi32>,
    %broadcast_in_dim3A_103 = arith.constant 0 : i32
    %broadcast_in_dim3A_104 = vector.broadcast %broadcast_in_dim3A_103 : i32 to vector<16xi32>
    %swap3A_105 = arith.constant 159 : i32
    %swap3A_106 = arith.index_cast %swap3A_105 : i32 to index
    %swap3A_107 = arith.constant 96 : index
    %swap3A_108 = tpu.vector_load %arg8[%swap3A_106, %swap3A_107] {strides = array<i32>} : memref<160x128xi32, #tpu.memory_space<vmem>>, vector<1x16xi32>,
    %swap3A_109 = vector.shape_cast %swap3A_108 : vector<1x16xi32> to vector<16xi32>
    %swap3A_110 = vector.shape_cast %broadcast_in_dim3A_104 : vector<16xi32> to vector<1x16xi32>
    tpu.vector_store %arg8[%swap3A_106, %swap3A_107], %swap3A_110 {strides = array<i32>} : memref<160x128xi32, #tpu.memory_space<vmem>>, vector<1x16xi32>,
    %broadcast_in_dim3A_111 = arith.constant 0 : i32
    %broadcast_in_dim3A_112 = vector.broadcast %broadcast_in_dim3A_111 : i32 to vector<16xi32>
    %swap3A_113 = arith.constant 158 : i32
    %swap3A_114 = arith.index_cast %swap3A_113 : i32 to index
    %swap3A_115 = arith.constant 112 : index
    %swap3A_116 = tpu.vector_load %arg8[%swap3A_114, %swap3A_115] {strides = array<i32>} : memref<160x128xi32, #tpu.memory_space<vmem>>, vector<1x16xi32>,
    %swap3A_117 = vector.shape_cast %swap3A_116 : vector<1x16xi32> to vector<16xi32>
    %swap3A_118 = vector.shape_cast %broadcast_in_dim3A_112 : vector<16xi32> to vector<1x16xi32>
    tpu.vector_store %arg8[%swap3A_114, %swap3A_115], %swap3A_118 {strides = array<i32>} : memref<160x128xi32, #tpu.memory_space<vmem>>, vector<1x16xi32>,
    %broadcast_in_dim3A_119 = arith.constant 0 : i32
    %broadcast_in_dim3A_120 = vector.broadcast %broadcast_in_dim3A_119 : i32 to vector<16xi32>
    %swap3A_121 = arith.constant 159 : i32
    %swap3A_122 = arith.index_cast %swap3A_121 : i32 to index
    %swap3A_123 = arith.constant 112 : index
    %swap3A_124 = tpu.vector_load %arg8[%swap3A_122, %swap3A_123] {strides = array<i32>} : memref<160x128xi32, #tpu.memory_space<vmem>>, vector<1x16xi32>,
    %swap3A_125 = vector.shape_cast %swap3A_124 : vector<1x16xi32> to vector<16xi32>
    %swap3A_126 = vector.shape_cast %broadcast_in_dim3A_120 : vector<16xi32> to vector<1x16xi32>
    tpu.vector_store %arg8[%swap3A_122, %swap3A_123], %swap3A_126 {strides = array<i32>} : memref<160x128xi32, #tpu.memory_space<vmem>>, vector<1x16xi32>,
    %scan3A = arith.constant 0 : i32
    %scan3A_127 = arith.constant 0 : i32
    %scan3A_128 = arith.constant 128 : i32
    %scan3A_129 = arith.addi %scan3A_127, %scan3A_128 : i32
    %scan3A_130 = arith.constant 1 : i32
    scf.for %scan3A_361 = %scan3A_127 to %scan3A_129 step %scan3A_130  : i32 {
      %broadcast_in_dim3A_362 = arith.constant 0.000000e+00 : f32
      %broadcast_in_dim3A_363 = vector.broadcast %broadcast_in_dim3A_362 : f32 to vector<16xf32>
      %swap3A_364 = arith.index_cast %scan3A_361 : i32 to index
      %swap3A_365 = arith.constant 0 : index
      %swap3A_366 = tpu.vector_load %arg14[%swap3A_364, %swap3A_365] {strides = array<i32>} : memref<128x64xf32, #tpu.memory_space<vmem>>, vector<1x16xf32>,
      %swap3A_367 = vector.shape_cast %swap3A_366 : vector<1x16xf32> to vector<16xf32>
      %swap3A_368 = vector.shape_cast %broadcast_in_dim3A_363 : vector<16xf32> to vector<1x16xf32>
      tpu.vector_store %arg14[%swap3A_364, %swap3A_365], %swap3A_368 {strides = array<i32>} : memref<128x64xf32, #tpu.memory_space<vmem>>, vector<1x16xf32>,
      %broadcast_in_dim3A_369 = arith.constant 0.000000e+00 : f32
      %broadcast_in_dim3A_370 = vector.broadcast %broadcast_in_dim3A_369 : f32 to vector<16xf32>
      %swap3A_371 = arith.index_cast %scan3A_361 : i32 to index
      %swap3A_372 = arith.constant 16 : index
      %swap3A_373 = tpu.vector_load %arg14[%swap3A_371, %swap3A_372] {strides = array<i32>} : memref<128x64xf32, #tpu.memory_space<vmem>>, vector<1x16xf32>,
      %swap3A_374 = vector.shape_cast %swap3A_373 : vector<1x16xf32> to vector<16xf32>
      %swap3A_375 = vector.shape_cast %broadcast_in_dim3A_370 : vector<16xf32> to vector<1x16xf32>
      tpu.vector_store %arg14[%swap3A_371, %swap3A_372], %swap3A_375 {strides = array<i32>} : memref<128x64xf32, #tpu.memory_space<vmem>>, vector<1x16xf32>,
      %broadcast_in_dim3A_376 = arith.constant 0.000000e+00 : f32
      %broadcast_in_dim3A_377 = vector.broadcast %broadcast_in_dim3A_376 : f32 to vector<16xf32>
      %swap3A_378 = arith.index_cast %scan3A_361 : i32 to index
      %swap3A_379 = arith.constant 32 : index
      %swap3A_380 = tpu.vector_load %arg14[%swap3A_378, %swap3A_379] {strides = array<i32>} : memref<128x64xf32, #tpu.memory_space<vmem>>, vector<1x16xf32>,
      %swap3A_381 = vector.shape_cast %swap3A_380 : vector<1x16xf32> to vector<16xf32>
      %swap3A_382 = vector.shape_cast %broadcast_in_dim3A_377 : vector<16xf32> to vector<1x16xf32>
      tpu.vector_store %arg14[%swap3A_378, %swap3A_379], %swap3A_382 {strides = array<i32>} : memref<128x64xf32, #tpu.memory_space<vmem>>, vector<1x16xf32>,
      %broadcast_in_dim3A_383 = arith.constant 0.000000e+00 : f32
      %broadcast_in_dim3A_384 = vector.broadcast %broadcast_in_dim3A_383 : f32 to vector<16xf32>
      %swap3A_385 = arith.index_cast %scan3A_361 : i32 to index
      %swap3A_386 = arith.constant 48 : index
      %swap3A_387 = tpu.vector_load %arg14[%swap3A_385, %swap3A_386] {strides = array<i32>} : memref<128x64xf32, #tpu.memory_space<vmem>>, vector<1x16xf32>,
      %swap3A_388 = vector.shape_cast %swap3A_387 : vector<1x16xf32> to vector<16xf32>
      %swap3A_389 = vector.shape_cast %broadcast_in_dim3A_384 : vector<16xf32> to vector<1x16xf32>
      tpu.vector_store %arg14[%swap3A_385, %swap3A_386], %swap3A_389 {strides = array<i32>} : memref<128x64xf32, #tpu.memory_space<vmem>>, vector<1x16xf32>,
    }
    %scan3A_131 = arith.constant 128 : i32
    %dma_start3A = arith.constant 0 : i32
    %dma_start3A_132 = arith.constant 0 : i32
    %dma_start3A_133 = tpu.memref_slice %arg8[%dma_start3A, %dma_start3A_132] : memref<160x128xi32, #tpu.memory_space<vmem>> -> memref<1x128xi32, #tpu.memory_space<vmem>>
    %dma_start3A_134 = tpu.memref_squeeze %dma_start3A_133 : memref<1x128xi32, #tpu.memory_space<vmem>> -> memref<128xi32, #tpu.memory_space<vmem>>
    %dma_start3A_135 = arith.constant 0 : i32
    %dma_start3A_136 = arith.constant 0 : i32
    %dma_start3A_137 = tpu.memref_slice %arg2[%dma_start3A_135, %dma_start3A_136] : memref<10240x64xf32, #tpu.memory_space<hbm>> -> memref<10240x64xf32, #tpu.memory_space<hbm>>
    tpu.enqueue_indirect_dma source(%dma_start3A_137 : memref<10240x64xf32, #tpu.memory_space<hbm>>) target(%arg10 : memref<128x64xf32, #tpu.memory_space<vmem>>) offsets(%dma_start3A_134 : memref<128xi32, #tpu.memory_space<vmem>>) semaphore(%arg15 : memref<!tpu.dma_semaphore, #tpu.memory_space<semaphore_mem>>)
    %dma_start3A_138 = arith.constant 1 : i32
    %dma_start3A_139 = arith.constant 0 : i32
    %dma_start3A_140 = tpu.memref_slice %arg8[%dma_start3A_138, %dma_start3A_139] : memref<160x128xi32, #tpu.memory_space<vmem>> -> memref<1x128xi32, #tpu.memory_space<vmem>>
    %dma_start3A_141 = tpu.memref_squeeze %dma_start3A_140 : memref<1x128xi32, #tpu.memory_space<vmem>> -> memref<128xi32, #tpu.memory_space<vmem>>
    %dma_start3A_142 = arith.constant 0 : i32
    %dma_start3A_143 = arith.constant 0 : i32
    %dma_start3A_144 = tpu.memref_slice %arg2[%dma_start3A_142, %dma_start3A_143] : memref<10240x64xf32, #tpu.memory_space<hbm>> -> memref<10240x64xf32, #tpu.memory_space<hbm>>
    tpu.enqueue_indirect_dma source(%dma_start3A_144 : memref<10240x64xf32, #tpu.memory_space<hbm>>) target(%arg11 : memref<128x64xf32, #tpu.memory_space<vmem>>) offsets(%dma_start3A_141 : memref<128xi32, #tpu.memory_space<vmem>>) semaphore(%arg16 : memref<!tpu.dma_semaphore, #tpu.memory_space<semaphore_mem>>)
    %mul3A_145 = arith.constant 640 : i32
    %mul3A_146 = arith.muli %arg1, %mul3A_145 : i32
    %add3A_147 = arith.constant 0 : i32
    %add3A_148 = arith.addi %mul3A_146, %add3A_147 : i32
    "tpu.region"() ({
      %run_scoped3A = tpu.sem_alloc : memref<!tpu.dma_semaphore, #tpu.memory_space<semaphore_mem>>
      %dma_start3A_361 = arith.constant 0 : i32
      %dma_start3A_362 = tpu.memref_slice %arg23[%add3A_148, %dma_start3A_361] : memref<10240x64xf32, #tpu.memory_space<vmem_shared>> -> memref<128x64xf32, #tpu.memory_space<vmem_shared>>
      %dma_start3A_363 = arith.constant 0 : i32
      %dma_start3A_364 = tpu.memref_slice %arg23[%add3A_148, %dma_start3A_363] : memref<10240x64xf32, #tpu.memory_space<vmem_shared>> -> memref<128x64xf32, #tpu.memory_space<vmem_shared>>
      tpu.enqueue_dma source(%arg14 : memref<128x64xf32, #tpu.memory_space<vmem>>) target(%dma_start3A_364 : memref<128x64xf32, #tpu.memory_space<vmem_shared>>) target_semaphore(%run_scoped3A : memref<!tpu.dma_semaphore, #tpu.memory_space<semaphore_mem>>)
      %dma_wait3A_365 = arith.constant 0 : i32
      %dma_wait3A_366 = tpu.memref_slice %arg23[%add3A_148, %dma_wait3A_365] : memref<10240x64xf32, #tpu.memory_space<vmem_shared>> -> memref<128x64xf32, #tpu.memory_space<vmem_shared>>
      %dma_wait3A_367 = arith.constant 0 : i32
      %dma_wait3A_368 = tpu.memref_slice %arg23[%add3A_148, %dma_wait3A_367] : memref<10240x64xf32, #tpu.memory_space<vmem_shared>> -> memref<128x64xf32, #tpu.memory_space<vmem_shared>>
      tpu.wait_dma2 semaphore(%run_scoped3A : memref<!tpu.dma_semaphore, #tpu.memory_space<semaphore_mem>>) src(%arg14 : memref<128x64xf32, #tpu.memory_space<vmem>>) dst(%dma_wait3A_368 : memref<128x64xf32, #tpu.memory_space<vmem_shared>>)
      tpu.yield
    }) : () -> ()
    %mul3A_149 = arith.constant 640 : i32
    %mul3A_150 = arith.muli %arg1, %mul3A_149 : i32
    %add3A_151 = arith.constant 128 : i32
    %add3A_152 = arith.addi %mul3A_150, %add3A_151 : i32
    "tpu.region"() ({
      %run_scoped3A = tpu.sem_alloc : memref<!tpu.dma_semaphore, #tpu.memory_space<semaphore_mem>>
      %dma_start3A_361 = arith.constant 0 : i32
      %dma_start3A_362 = tpu.memref_slice %arg23[%add3A_152, %dma_start3A_361] : memref<10240x64xf32, #tpu.memory_space<vmem_shared>> -> memref<128x64xf32, #tpu.memory_space<vmem_shared>>
      %dma_start3A_363 = arith.constant 0 : i32
      %dma_start3A_364 = tpu.memref_slice %arg23[%add3A_152, %dma_start3A_363] : memref<10240x64xf32, #tpu.memory_space<vmem_shared>> -> memref<128x64xf32, #tpu.memory_space<vmem_shared>>
      tpu.enqueue_dma source(%arg14 : memref<128x64xf32, #tpu.memory_space<vmem>>) target(%dma_start3A_364 : memref<128x64xf32, #tpu.memory_space<vmem_shared>>) target_semaphore(%run_scoped3A : memref<!tpu.dma_semaphore, #tpu.memory_space<semaphore_mem>>)
      %dma_wait3A_365 = arith.constant 0 : i32
      %dma_wait3A_366 = tpu.memref_slice %arg23[%add3A_152, %dma_wait3A_365] : memref<10240x64xf32, #tpu.memory_space<vmem_shared>> -> memref<128x64xf32, #tpu.memory_space<vmem_shared>>
      %dma_wait3A_367 = arith.constant 0 : i32
      %dma_wait3A_368 = tpu.memref_slice %arg23[%add3A_152, %dma_wait3A_367] : memref<10240x64xf32, #tpu.memory_space<vmem_shared>> -> memref<128x64xf32, #tpu.memory_space<vmem_shared>>
      tpu.wait_dma2 semaphore(%run_scoped3A : memref<!tpu.dma_semaphore, #tpu.memory_space<semaphore_mem>>) src(%arg14 : memref<128x64xf32, #tpu.memory_space<vmem>>) dst(%dma_wait3A_368 : memref<128x64xf32, #tpu.memory_space<vmem_shared>>)
      tpu.yield
    }) : () -> ()
    %mul3A_153 = arith.constant 640 : i32
    %mul3A_154 = arith.muli %arg1, %mul3A_153 : i32
    %add3A_155 = arith.constant 256 : i32
    %add3A_156 = arith.addi %mul3A_154, %add3A_155 : i32
    "tpu.region"() ({
      %run_scoped3A = tpu.sem_alloc : memref<!tpu.dma_semaphore, #tpu.memory_space<semaphore_mem>>
      %dma_start3A_361 = arith.constant 0 : i32
      %dma_start3A_362 = tpu.memref_slice %arg23[%add3A_156, %dma_start3A_361] : memref<10240x64xf32, #tpu.memory_space<vmem_shared>> -> memref<128x64xf32, #tpu.memory_space<vmem_shared>>
      %dma_start3A_363 = arith.constant 0 : i32
      %dma_start3A_364 = tpu.memref_slice %arg23[%add3A_156, %dma_start3A_363] : memref<10240x64xf32, #tpu.memory_space<vmem_shared>> -> memref<128x64xf32, #tpu.memory_space<vmem_shared>>
      tpu.enqueue_dma source(%arg14 : memref<128x64xf32, #tpu.memory_space<vmem>>) target(%dma_start3A_364 : memref<128x64xf32, #tpu.memory_space<vmem_shared>>) target_semaphore(%run_scoped3A : memref<!tpu.dma_semaphore, #tpu.memory_space<semaphore_mem>>)
      %dma_wait3A_365 = arith.constant 0 : i32
      %dma_wait3A_366 = tpu.memref_slice %arg23[%add3A_156, %dma_wait3A_365] : memref<10240x64xf32, #tpu.memory_space<vmem_shared>> -> memref<128x64xf32, #tpu.memory_space<vmem_shared>>
      %dma_wait3A_367 = arith.constant 0 : i32
      %dma_wait3A_368 = tpu.memref_slice %arg23[%add3A_156, %dma_wait3A_367] : memref<10240x64xf32, #tpu.memory_space<vmem_shared>> -> memref<128x64xf32, #tpu.memory_space<vmem_shared>>
      tpu.wait_dma2 semaphore(%run_scoped3A : memref<!tpu.dma_semaphore, #tpu.memory_space<semaphore_mem>>) src(%arg14 : memref<128x64xf32, #tpu.memory_space<vmem>>) dst(%dma_wait3A_368 : memref<128x64xf32, #tpu.memory_space<vmem_shared>>)
      tpu.yield
    }) : () -> ()
    %mul3A_157 = arith.constant 640 : i32
    %mul3A_158 = arith.muli %arg1, %mul3A_157 : i32
    %add3A_159 = arith.constant 384 : i32
    %add3A_160 = arith.addi %mul3A_158, %add3A_159 : i32
    "tpu.region"() ({
      %run_scoped3A = tpu.sem_alloc : memref<!tpu.dma_semaphore, #tpu.memory_space<semaphore_mem>>
      %dma_start3A_361 = arith.constant 0 : i32
      %dma_start3A_362 = tpu.memref_slice %arg23[%add3A_160, %dma_start3A_361] : memref<10240x64xf32, #tpu.memory_space<vmem_shared>> -> memref<128x64xf32, #tpu.memory_space<vmem_shared>>
      %dma_start3A_363 = arith.constant 0 : i32
      %dma_start3A_364 = tpu.memref_slice %arg23[%add3A_160, %dma_start3A_363] : memref<10240x64xf32, #tpu.memory_space<vmem_shared>> -> memref<128x64xf32, #tpu.memory_space<vmem_shared>>
      tpu.enqueue_dma source(%arg14 : memref<128x64xf32, #tpu.memory_space<vmem>>) target(%dma_start3A_364 : memref<128x64xf32, #tpu.memory_space<vmem_shared>>) target_semaphore(%run_scoped3A : memref<!tpu.dma_semaphore, #tpu.memory_space<semaphore_mem>>)
      %dma_wait3A_365 = arith.constant 0 : i32
      %dma_wait3A_366 = tpu.memref_slice %arg23[%add3A_160, %dma_wait3A_365] : memref<10240x64xf32, #tpu.memory_space<vmem_shared>> -> memref<128x64xf32, #tpu.memory_space<vmem_shared>>
      %dma_wait3A_367 = arith.constant 0 : i32
      %dma_wait3A_368 = tpu.memref_slice %arg23[%add3A_160, %dma_wait3A_367] : memref<10240x64xf32, #tpu.memory_space<vmem_shared>> -> memref<128x64xf32, #tpu.memory_space<vmem_shared>>
      tpu.wait_dma2 semaphore(%run_scoped3A : memref<!tpu.dma_semaphore, #tpu.memory_space<semaphore_mem>>) src(%arg14 : memref<128x64xf32, #tpu.memory_space<vmem>>) dst(%dma_wait3A_368 : memref<128x64xf32, #tpu.memory_space<vmem_shared>>)
      tpu.yield
    }) : () -> ()
    %mul3A_161 = arith.constant 640 : i32
    %mul3A_162 = arith.muli %arg1, %mul3A_161 : i32
    %add3A_163 = arith.constant 512 : i32
    %add3A_164 = arith.addi %mul3A_162, %add3A_163 : i32
    "tpu.region"() ({
      %run_scoped3A = tpu.sem_alloc : memref<!tpu.dma_semaphore, #tpu.memory_space<semaphore_mem>>
      %dma_start3A_361 = arith.constant 0 : i32
      %dma_start3A_362 = tpu.memref_slice %arg23[%add3A_164, %dma_start3A_361] : memref<10240x64xf32, #tpu.memory_space<vmem_shared>> -> memref<128x64xf32, #tpu.memory_space<vmem_shared>>
      %dma_start3A_363 = arith.constant 0 : i32
      %dma_start3A_364 = tpu.memref_slice %arg23[%add3A_164, %dma_start3A_363] : memref<10240x64xf32, #tpu.memory_space<vmem_shared>> -> memref<128x64xf32, #tpu.memory_space<vmem_shared>>
      tpu.enqueue_dma source(%arg14 : memref<128x64xf32, #tpu.memory_space<vmem>>) target(%dma_start3A_364 : memref<128x64xf32, #tpu.memory_space<vmem_shared>>) target_semaphore(%run_scoped3A : memref<!tpu.dma_semaphore, #tpu.memory_space<semaphore_mem>>)
      %dma_wait3A_365 = arith.constant 0 : i32
      %dma_wait3A_366 = tpu.memref_slice %arg23[%add3A_164, %dma_wait3A_365] : memref<10240x64xf32, #tpu.memory_space<vmem_shared>> -> memref<128x64xf32, #tpu.memory_space<vmem_shared>>
      %dma_wait3A_367 = arith.constant 0 : i32
      %dma_wait3A_368 = tpu.memref_slice %arg23[%add3A_164, %dma_wait3A_367] : memref<10240x64xf32, #tpu.memory_space<vmem_shared>> -> memref<128x64xf32, #tpu.memory_space<vmem_shared>>
      tpu.wait_dma2 semaphore(%run_scoped3A : memref<!tpu.dma_semaphore, #tpu.memory_space<semaphore_mem>>) src(%arg14 : memref<128x64xf32, #tpu.memory_space<vmem>>) dst(%dma_wait3A_368 : memref<128x64xf32, #tpu.memory_space<vmem_shared>>)
      tpu.yield
    }) : () -> ()
    %barrier3A = arith.constant 0 : index
    tpu.barrier barrier_id(%barrier3A)
    %dma_wait3A = arith.constant 0 : i32
    %dma_wait3A_165 = arith.constant 0 : i32
    %dma_wait3A_166 = tpu.memref_slice %arg8[%dma_wait3A, %dma_wait3A_165] : memref<160x128xi32, #tpu.memory_space<vmem>> -> memref<1x128xi32, #tpu.memory_space<vmem>>
    %dma_wait3A_167 = tpu.memref_squeeze %dma_wait3A_166 : memref<1x128xi32, #tpu.memory_space<vmem>> -> memref<128xi32, #tpu.memory_space<vmem>>
    %dma_wait3A_168 = arith.constant 0 : i32
    %dma_wait3A_169 = arith.constant 0 : i32
    %dma_wait3A_170 = tpu.memref_slice %arg2[%dma_wait3A_168, %dma_wait3A_169] : memref<10240x64xf32, #tpu.memory_space<hbm>> -> memref<10240x64xf32, #tpu.memory_space<hbm>>
    tpu.wait_indirect_dma semaphore(%arg15 : memref<!tpu.dma_semaphore, #tpu.memory_space<semaphore_mem>>) src(%dma_wait3A_170 : memref<10240x64xf32, #tpu.memory_space<hbm>>) dst(%arg10 : memref<128x64xf32, #tpu.memory_space<vmem>>)
    %dma_start3A_171 = arith.constant 0 : i32
    %dma_start3A_172 = arith.constant 0 : i32
    %dma_start3A_173 = tpu.memref_slice %arg9[%dma_start3A_171, %dma_start3A_172] : memref<158x128xi32, #tpu.memory_space<vmem>> -> memref<1x128xi32, #tpu.memory_space<vmem>>
    %dma_start3A_174 = tpu.memref_squeeze %dma_start3A_173 : memref<1x128xi32, #tpu.memory_space<vmem>> -> memref<128xi32, #tpu.memory_space<vmem>>
    %dma_start3A_175 = arith.constant 0 : i32
    %dma_start3A_176 = arith.constant 0 : i32
    %dma_start3A_177 = tpu.memref_slice %arg23[%dma_start3A_175, %dma_start3A_176] : memref<10240x64xf32, #tpu.memory_space<vmem_shared>> -> memref<10240x64xf32, #tpu.memory_space<vmem_shared>>
    tpu.enqueue_indirect_dma source(%arg10 : memref<128x64xf32, #tpu.memory_space<vmem>>) target(%dma_start3A_177 : memref<10240x64xf32, #tpu.memory_space<vmem_shared>>) offsets(%dma_start3A_174 : memref<128xi32, #tpu.memory_space<vmem>>) semaphore(%arg19 : memref<!tpu.dma_semaphore, #tpu.memory_space<semaphore_mem>>) {add = true}
    %dma_start3A_178 = arith.constant 2 : i32
    %dma_start3A_179 = arith.constant 0 : i32
    %dma_start3A_180 = tpu.memref_slice %arg8[%dma_start3A_178, %dma_start3A_179] : memref<160x128xi32, #tpu.memory_space<vmem>> -> memref<1x128xi32, #tpu.memory_space<vmem>>
    %dma_start3A_181 = tpu.memref_squeeze %dma_start3A_180 : memref<1x128xi32, #tpu.memory_space<vmem>> -> memref<128xi32, #tpu.memory_space<vmem>>
    %dma_start3A_182 = arith.constant 0 : i32
    %dma_start3A_183 = arith.constant 0 : i32
    %dma_start3A_184 = tpu.memref_slice %arg2[%dma_start3A_182, %dma_start3A_183] : memref<10240x64xf32, #tpu.memory_space<hbm>> -> memref<10240x64xf32, #tpu.memory_space<hbm>>
    tpu.enqueue_indirect_dma source(%dma_start3A_184 : memref<10240x64xf32, #tpu.memory_space<hbm>>) target(%arg12 : memref<128x64xf32, #tpu.memory_space<vmem>>) offsets(%dma_start3A_181 : memref<128xi32, #tpu.memory_space<vmem>>) semaphore(%arg17 : memref<!tpu.dma_semaphore, #tpu.memory_space<semaphore_mem>>)
    %dma_wait3A_185 = arith.constant 1 : i32
    %dma_wait3A_186 = arith.constant 0 : i32
    %dma_wait3A_187 = tpu.memref_slice %arg8[%dma_wait3A_185, %dma_wait3A_186] : memref<160x128xi32, #tpu.memory_space<vmem>> -> memref<1x128xi32, #tpu.memory_space<vmem>>
    %dma_wait3A_188 = tpu.memref_squeeze %dma_wait3A_187 : memref<1x128xi32, #tpu.memory_space<vmem>> -> memref<128xi32, #tpu.memory_space<vmem>>
    %dma_wait3A_189 = arith.constant 0 : i32
    %dma_wait3A_190 = arith.constant 0 : i32
    %dma_wait3A_191 = tpu.memref_slice %arg2[%dma_wait3A_189, %dma_wait3A_190] : memref<10240x64xf32, #tpu.memory_space<hbm>> -> memref<10240x64xf32, #tpu.memory_space<hbm>>
    tpu.wait_indirect_dma semaphore(%arg16 : memref<!tpu.dma_semaphore, #tpu.memory_space<semaphore_mem>>) src(%dma_wait3A_191 : memref<10240x64xf32, #tpu.memory_space<hbm>>) dst(%arg11 : memref<128x64xf32, #tpu.memory_space<vmem>>)
    %dma_start3A_192 = arith.constant 1 : i32
    %dma_start3A_193 = arith.constant 0 : i32
    %dma_start3A_194 = tpu.memref_slice %arg9[%dma_start3A_192, %dma_start3A_193] : memref<158x128xi32, #tpu.memory_space<vmem>> -> memref<1x128xi32, #tpu.memory_space<vmem>>
    %dma_start3A_195 = tpu.memref_squeeze %dma_start3A_194 : memref<1x128xi32, #tpu.memory_space<vmem>> -> memref<128xi32, #tpu.memory_space<vmem>>
    %dma_start3A_196 = arith.constant 0 : i32
    %dma_start3A_197 = arith.constant 0 : i32
    %dma_start3A_198 = tpu.memref_slice %arg23[%dma_start3A_196, %dma_start3A_197] : memref<10240x64xf32, #tpu.memory_space<vmem_shared>> -> memref<10240x64xf32, #tpu.memory_space<vmem_shared>>
    tpu.enqueue_indirect_dma source(%arg11 : memref<128x64xf32, #tpu.memory_space<vmem>>) target(%dma_start3A_198 : memref<10240x64xf32, #tpu.memory_space<vmem_shared>>) offsets(%dma_start3A_195 : memref<128xi32, #tpu.memory_space<vmem>>) semaphore(%arg20 : memref<!tpu.dma_semaphore, #tpu.memory_space<semaphore_mem>>) {add = true}
    %dma_start3A_199 = arith.constant 3 : i32
    %dma_start3A_200 = arith.constant 0 : i32
    %dma_start3A_201 = tpu.memref_slice %arg8[%dma_start3A_199, %dma_start3A_200] : memref<160x128xi32, #tpu.memory_space<vmem>> -> memref<1x128xi32, #tpu.memory_space<vmem>>
    %dma_start3A_202 = tpu.memref_squeeze %dma_start3A_201 : memref<1x128xi32, #tpu.memory_space<vmem>> -> memref<128xi32, #tpu.memory_space<vmem>>
    %dma_start3A_203 = arith.constant 0 : i32
    %dma_start3A_204 = arith.constant 0 : i32
    %dma_start3A_205 = tpu.memref_slice %arg2[%dma_start3A_203, %dma_start3A_204] : memref<10240x64xf32, #tpu.memory_space<hbm>> -> memref<10240x64xf32, #tpu.memory_space<hbm>>
    tpu.enqueue_indirect_dma source(%dma_start3A_205 : memref<10240x64xf32, #tpu.memory_space<hbm>>) target(%arg13 : memref<128x64xf32, #tpu.memory_space<vmem>>) offsets(%dma_start3A_202 : memref<128xi32, #tpu.memory_space<vmem>>) semaphore(%arg18 : memref<!tpu.dma_semaphore, #tpu.memory_space<semaphore_mem>>)
    %scan3A_206 = arith.constant 0 : i32
    %scan3A_207 = arith.constant 0 : i32
    %scan3A_208 = arith.constant 39 : i32
    %scan3A_209 = arith.addi %scan3A_207, %scan3A_208 : i32
    %scan3A_210 = arith.constant 1 : i32
    scf.for %scan3A_361 = %scan3A_207 to %scan3A_209 step %scan3A_210  : i32 {
      %mul3A_362 = arith.constant 4 : i32
      %mul3A_363 = arith.muli %scan3A_361, %mul3A_362 : i32
      %add3A_364 = arith.constant 2 : i32
      %add3A_365 = arith.addi %add3A_364, %mul3A_363 : i32
      %add3A_366 = arith.constant 0 : i32
      %add3A_367 = arith.addi %add3A_365, %add3A_366 : i32
      %dma_wait3A_368 = arith.constant 0 : i32
      %dma_wait3A_369 = tpu.memref_slice %arg8[%add3A_367, %dma_wait3A_368] : memref<160x128xi32, #tpu.memory_space<vmem>> -> memref<1x128xi32, #tpu.memory_space<vmem>>
      %dma_wait3A_370 = tpu.memref_squeeze %dma_wait3A_369 : memref<1x128xi32, #tpu.memory_space<vmem>> -> memref<128xi32, #tpu.memory_space<vmem>>
      %dma_wait3A_371 = arith.constant 0 : i32
      %dma_wait3A_372 = arith.constant 0 : i32
      %dma_wait3A_373 = tpu.memref_slice %arg2[%dma_wait3A_371, %dma_wait3A_372] : memref<10240x64xf32, #tpu.memory_space<hbm>> -> memref<10240x64xf32, #tpu.memory_space<hbm>>
      tpu.wait_indirect_dma semaphore(%arg17 : memref<!tpu.dma_semaphore, #tpu.memory_space<semaphore_mem>>) src(%dma_wait3A_373 : memref<10240x64xf32, #tpu.memory_space<hbm>>) dst(%arg12 : memref<128x64xf32, #tpu.memory_space<vmem>>)
      %dma_start3A_374 = arith.constant 0 : i32
      %dma_start3A_375 = tpu.memref_slice %arg9[%add3A_367, %dma_start3A_374] : memref<158x128xi32, #tpu.memory_space<vmem>> -> memref<1x128xi32, #tpu.memory_space<vmem>>
      %dma_start3A_376 = tpu.memref_squeeze %dma_start3A_375 : memref<1x128xi32, #tpu.memory_space<vmem>> -> memref<128xi32, #tpu.memory_space<vmem>>
      %dma_start3A_377 = arith.constant 0 : i32
      %dma_start3A_378 = arith.constant 0 : i32
      %dma_start3A_379 = tpu.memref_slice %arg23[%dma_start3A_377, %dma_start3A_378] : memref<10240x64xf32, #tpu.memory_space<vmem_shared>> -> memref<10240x64xf32, #tpu.memory_space<vmem_shared>>
      tpu.enqueue_indirect_dma source(%arg12 : memref<128x64xf32, #tpu.memory_space<vmem>>) target(%dma_start3A_379 : memref<10240x64xf32, #tpu.memory_space<vmem_shared>>) offsets(%dma_start3A_376 : memref<128xi32, #tpu.memory_space<vmem>>) semaphore(%arg21 : memref<!tpu.dma_semaphore, #tpu.memory_space<semaphore_mem>>) {add = true}
      %sub3A = arith.constant 2 : i32
      %sub3A_380 = arith.subi %add3A_367, %sub3A : i32
      %dma_wait3A_381 = arith.constant 0 : i32
      %dma_wait3A_382 = tpu.memref_slice %arg9[%sub3A_380, %dma_wait3A_381] : memref<158x128xi32, #tpu.memory_space<vmem>> -> memref<1x128xi32, #tpu.memory_space<vmem>>
      %dma_wait3A_383 = tpu.memref_squeeze %dma_wait3A_382 : memref<1x128xi32, #tpu.memory_space<vmem>> -> memref<128xi32, #tpu.memory_space<vmem>>
      %dma_wait3A_384 = arith.constant 0 : i32
      %dma_wait3A_385 = arith.constant 0 : i32
      %dma_wait3A_386 = tpu.memref_slice %arg23[%dma_wait3A_384, %dma_wait3A_385] : memref<10240x64xf32, #tpu.memory_space<vmem_shared>> -> memref<10240x64xf32, #tpu.memory_space<vmem_shared>>
      tpu.wait_indirect_dma semaphore(%arg19 : memref<!tpu.dma_semaphore, #tpu.memory_space<semaphore_mem>>) src(%arg10 : memref<128x64xf32, #tpu.memory_space<vmem>>) dst(%dma_wait3A_386 : memref<10240x64xf32, #tpu.memory_space<vmem_shared>>)
      %add3A_387 = arith.constant 2 : i32
      %add3A_388 = arith.addi %add3A_367, %add3A_387 : i32
      %dma_start3A_389 = arith.constant 0 : i32
      %dma_start3A_390 = tpu.memref_slice %arg8[%add3A_388, %dma_start3A_389] : memref<160x128xi32, #tpu.memory_space<vmem>> -> memref<1x128xi32, #tpu.memory_space<vmem>>
      %dma_start3A_391 = tpu.memref_squeeze %dma_start3A_390 : memref<1x128xi32, #tpu.memory_space<vmem>> -> memref<128xi32, #tpu.memory_space<vmem>>
      %dma_start3A_392 = arith.constant 0 : i32
      %dma_start3A_393 = arith.constant 0 : i32
      %dma_start3A_394 = tpu.memref_slice %arg2[%dma_start3A_392, %dma_start3A_393] : memref<10240x64xf32, #tpu.memory_space<hbm>> -> memref<10240x64xf32, #tpu.memory_space<hbm>>
      tpu.enqueue_indirect_dma source(%dma_start3A_394 : memref<10240x64xf32, #tpu.memory_space<hbm>>) target(%arg10 : memref<128x64xf32, #tpu.memory_space<vmem>>) offsets(%dma_start3A_391 : memref<128xi32, #tpu.memory_space<vmem>>) semaphore(%arg15 : memref<!tpu.dma_semaphore, #tpu.memory_space<semaphore_mem>>)
      %add3A_395 = arith.constant 1 : i32
      %add3A_396 = arith.addi %add3A_365, %add3A_395 : i32
      %dma_wait3A_397 = arith.constant 0 : i32
      %dma_wait3A_398 = tpu.memref_slice %arg8[%add3A_396, %dma_wait3A_397] : memref<160x128xi32, #tpu.memory_space<vmem>> -> memref<1x128xi32, #tpu.memory_space<vmem>>
      %dma_wait3A_399 = tpu.memref_squeeze %dma_wait3A_398 : memref<1x128xi32, #tpu.memory_space<vmem>> -> memref<128xi32, #tpu.memory_space<vmem>>
      %dma_wait3A_400 = arith.constant 0 : i32
      %dma_wait3A_401 = arith.constant 0 : i32
      %dma_wait3A_402 = tpu.memref_slice %arg2[%dma_wait3A_400, %dma_wait3A_401] : memref<10240x64xf32, #tpu.memory_space<hbm>> -> memref<10240x64xf32, #tpu.memory_space<hbm>>
      tpu.wait_indirect_dma semaphore(%arg18 : memref<!tpu.dma_semaphore, #tpu.memory_space<semaphore_mem>>) src(%dma_wait3A_402 : memref<10240x64xf32, #tpu.memory_space<hbm>>) dst(%arg13 : memref<128x64xf32, #tpu.memory_space<vmem>>)
      %dma_start3A_403 = arith.constant 0 : i32
      %dma_start3A_404 = tpu.memref_slice %arg9[%add3A_396, %dma_start3A_403] : memref<158x128xi32, #tpu.memory_space<vmem>> -> memref<1x128xi32, #tpu.memory_space<vmem>>
      %dma_start3A_405 = tpu.memref_squeeze %dma_start3A_404 : memref<1x128xi32, #tpu.memory_space<vmem>> -> memref<128xi32, #tpu.memory_space<vmem>>
      %dma_start3A_406 = arith.constant 0 : i32
      %dma_start3A_407 = arith.constant 0 : i32
      %dma_start3A_408 = tpu.memref_slice %arg23[%dma_start3A_406, %dma_start3A_407] : memref<10240x64xf32, #tpu.memory_space<vmem_shared>> -> memref<10240x64xf32, #tpu.memory_space<vmem_shared>>
      tpu.enqueue_indirect_dma source(%arg13 : memref<128x64xf32, #tpu.memory_space<vmem>>) target(%dma_start3A_408 : memref<10240x64xf32, #tpu.memory_space<vmem_shared>>) offsets(%dma_start3A_405 : memref<128xi32, #tpu.memory_space<vmem>>) semaphore(%arg22 : memref<!tpu.dma_semaphore, #tpu.memory_space<semaphore_mem>>) {add = true}
      %sub3A_409 = arith.constant 2 : i32
      %sub3A_410 = arith.subi %add3A_396, %sub3A_409 : i32
      %dma_wait3A_411 = arith.constant 0 : i32
      %dma_wait3A_412 = tpu.memref_slice %arg9[%sub3A_410, %dma_wait3A_411] : memref<158x128xi32, #tpu.memory_space<vmem>> -> memref<1x128xi32, #tpu.memory_space<vmem>>
      %dma_wait3A_413 = tpu.memref_squeeze %dma_wait3A_412 : memref<1x128xi32, #tpu.memory_space<vmem>> -> memref<128xi32, #tpu.memory_space<vmem>>
      %dma_wait3A_414 = arith.constant 0 : i32
      %dma_wait3A_415 = arith.constant 0 : i32
      %dma_wait3A_416 = tpu.memref_slice %arg23[%dma_wait3A_414, %dma_wait3A_415] : memref<10240x64xf32, #tpu.memory_space<vmem_shared>> -> memref<10240x64xf32, #tpu.memory_space<vmem_shared>>
      tpu.wait_indirect_dma semaphore(%arg20 : memref<!tpu.dma_semaphore, #tpu.memory_space<semaphore_mem>>) src(%arg11 : memref<128x64xf32, #tpu.memory_space<vmem>>) dst(%dma_wait3A_416 : memref<10240x64xf32, #tpu.memory_space<vmem_shared>>)
      %add3A_417 = arith.constant 2 : i32
      %add3A_418 = arith.addi %add3A_396, %add3A_417 : i32
      %dma_start3A_419 = arith.constant 0 : i32
      %dma_start3A_420 = tpu.memref_slice %arg8[%add3A_418, %dma_start3A_419] : memref<160x128xi32, #tpu.memory_space<vmem>> -> memref<1x128xi32, #tpu.memory_space<vmem>>
      %dma_start3A_421 = tpu.memref_squeeze %dma_start3A_420 : memref<1x128xi32, #tpu.memory_space<vmem>> -> memref<128xi32, #tpu.memory_space<vmem>>
      %dma_start3A_422 = arith.constant 0 : i32
      %dma_start3A_423 = arith.constant 0 : i32
      %dma_start3A_424 = tpu.memref_slice %arg2[%dma_start3A_422, %dma_start3A_423] : memref<10240x64xf32, #tpu.memory_space<hbm>> -> memref<10240x64xf32, #tpu.memory_space<hbm>>
      tpu.enqueue_indirect_dma source(%dma_start3A_424 : memref<10240x64xf32, #tpu.memory_space<hbm>>) target(%arg11 : memref<128x64xf32, #tpu.memory_space<vmem>>) offsets(%dma_start3A_421 : memref<128xi32, #tpu.memory_space<vmem>>) semaphore(%arg16 : memref<!tpu.dma_semaphore, #tpu.memory_space<semaphore_mem>>)
      %add3A_425 = arith.constant 2 : i32
      %add3A_426 = arith.addi %add3A_365, %add3A_425 : i32
      %dma_wait3A_427 = arith.constant 0 : i32
      %dma_wait3A_428 = tpu.memref_slice %arg8[%add3A_426, %dma_wait3A_427] : memref<160x128xi32, #tpu.memory_space<vmem>> -> memref<1x128xi32, #tpu.memory_space<vmem>>
      %dma_wait3A_429 = tpu.memref_squeeze %dma_wait3A_428 : memref<1x128xi32, #tpu.memory_space<vmem>> -> memref<128xi32, #tpu.memory_space<vmem>>
      %dma_wait3A_430 = arith.constant 0 : i32
      %dma_wait3A_431 = arith.constant 0 : i32
      %dma_wait3A_432 = tpu.memref_slice %arg2[%dma_wait3A_430, %dma_wait3A_431] : memref<10240x64xf32, #tpu.memory_space<hbm>> -> memref<10240x64xf32, #tpu.memory_space<hbm>>
      tpu.wait_indirect_dma semaphore(%arg15 : memref<!tpu.dma_semaphore, #tpu.memory_space<semaphore_mem>>) src(%dma_wait3A_432 : memref<10240x64xf32, #tpu.memory_space<hbm>>) dst(%arg10 : memref<128x64xf32, #tpu.memory_space<vmem>>)
      %dma_start3A_433 = arith.constant 0 : i32
      %dma_start3A_434 = tpu.memref_slice %arg9[%add3A_426, %dma_start3A_433] : memref<158x128xi32, #tpu.memory_space<vmem>> -> memref<1x128xi32, #tpu.memory_space<vmem>>
      %dma_start3A_435 = tpu.memref_squeeze %dma_start3A_434 : memref<1x128xi32, #tpu.memory_space<vmem>> -> memref<128xi32, #tpu.memory_space<vmem>>
      %dma_start3A_436 = arith.constant 0 : i32
      %dma_start3A_437 = arith.constant 0 : i32
      %dma_start3A_438 = tpu.memref_slice %arg23[%dma_start3A_436, %dma_start3A_437] : memref<10240x64xf32, #tpu.memory_space<vmem_shared>> -> memref<10240x64xf32, #tpu.memory_space<vmem_shared>>
      tpu.enqueue_indirect_dma source(%arg10 : memref<128x64xf32, #tpu.memory_space<vmem>>) target(%dma_start3A_438 : memref<10240x64xf32, #tpu.memory_space<vmem_shared>>) offsets(%dma_start3A_435 : memref<128xi32, #tpu.memory_space<vmem>>) semaphore(%arg19 : memref<!tpu.dma_semaphore, #tpu.memory_space<semaphore_mem>>) {add = true}
      %sub3A_439 = arith.constant 2 : i32
      %sub3A_440 = arith.subi %add3A_426, %sub3A_439 : i32
      %dma_wait3A_441 = arith.constant 0 : i32
      %dma_wait3A_442 = tpu.memref_slice %arg9[%sub3A_440, %dma_wait3A_441] : memref<158x128xi32, #tpu.memory_space<vmem>> -> memref<1x128xi32, #tpu.memory_space<vmem>>
      %dma_wait3A_443 = tpu.memref_squeeze %dma_wait3A_442 : memref<1x128xi32, #tpu.memory_space<vmem>> -> memref<128xi32, #tpu.memory_space<vmem>>
      %dma_wait3A_444 = arith.constant 0 : i32
      %dma_wait3A_445 = arith.constant 0 : i32
      %dma_wait3A_446 = tpu.memref_slice %arg23[%dma_wait3A_444, %dma_wait3A_445] : memref<10240x64xf32, #tpu.memory_space<vmem_shared>> -> memref<10240x64xf32, #tpu.memory_space<vmem_shared>>
      tpu.wait_indirect_dma semaphore(%arg21 : memref<!tpu.dma_semaphore, #tpu.memory_space<semaphore_mem>>) src(%arg12 : memref<128x64xf32, #tpu.memory_space<vmem>>) dst(%dma_wait3A_446 : memref<10240x64xf32, #tpu.memory_space<vmem_shared>>)
      %add3A_447 = arith.constant 2 : i32
      %add3A_448 = arith.addi %add3A_426, %add3A_447 : i32
      %dma_start3A_449 = arith.constant 0 : i32
      %dma_start3A_450 = tpu.memref_slice %arg8[%add3A_448, %dma_start3A_449] : memref<160x128xi32, #tpu.memory_space<vmem>> -> memref<1x128xi32, #tpu.memory_space<vmem>>
      %dma_start3A_451 = tpu.memref_squeeze %dma_start3A_450 : memref<1x128xi32, #tpu.memory_space<vmem>> -> memref<128xi32, #tpu.memory_space<vmem>>
      %dma_start3A_452 = arith.constant 0 : i32
      %dma_start3A_453 = arith.constant 0 : i32
      %dma_start3A_454 = tpu.memref_slice %arg2[%dma_start3A_452, %dma_start3A_453] : memref<10240x64xf32, #tpu.memory_space<hbm>> -> memref<10240x64xf32, #tpu.memory_space<hbm>>
      tpu.enqueue_indirect_dma source(%dma_start3A_454 : memref<10240x64xf32, #tpu.memory_space<hbm>>) target(%arg12 : memref<128x64xf32, #tpu.memory_space<vmem>>) offsets(%dma_start3A_451 : memref<128xi32, #tpu.memory_space<vmem>>) semaphore(%arg17 : memref<!tpu.dma_semaphore, #tpu.memory_space<semaphore_mem>>)
      %add3A_455 = arith.constant 3 : i32
      %add3A_456 = arith.addi %add3A_365, %add3A_455 : i32
      %dma_wait3A_457 = arith.constant 0 : i32
      %dma_wait3A_458 = tpu.memref_slice %arg8[%add3A_456, %dma_wait3A_457] : memref<160x128xi32, #tpu.memory_space<vmem>> -> memref<1x128xi32, #tpu.memory_space<vmem>>
      %dma_wait3A_459 = tpu.memref_squeeze %dma_wait3A_458 : memref<1x128xi32, #tpu.memory_space<vmem>> -> memref<128xi32, #tpu.memory_space<vmem>>
      %dma_wait3A_460 = arith.constant 0 : i32
      %dma_wait3A_461 = arith.constant 0 : i32
      %dma_wait3A_462 = tpu.memref_slice %arg2[%dma_wait3A_460, %dma_wait3A_461] : memref<10240x64xf32, #tpu.memory_space<hbm>> -> memref<10240x64xf32, #tpu.memory_space<hbm>>
      tpu.wait_indirect_dma semaphore(%arg16 : memref<!tpu.dma_semaphore, #tpu.memory_space<semaphore_mem>>) src(%dma_wait3A_462 : memref<10240x64xf32, #tpu.memory_space<hbm>>) dst(%arg11 : memref<128x64xf32, #tpu.memory_space<vmem>>)
      %dma_start3A_463 = arith.constant 0 : i32
      %dma_start3A_464 = tpu.memref_slice %arg9[%add3A_456, %dma_start3A_463] : memref<158x128xi32, #tpu.memory_space<vmem>> -> memref<1x128xi32, #tpu.memory_space<vmem>>
      %dma_start3A_465 = tpu.memref_squeeze %dma_start3A_464 : memref<1x128xi32, #tpu.memory_space<vmem>> -> memref<128xi32, #tpu.memory_space<vmem>>
      %dma_start3A_466 = arith.constant 0 : i32
      %dma_start3A_467 = arith.constant 0 : i32
      %dma_start3A_468 = tpu.memref_slice %arg23[%dma_start3A_466, %dma_start3A_467] : memref<10240x64xf32, #tpu.memory_space<vmem_shared>> -> memref<10240x64xf32, #tpu.memory_space<vmem_shared>>
      tpu.enqueue_indirect_dma source(%arg11 : memref<128x64xf32, #tpu.memory_space<vmem>>) target(%dma_start3A_468 : memref<10240x64xf32, #tpu.memory_space<vmem_shared>>) offsets(%dma_start3A_465 : memref<128xi32, #tpu.memory_space<vmem>>) semaphore(%arg20 : memref<!tpu.dma_semaphore, #tpu.memory_space<semaphore_mem>>) {add = true}
      %sub3A_469 = arith.constant 2 : i32
      %sub3A_470 = arith.subi %add3A_456, %sub3A_469 : i32
      %dma_wait3A_471 = arith.constant 0 : i32
      %dma_wait3A_472 = tpu.memref_slice %arg9[%sub3A_470, %dma_wait3A_471] : memref<158x128xi32, #tpu.memory_space<vmem>> -> memref<1x128xi32, #tpu.memory_space<vmem>>
      %dma_wait3A_473 = tpu.memref_squeeze %dma_wait3A_472 : memref<1x128xi32, #tpu.memory_space<vmem>> -> memref<128xi32, #tpu.memory_space<vmem>>
      %dma_wait3A_474 = arith.constant 0 : i32
      %dma_wait3A_475 = arith.constant 0 : i32
      %dma_wait3A_476 = tpu.memref_slice %arg23[%dma_wait3A_474, %dma_wait3A_475] : memref<10240x64xf32, #tpu.memory_space<vmem_shared>> -> memref<10240x64xf32, #tpu.memory_space<vmem_shared>>
      tpu.wait_indirect_dma semaphore(%arg22 : memref<!tpu.dma_semaphore, #tpu.memory_space<semaphore_mem>>) src(%arg13 : memref<128x64xf32, #tpu.memory_space<vmem>>) dst(%dma_wait3A_476 : memref<10240x64xf32, #tpu.memory_space<vmem_shared>>)
      %add3A_477 = arith.constant 2 : i32
      %add3A_478 = arith.addi %add3A_456, %add3A_477 : i32
      %dma_start3A_479 = arith.constant 0 : i32
      %dma_start3A_480 = tpu.memref_slice %arg8[%add3A_478, %dma_start3A_479] : memref<160x128xi32, #tpu.memory_space<vmem>> -> memref<1x128xi32, #tpu.memory_space<vmem>>
      %dma_start3A_481 = tpu.memref_squeeze %dma_start3A_480 : memref<1x128xi32, #tpu.memory_space<vmem>> -> memref<128xi32, #tpu.memory_space<vmem>>
      %dma_start3A_482 = arith.constant 0 : i32
      %dma_start3A_483 = arith.constant 0 : i32
      %dma_start3A_484 = tpu.memref_slice %arg2[%dma_start3A_482, %dma_start3A_483] : memref<10240x64xf32, #tpu.memory_space<hbm>> -> memref<10240x64xf32, #tpu.memory_space<hbm>>
      tpu.enqueue_indirect_dma source(%dma_start3A_484 : memref<10240x64xf32, #tpu.memory_space<hbm>>) target(%arg13 : memref<128x64xf32, #tpu.memory_space<vmem>>) offsets(%dma_start3A_481 : memref<128xi32, #tpu.memory_space<vmem>>) semaphore(%arg18 : memref<!tpu.dma_semaphore, #tpu.memory_space<semaphore_mem>>)
    }
    %scan3A_211 = arith.constant 39 : i32
    %dma_wait3A_212 = arith.constant 156 : i32
    %dma_wait3A_213 = arith.constant 0 : i32
    %dma_wait3A_214 = tpu.memref_slice %arg9[%dma_wait3A_212, %dma_wait3A_213] : memref<158x128xi32, #tpu.memory_space<vmem>> -> memref<1x128xi32, #tpu.memory_space<vmem>>
    %dma_wait3A_215 = tpu.memref_squeeze %dma_wait3A_214 : memref<1x128xi32, #tpu.memory_space<vmem>> -> memref<128xi32, #tpu.memory_space<vmem>>
    %dma_wait3A_216 = arith.constant 0 : i32
    %dma_wait3A_217 = arith.constant 0 : i32
    %dma_wait3A_218 = tpu.memref_slice %arg23[%dma_wait3A_216, %dma_wait3A_217] : memref<10240x64xf32, #tpu.memory_space<vmem_shared>> -> memref<10240x64xf32, #tpu.memory_space<vmem_shared>>
    tpu.wait_indirect_dma semaphore(%arg19 : memref<!tpu.dma_semaphore, #tpu.memory_space<semaphore_mem>>) src(%arg10 : memref<128x64xf32, #tpu.memory_space<vmem>>) dst(%dma_wait3A_218 : memref<10240x64xf32, #tpu.memory_space<vmem_shared>>)
    %dma_wait3A_219 = arith.constant 157 : i32
    %dma_wait3A_220 = arith.constant 0 : i32
    %dma_wait3A_221 = tpu.memref_slice %arg9[%dma_wait3A_219, %dma_wait3A_220] : memref<158x128xi32, #tpu.memory_space<vmem>> -> memref<1x128xi32, #tpu.memory_space<vmem>>
    %dma_wait3A_222 = tpu.memref_squeeze %dma_wait3A_221 : memref<1x128xi32, #tpu.memory_space<vmem>> -> memref<128xi32, #tpu.memory_space<vmem>>
    %dma_wait3A_223 = arith.constant 0 : i32
    %dma_wait3A_224 = arith.constant 0 : i32
    %dma_wait3A_225 = tpu.memref_slice %arg23[%dma_wait3A_223, %dma_wait3A_224] : memref<10240x64xf32, #tpu.memory_space<vmem_shared>> -> memref<10240x64xf32, #tpu.memory_space<vmem_shared>>
    tpu.wait_indirect_dma semaphore(%arg20 : memref<!tpu.dma_semaphore, #tpu.memory_space<semaphore_mem>>) src(%arg11 : memref<128x64xf32, #tpu.memory_space<vmem>>) dst(%dma_wait3A_225 : memref<10240x64xf32, #tpu.memory_space<vmem_shared>>)
    %dma_wait3A_226 = arith.constant 158 : i32
    %dma_wait3A_227 = arith.constant 0 : i32
    %dma_wait3A_228 = tpu.memref_slice %arg8[%dma_wait3A_226, %dma_wait3A_227] : memref<160x128xi32, #tpu.memory_space<vmem>> -> memref<1x128xi32, #tpu.memory_space<vmem>>
    %dma_wait3A_229 = tpu.memref_squeeze %dma_wait3A_228 : memref<1x128xi32, #tpu.memory_space<vmem>> -> memref<128xi32, #tpu.memory_space<vmem>>
    %dma_wait3A_230 = arith.constant 0 : i32
    %dma_wait3A_231 = arith.constant 0 : i32
    %dma_wait3A_232 = tpu.memref_slice %arg2[%dma_wait3A_230, %dma_wait3A_231] : memref<10240x64xf32, #tpu.memory_space<hbm>> -> memref<10240x64xf32, #tpu.memory_space<hbm>>
    tpu.wait_indirect_dma semaphore(%arg17 : memref<!tpu.dma_semaphore, #tpu.memory_space<semaphore_mem>>) src(%dma_wait3A_232 : memref<10240x64xf32, #tpu.memory_space<hbm>>) dst(%arg12 : memref<128x64xf32, #tpu.memory_space<vmem>>)
    %dma_wait3A_233 = arith.constant 159 : i32
    %dma_wait3A_234 = arith.constant 0 : i32
    %dma_wait3A_235 = tpu.memref_slice %arg8[%dma_wait3A_233, %dma_wait3A_234] : memref<160x128xi32, #tpu.memory_space<vmem>> -> memref<1x128xi32, #tpu.memory_space<vmem>>
    %dma_wait3A_236 = tpu.memref_squeeze %dma_wait3A_235 : memref<1x128xi32, #tpu.memory_space<vmem>> -> memref<128xi32, #tpu.memory_space<vmem>>
    %dma_wait3A_237 = arith.constant 0 : i32
    %dma_wait3A_238 = arith.constant 0 : i32
    %dma_wait3A_239 = tpu.memref_slice %arg2[%dma_wait3A_237, %dma_wait3A_238] : memref<10240x64xf32, #tpu.memory_space<hbm>> -> memref<10240x64xf32, #tpu.memory_space<hbm>>
    tpu.wait_indirect_dma semaphore(%arg18 : memref<!tpu.dma_semaphore, #tpu.memory_space<semaphore_mem>>) src(%dma_wait3A_239 : memref<10240x64xf32, #tpu.memory_space<hbm>>) dst(%arg13 : memref<128x64xf32, #tpu.memory_space<vmem>>)
    %dma_start3A_240 = arith.constant 0 : i32
    %dma_start3A_241 = arith.constant 0 : i32
    %dma_start3A_242 = tpu.memref_slice %arg8[%dma_start3A_240, %dma_start3A_241] : memref<160x128xi32, #tpu.memory_space<vmem>> -> memref<1x128xi32, #tpu.memory_space<vmem>>
    %dma_start3A_243 = tpu.memref_squeeze %dma_start3A_242 : memref<1x128xi32, #tpu.memory_space<vmem>> -> memref<128xi32, #tpu.memory_space<vmem>>
    %dma_start3A_244 = arith.constant 0 : i32
    %dma_start3A_245 = arith.constant 0 : i32
    %dma_start3A_246 = tpu.memref_slice %arg3[%dma_start3A_244, %dma_start3A_245] : memref<10240x64xf32, #tpu.memory_space<hbm>> -> memref<10240x64xf32, #tpu.memory_space<hbm>>
    tpu.enqueue_indirect_dma source(%dma_start3A_246 : memref<10240x64xf32, #tpu.memory_space<hbm>>) target(%arg10 : memref<128x64xf32, #tpu.memory_space<vmem>>) offsets(%dma_start3A_243 : memref<128xi32, #tpu.memory_space<vmem>>) semaphore(%arg15 : memref<!tpu.dma_semaphore, #tpu.memory_space<semaphore_mem>>)
    %dma_start3A_247 = arith.constant 1 : i32
    %dma_start3A_248 = arith.constant 0 : i32
    %dma_start3A_249 = tpu.memref_slice %arg8[%dma_start3A_247, %dma_start3A_248] : memref<160x128xi32, #tpu.memory_space<vmem>> -> memref<1x128xi32, #tpu.memory_space<vmem>>
    %dma_start3A_250 = tpu.memref_squeeze %dma_start3A_249 : memref<1x128xi32, #tpu.memory_space<vmem>> -> memref<128xi32, #tpu.memory_space<vmem>>
    %dma_start3A_251 = arith.constant 0 : i32
    %dma_start3A_252 = arith.constant 0 : i32
    %dma_start3A_253 = tpu.memref_slice %arg3[%dma_start3A_251, %dma_start3A_252] : memref<10240x64xf32, #tpu.memory_space<hbm>> -> memref<10240x64xf32, #tpu.memory_space<hbm>>
    tpu.enqueue_indirect_dma source(%dma_start3A_253 : memref<10240x64xf32, #tpu.memory_space<hbm>>) target(%arg11 : memref<128x64xf32, #tpu.memory_space<vmem>>) offsets(%dma_start3A_250 : memref<128xi32, #tpu.memory_space<vmem>>) semaphore(%arg16 : memref<!tpu.dma_semaphore, #tpu.memory_space<semaphore_mem>>)
    %barrier3A_254 = arith.constant 0 : index
    tpu.barrier barrier_id(%barrier3A_254)
    %mul3A_255 = arith.constant 640 : i32
    %mul3A_256 = arith.muli %arg1, %mul3A_255 : i32
    %mul3A_257 = arith.constant 640 : i32
    %mul3A_258 = arith.muli %arg1, %mul3A_257 : i32
    "tpu.region"() ({
      %run_scoped3A = tpu.sem_alloc : memref<!tpu.dma_semaphore, #tpu.memory_space<semaphore_mem>>
      %dma_start3A_361 = arith.constant 0 : i32
      %dma_start3A_362 = tpu.memref_slice %arg6[%arg0, %mul3A_258, %dma_start3A_361] : memref<2x10240x64xf32, #tpu.memory_space<hbm>> -> memref<1x640x64xf32, #tpu.memory_space<hbm>>
      %dma_start3A_363 = tpu.memref_squeeze %dma_start3A_362 : memref<1x640x64xf32, #tpu.memory_space<hbm>> -> memref<640x64xf32, #tpu.memory_space<hbm>>
      %dma_start3A_364 = arith.constant 0 : i32
      %dma_start3A_365 = tpu.memref_slice %arg23[%mul3A_256, %dma_start3A_364] : memref<10240x64xf32, #tpu.memory_space<vmem_shared>> -> memref<640x64xf32, #tpu.memory_space<vmem_shared>>
      tpu.enqueue_dma source(%dma_start3A_365 : memref<640x64xf32, #tpu.memory_space<vmem_shared>>) target(%dma_start3A_363 : memref<640x64xf32, #tpu.memory_space<hbm>>) target_semaphore(%run_scoped3A : memref<!tpu.dma_semaphore, #tpu.memory_space<semaphore_mem>>)
      %dma_wait3A_366 = arith.constant 0 : i32
      %dma_wait3A_367 = tpu.memref_slice %arg6[%arg0, %mul3A_258, %dma_wait3A_366] : memref<2x10240x64xf32, #tpu.memory_space<hbm>> -> memref<1x640x64xf32, #tpu.memory_space<hbm>>
      %dma_wait3A_368 = tpu.memref_squeeze %dma_wait3A_367 : memref<1x640x64xf32, #tpu.memory_space<hbm>> -> memref<640x64xf32, #tpu.memory_space<hbm>>
      %dma_wait3A_369 = arith.constant 0 : i32
      %dma_wait3A_370 = tpu.memref_slice %arg23[%mul3A_256, %dma_wait3A_369] : memref<10240x64xf32, #tpu.memory_space<vmem_shared>> -> memref<640x64xf32, #tpu.memory_space<vmem_shared>>
      tpu.wait_dma2 semaphore(%run_scoped3A : memref<!tpu.dma_semaphore, #tpu.memory_space<semaphore_mem>>) src(%dma_wait3A_370 : memref<640x64xf32, #tpu.memory_space<vmem_shared>>) dst(%dma_wait3A_368 : memref<640x64xf32, #tpu.memory_space<hbm>>)
      tpu.yield
    }) : () -> ()
    %mul3A_259 = arith.constant 640 : i32
    %mul3A_260 = arith.muli %arg1, %mul3A_259 : i32
    %add3A_261 = arith.constant 0 : i32
    %add3A_262 = arith.addi %mul3A_260, %add3A_261 : i32
    "tpu.region"() ({
      %run_scoped3A = tpu.sem_alloc : memref<!tpu.dma_semaphore, #tpu.memory_space<semaphore_mem>>
      %dma_start3A_361 = arith.constant 0 : i32
      %dma_start3A_362 = tpu.memref_slice %arg23[%add3A_262, %dma_start3A_361] : memref<10240x64xf32, #tpu.memory_space<vmem_shared>> -> memref<128x64xf32, #tpu.memory_space<vmem_shared>>
      %dma_start3A_363 = arith.constant 0 : i32
      %dma_start3A_364 = tpu.memref_slice %arg23[%add3A_262, %dma_start3A_363] : memref<10240x64xf32, #tpu.memory_space<vmem_shared>> -> memref<128x64xf32, #tpu.memory_space<vmem_shared>>
      tpu.enqueue_dma source(%arg14 : memref<128x64xf32, #tpu.memory_space<vmem>>) target(%dma_start3A_364 : memref<128x64xf32, #tpu.memory_space<vmem_shared>>) target_semaphore(%run_scoped3A : memref<!tpu.dma_semaphore, #tpu.memory_space<semaphore_mem>>)
      %dma_wait3A_365 = arith.constant 0 : i32
      %dma_wait3A_366 = tpu.memref_slice %arg23[%add3A_262, %dma_wait3A_365] : memref<10240x64xf32, #tpu.memory_space<vmem_shared>> -> memref<128x64xf32, #tpu.memory_space<vmem_shared>>
      %dma_wait3A_367 = arith.constant 0 : i32
      %dma_wait3A_368 = tpu.memref_slice %arg23[%add3A_262, %dma_wait3A_367] : memref<10240x64xf32, #tpu.memory_space<vmem_shared>> -> memref<128x64xf32, #tpu.memory_space<vmem_shared>>
      tpu.wait_dma2 semaphore(%run_scoped3A : memref<!tpu.dma_semaphore, #tpu.memory_space<semaphore_mem>>) src(%arg14 : memref<128x64xf32, #tpu.memory_space<vmem>>) dst(%dma_wait3A_368 : memref<128x64xf32, #tpu.memory_space<vmem_shared>>)
      tpu.yield
    }) : () -> ()
    %mul3A_263 = arith.constant 640 : i32
    %mul3A_264 = arith.muli %arg1, %mul3A_263 : i32
    %add3A_265 = arith.constant 128 : i32
    %add3A_266 = arith.addi %mul3A_264, %add3A_265 : i32
    "tpu.region"() ({
      %run_scoped3A = tpu.sem_alloc : memref<!tpu.dma_semaphore, #tpu.memory_space<semaphore_mem>>
      %dma_start3A_361 = arith.constant 0 : i32
      %dma_start3A_362 = tpu.memref_slice %arg23[%add3A_266, %dma_start3A_361] : memref<10240x64xf32, #tpu.memory_space<vmem_shared>> -> memref<128x64xf32, #tpu.memory_space<vmem_shared>>
      %dma_start3A_363 = arith.constant 0 : i32
      %dma_start3A_364 = tpu.memref_slice %arg23[%add3A_266, %dma_start3A_363] : memref<10240x64xf32, #tpu.memory_space<vmem_shared>> -> memref<128x64xf32, #tpu.memory_space<vmem_shared>>
      tpu.enqueue_dma source(%arg14 : memref<128x64xf32, #tpu.memory_space<vmem>>) target(%dma_start3A_364 : memref<128x64xf32, #tpu.memory_space<vmem_shared>>) target_semaphore(%run_scoped3A : memref<!tpu.dma_semaphore, #tpu.memory_space<semaphore_mem>>)
      %dma_wait3A_365 = arith.constant 0 : i32
      %dma_wait3A_366 = tpu.memref_slice %arg23[%add3A_266, %dma_wait3A_365] : memref<10240x64xf32, #tpu.memory_space<vmem_shared>> -> memref<128x64xf32, #tpu.memory_space<vmem_shared>>
      %dma_wait3A_367 = arith.constant 0 : i32
      %dma_wait3A_368 = tpu.memref_slice %arg23[%add3A_266, %dma_wait3A_367] : memref<10240x64xf32, #tpu.memory_space<vmem_shared>> -> memref<128x64xf32, #tpu.memory_space<vmem_shared>>
      tpu.wait_dma2 semaphore(%run_scoped3A : memref<!tpu.dma_semaphore, #tpu.memory_space<semaphore_mem>>) src(%arg14 : memref<128x64xf32, #tpu.memory_space<vmem>>) dst(%dma_wait3A_368 : memref<128x64xf32, #tpu.memory_space<vmem_shared>>)
      tpu.yield
    }) : () -> ()
    %mul3A_267 = arith.constant 640 : i32
    %mul3A_268 = arith.muli %arg1, %mul3A_267 : i32
    %add3A_269 = arith.constant 256 : i32
    %add3A_270 = arith.addi %mul3A_268, %add3A_269 : i32
    "tpu.region"() ({
      %run_scoped3A = tpu.sem_alloc : memref<!tpu.dma_semaphore, #tpu.memory_space<semaphore_mem>>
      %dma_start3A_361 = arith.constant 0 : i32
      %dma_start3A_362 = tpu.memref_slice %arg23[%add3A_270, %dma_start3A_361] : memref<10240x64xf32, #tpu.memory_space<vmem_shared>> -> memref<128x64xf32, #tpu.memory_space<vmem_shared>>
      %dma_start3A_363 = arith.constant 0 : i32
      %dma_start3A_364 = tpu.memref_slice %arg23[%add3A_270, %dma_start3A_363] : memref<10240x64xf32, #tpu.memory_space<vmem_shared>> -> memref<128x64xf32, #tpu.memory_space<vmem_shared>>
      tpu.enqueue_dma source(%arg14 : memref<128x64xf32, #tpu.memory_space<vmem>>) target(%dma_start3A_364 : memref<128x64xf32, #tpu.memory_space<vmem_shared>>) target_semaphore(%run_scoped3A : memref<!tpu.dma_semaphore, #tpu.memory_space<semaphore_mem>>)
      %dma_wait3A_365 = arith.constant 0 : i32
      %dma_wait3A_366 = tpu.memref_slice %arg23[%add3A_270, %dma_wait3A_365] : memref<10240x64xf32, #tpu.memory_space<vmem_shared>> -> memref<128x64xf32, #tpu.memory_space<vmem_shared>>
      %dma_wait3A_367 = arith.constant 0 : i32
      %dma_wait3A_368 = tpu.memref_slice %arg23[%add3A_270, %dma_wait3A_367] : memref<10240x64xf32, #tpu.memory_space<vmem_shared>> -> memref<128x64xf32, #tpu.memory_space<vmem_shared>>
      tpu.wait_dma2 semaphore(%run_scoped3A : memref<!tpu.dma_semaphore, #tpu.memory_space<semaphore_mem>>) src(%arg14 : memref<128x64xf32, #tpu.memory_space<vmem>>) dst(%dma_wait3A_368 : memref<128x64xf32, #tpu.memory_space<vmem_shared>>)
      tpu.yield
    }) : () -> ()
    %mul3A_271 = arith.constant 640 : i32
    %mul3A_272 = arith.muli %arg1, %mul3A_271 : i32
    %add3A_273 = arith.constant 384 : i32
    %add3A_274 = arith.addi %mul3A_272, %add3A_273 : i32
    "tpu.region"() ({
      %run_scoped3A = tpu.sem_alloc : memref<!tpu.dma_semaphore, #tpu.memory_space<semaphore_mem>>
      %dma_start3A_361 = arith.constant 0 : i32
      %dma_start3A_362 = tpu.memref_slice %arg23[%add3A_274, %dma_start3A_361] : memref<10240x64xf32, #tpu.memory_space<vmem_shared>> -> memref<128x64xf32, #tpu.memory_space<vmem_shared>>
      %dma_start3A_363 = arith.constant 0 : i32
      %dma_start3A_364 = tpu.memref_slice %arg23[%add3A_274, %dma_start3A_363] : memref<10240x64xf32, #tpu.memory_space<vmem_shared>> -> memref<128x64xf32, #tpu.memory_space<vmem_shared>>
      tpu.enqueue_dma source(%arg14 : memref<128x64xf32, #tpu.memory_space<vmem>>) target(%dma_start3A_364 : memref<128x64xf32, #tpu.memory_space<vmem_shared>>) target_semaphore(%run_scoped3A : memref<!tpu.dma_semaphore, #tpu.memory_space<semaphore_mem>>)
      %dma_wait3A_365 = arith.constant 0 : i32
      %dma_wait3A_366 = tpu.memref_slice %arg23[%add3A_274, %dma_wait3A_365] : memref<10240x64xf32, #tpu.memory_space<vmem_shared>> -> memref<128x64xf32, #tpu.memory_space<vmem_shared>>
      %dma_wait3A_367 = arith.constant 0 : i32
      %dma_wait3A_368 = tpu.memref_slice %arg23[%add3A_274, %dma_wait3A_367] : memref<10240x64xf32, #tpu.memory_space<vmem_shared>> -> memref<128x64xf32, #tpu.memory_space<vmem_shared>>
      tpu.wait_dma2 semaphore(%run_scoped3A : memref<!tpu.dma_semaphore, #tpu.memory_space<semaphore_mem>>) src(%arg14 : memref<128x64xf32, #tpu.memory_space<vmem>>) dst(%dma_wait3A_368 : memref<128x64xf32, #tpu.memory_space<vmem_shared>>)
      tpu.yield
    }) : () -> ()
    %mul3A_275 = arith.constant 640 : i32
    %mul3A_276 = arith.muli %arg1, %mul3A_275 : i32
    %add3A_277 = arith.constant 512 : i32
    %add3A_278 = arith.addi %mul3A_276, %add3A_277 : i32
    "tpu.region"() ({
      %run_scoped3A = tpu.sem_alloc : memref<!tpu.dma_semaphore, #tpu.memory_space<semaphore_mem>>
      %dma_start3A_361 = arith.constant 0 : i32
      %dma_start3A_362 = tpu.memref_slice %arg23[%add3A_278, %dma_start3A_361] : memref<10240x64xf32, #tpu.memory_space<vmem_shared>> -> memref<128x64xf32, #tpu.memory_space<vmem_shared>>
      %dma_start3A_363 = arith.constant 0 : i32
      %dma_start3A_364 = tpu.memref_slice %arg23[%add3A_278, %dma_start3A_363] : memref<10240x64xf32, #tpu.memory_space<vmem_shared>> -> memref<128x64xf32, #tpu.memory_space<vmem_shared>>
      tpu.enqueue_dma source(%arg14 : memref<128x64xf32, #tpu.memory_space<vmem>>) target(%dma_start3A_364 : memref<128x64xf32, #tpu.memory_space<vmem_shared>>) target_semaphore(%run_scoped3A : memref<!tpu.dma_semaphore, #tpu.memory_space<semaphore_mem>>)
      %dma_wait3A_365 = arith.constant 0 : i32
      %dma_wait3A_366 = tpu.memref_slice %arg23[%add3A_278, %dma_wait3A_365] : memref<10240x64xf32, #tpu.memory_space<vmem_shared>> -> memref<128x64xf32, #tpu.memory_space<vmem_shared>>
      %dma_wait3A_367 = arith.constant 0 : i32
      %dma_wait3A_368 = tpu.memref_slice %arg23[%add3A_278, %dma_wait3A_367] : memref<10240x64xf32, #tpu.memory_space<vmem_shared>> -> memref<128x64xf32, #tpu.memory_space<vmem_shared>>
      tpu.wait_dma2 semaphore(%run_scoped3A : memref<!tpu.dma_semaphore, #tpu.memory_space<semaphore_mem>>) src(%arg14 : memref<128x64xf32, #tpu.memory_space<vmem>>) dst(%dma_wait3A_368 : memref<128x64xf32, #tpu.memory_space<vmem_shared>>)
      tpu.yield
    }) : () -> ()
    %barrier3A_279 = arith.constant 0 : index
    tpu.barrier barrier_id(%barrier3A_279)
    %dma_wait3A_280 = arith.constant 0 : i32
    %dma_wait3A_281 = arith.constant 0 : i32
    %dma_wait3A_282 = tpu.memref_slice %arg8[%dma_wait3A_280, %dma_wait3A_281] : memref<160x128xi32, #tpu.memory_space<vmem>> -> memref<1x128xi32, #tpu.memory_space<vmem>>
    %dma_wait3A_283 = tpu.memref_squeeze %dma_wait3A_282 : memref<1x128xi32, #tpu.memory_space<vmem>> -> memref<128xi32, #tpu.memory_space<vmem>>
    %dma_wait3A_284 = arith.constant 0 : i32
    %dma_wait3A_285 = arith.constant 0 : i32
    %dma_wait3A_286 = tpu.memref_slice %arg3[%dma_wait3A_284, %dma_wait3A_285] : memref<10240x64xf32, #tpu.memory_space<hbm>> -> memref<10240x64xf32, #tpu.memory_space<hbm>>
    tpu.wait_indirect_dma semaphore(%arg15 : memref<!tpu.dma_semaphore, #tpu.memory_space<semaphore_mem>>) src(%dma_wait3A_286 : memref<10240x64xf32, #tpu.memory_space<hbm>>) dst(%arg10 : memref<128x64xf32, #tpu.memory_space<vmem>>)
    %dma_start3A_287 = arith.constant 0 : i32
    %dma_start3A_288 = arith.constant 0 : i32
    %dma_start3A_289 = tpu.memref_slice %arg9[%dma_start3A_287, %dma_start3A_288] : memref<158x128xi32, #tpu.memory_space<vmem>> -> memref<1x128xi32, #tpu.memory_space<vmem>>
    %dma_start3A_290 = tpu.memref_squeeze %dma_start3A_289 : memref<1x128xi32, #tpu.memory_space<vmem>> -> memref<128xi32, #tpu.memory_space<vmem>>
    %dma_start3A_291 = arith.constant 0 : i32
    %dma_start3A_292 = arith.constant 0 : i32
    %dma_start3A_293 = tpu.memref_slice %arg23[%dma_start3A_291, %dma_start3A_292] : memref<10240x64xf32, #tpu.memory_space<vmem_shared>> -> memref<10240x64xf32, #tpu.memory_space<vmem_shared>>
    tpu.enqueue_indirect_dma source(%arg10 : memref<128x64xf32, #tpu.memory_space<vmem>>) target(%dma_start3A_293 : memref<10240x64xf32, #tpu.memory_space<vmem_shared>>) offsets(%dma_start3A_290 : memref<128xi32, #tpu.memory_space<vmem>>) semaphore(%arg19 : memref<!tpu.dma_semaphore, #tpu.memory_space<semaphore_mem>>) {add = true}
    %dma_start3A_294 = arith.constant 2 : i32
    %dma_start3A_295 = arith.constant 0 : i32
    %dma_start3A_296 = tpu.memref_slice %arg8[%dma_start3A_294, %dma_start3A_295] : memref<160x128xi32, #tpu.memory_space<vmem>> -> memref<1x128xi32, #tpu.memory_space<vmem>>
    %dma_start3A_297 = tpu.memref_squeeze %dma_start3A_296 : memref<1x128xi32, #tpu.memory_space<vmem>> -> memref<128xi32, #tpu.memory_space<vmem>>
    %dma_start3A_298 = arith.constant 0 : i32
    %dma_start3A_299 = arith.constant 0 : i32
    %dma_start3A_300 = tpu.memref_slice %arg3[%dma_start3A_298, %dma_start3A_299] : memref<10240x64xf32, #tpu.memory_space<hbm>> -> memref<10240x64xf32, #tpu.memory_space<hbm>>
    tpu.enqueue_indirect_dma source(%dma_start3A_300 : memref<10240x64xf32, #tpu.memory_space<hbm>>) target(%arg12 : memref<128x64xf32, #tpu.memory_space<vmem>>) offsets(%dma_start3A_297 : memref<128xi32, #tpu.memory_space<vmem>>) semaphore(%arg17 : memref<!tpu.dma_semaphore, #tpu.memory_space<semaphore_mem>>)
    %dma_wait3A_301 = arith.constant 1 : i32
    %dma_wait3A_302 = arith.constant 0 : i32
    %dma_wait3A_303 = tpu.memref_slice %arg8[%dma_wait3A_301, %dma_wait3A_302] : memref<160x128xi32, #tpu.memory_space<vmem>> -> memref<1x128xi32, #tpu.memory_space<vmem>>
    %dma_wait3A_304 = tpu.memref_squeeze %dma_wait3A_303 : memref<1x128xi32, #tpu.memory_space<vmem>> -> memref<128xi32, #tpu.memory_space<vmem>>
    %dma_wait3A_305 = arith.constant 0 : i32
    %dma_wait3A_306 = arith.constant 0 : i32
    %dma_wait3A_307 = tpu.memref_slice %arg3[%dma_wait3A_305, %dma_wait3A_306] : memref<10240x64xf32, #tpu.memory_space<hbm>> -> memref<10240x64xf32, #tpu.memory_space<hbm>>
    tpu.wait_indirect_dma semaphore(%arg16 : memref<!tpu.dma_semaphore, #tpu.memory_space<semaphore_mem>>) src(%dma_wait3A_307 : memref<10240x64xf32, #tpu.memory_space<hbm>>) dst(%arg11 : memref<128x64xf32, #tpu.memory_space<vmem>>)
    %dma_start3A_308 = arith.constant 1 : i32
    %dma_start3A_309 = arith.constant 0 : i32
    %dma_start3A_310 = tpu.memref_slice %arg9[%dma_start3A_308, %dma_start3A_309] : memref<158x128xi32, #tpu.memory_space<vmem>> -> memref<1x128xi32, #tpu.memory_space<vmem>>
    %dma_start3A_311 = tpu.memref_squeeze %dma_start3A_310 : memref<1x128xi32, #tpu.memory_space<vmem>> -> memref<128xi32, #tpu.memory_space<vmem>>
    %dma_start3A_312 = arith.constant 0 : i32
    %dma_start3A_313 = arith.constant 0 : i32
    %dma_start3A_314 = tpu.memref_slice %arg23[%dma_start3A_312, %dma_start3A_313] : memref<10240x64xf32, #tpu.memory_space<vmem_shared>> -> memref<10240x64xf32, #tpu.memory_space<vmem_shared>>
    tpu.enqueue_indirect_dma source(%arg11 : memref<128x64xf32, #tpu.memory_space<vmem>>) target(%dma_start3A_314 : memref<10240x64xf32, #tpu.memory_space<vmem_shared>>) offsets(%dma_start3A_311 : memref<128xi32, #tpu.memory_space<vmem>>) semaphore(%arg20 : memref<!tpu.dma_semaphore, #tpu.memory_space<semaphore_mem>>) {add = true}
    %dma_start3A_315 = arith.constant 3 : i32
    %dma_start3A_316 = arith.constant 0 : i32
    %dma_start3A_317 = tpu.memref_slice %arg8[%dma_start3A_315, %dma_start3A_316] : memref<160x128xi32, #tpu.memory_space<vmem>> -> memref<1x128xi32, #tpu.memory_space<vmem>>
    %dma_start3A_318 = tpu.memref_squeeze %dma_start3A_317 : memref<1x128xi32, #tpu.memory_space<vmem>> -> memref<128xi32, #tpu.memory_space<vmem>>
    %dma_start3A_319 = arith.constant 0 : i32
    %dma_start3A_320 = arith.constant 0 : i32
    %dma_start3A_321 = tpu.memref_slice %arg3[%dma_start3A_319, %dma_start3A_320] : memref<10240x64xf32, #tpu.memory_space<hbm>> -> memref<10240x64xf32, #tpu.memory_space<hbm>>
    tpu.enqueue_indirect_dma source(%dma_start3A_321 : memref<10240x64xf32, #tpu.memory_space<hbm>>) target(%arg13 : memref<128x64xf32, #tpu.memory_space<vmem>>) offsets(%dma_start3A_318 : memref<128xi32, #tpu.memory_space<vmem>>) semaphore(%arg18 : memref<!tpu.dma_semaphore, #tpu.memory_space<semaphore_mem>>)
    %scan3A_322 = arith.constant 0 : i32
    %scan3A_323 = arith.constant 0 : i32
    %scan3A_324 = arith.constant 39 : i32
    %scan3A_325 = arith.addi %scan3A_323, %scan3A_324 : i32
    %scan3A_326 = arith.constant 1 : i32
    scf.for %scan3A_361 = %scan3A_323 to %scan3A_325 step %scan3A_326  : i32 {
      %mul3A_362 = arith.constant 4 : i32
      %mul3A_363 = arith.muli %scan3A_361, %mul3A_362 : i32
      %add3A_364 = arith.constant 2 : i32
      %add3A_365 = arith.addi %add3A_364, %mul3A_363 : i32
      %add3A_366 = arith.constant 0 : i32
      %add3A_367 = arith.addi %add3A_365, %add3A_366 : i32
      %dma_wait3A_368 = arith.constant 0 : i32
      %dma_wait3A_369 = tpu.memref_slice %arg8[%add3A_367, %dma_wait3A_368] : memref<160x128xi32, #tpu.memory_space<vmem>> -> memref<1x128xi32, #tpu.memory_space<vmem>>
      %dma_wait3A_370 = tpu.memref_squeeze %dma_wait3A_369 : memref<1x128xi32, #tpu.memory_space<vmem>> -> memref<128xi32, #tpu.memory_space<vmem>>
      %dma_wait3A_371 = arith.constant 0 : i32
      %dma_wait3A_372 = arith.constant 0 : i32
      %dma_wait3A_373 = tpu.memref_slice %arg3[%dma_wait3A_371, %dma_wait3A_372] : memref<10240x64xf32, #tpu.memory_space<hbm>> -> memref<10240x64xf32, #tpu.memory_space<hbm>>
      tpu.wait_indirect_dma semaphore(%arg17 : memref<!tpu.dma_semaphore, #tpu.memory_space<semaphore_mem>>) src(%dma_wait3A_373 : memref<10240x64xf32, #tpu.memory_space<hbm>>) dst(%arg12 : memref<128x64xf32, #tpu.memory_space<vmem>>)
      %dma_start3A_374 = arith.constant 0 : i32
      %dma_start3A_375 = tpu.memref_slice %arg9[%add3A_367, %dma_start3A_374] : memref<158x128xi32, #tpu.memory_space<vmem>> -> memref<1x128xi32, #tpu.memory_space<vmem>>
      %dma_start3A_376 = tpu.memref_squeeze %dma_start3A_375 : memref<1x128xi32, #tpu.memory_space<vmem>> -> memref<128xi32, #tpu.memory_space<vmem>>
      %dma_start3A_377 = arith.constant 0 : i32
      %dma_start3A_378 = arith.constant 0 : i32
      %dma_start3A_379 = tpu.memref_slice %arg23[%dma_start3A_377, %dma_start3A_378] : memref<10240x64xf32, #tpu.memory_space<vmem_shared>> -> memref<10240x64xf32, #tpu.memory_space<vmem_shared>>
      tpu.enqueue_indirect_dma source(%arg12 : memref<128x64xf32, #tpu.memory_space<vmem>>) target(%dma_start3A_379 : memref<10240x64xf32, #tpu.memory_space<vmem_shared>>) offsets(%dma_start3A_376 : memref<128xi32, #tpu.memory_space<vmem>>) semaphore(%arg21 : memref<!tpu.dma_semaphore, #tpu.memory_space<semaphore_mem>>) {add = true}
      %sub3A = arith.constant 2 : i32
      %sub3A_380 = arith.subi %add3A_367, %sub3A : i32
      %dma_wait3A_381 = arith.constant 0 : i32
      %dma_wait3A_382 = tpu.memref_slice %arg9[%sub3A_380, %dma_wait3A_381] : memref<158x128xi32, #tpu.memory_space<vmem>> -> memref<1x128xi32, #tpu.memory_space<vmem>>
      %dma_wait3A_383 = tpu.memref_squeeze %dma_wait3A_382 : memref<1x128xi32, #tpu.memory_space<vmem>> -> memref<128xi32, #tpu.memory_space<vmem>>
      %dma_wait3A_384 = arith.constant 0 : i32
      %dma_wait3A_385 = arith.constant 0 : i32
      %dma_wait3A_386 = tpu.memref_slice %arg23[%dma_wait3A_384, %dma_wait3A_385] : memref<10240x64xf32, #tpu.memory_space<vmem_shared>> -> memref<10240x64xf32, #tpu.memory_space<vmem_shared>>
      tpu.wait_indirect_dma semaphore(%arg19 : memref<!tpu.dma_semaphore, #tpu.memory_space<semaphore_mem>>) src(%arg10 : memref<128x64xf32, #tpu.memory_space<vmem>>) dst(%dma_wait3A_386 : memref<10240x64xf32, #tpu.memory_space<vmem_shared>>)
      %add3A_387 = arith.constant 2 : i32
      %add3A_388 = arith.addi %add3A_367, %add3A_387 : i32
      %dma_start3A_389 = arith.constant 0 : i32
      %dma_start3A_390 = tpu.memref_slice %arg8[%add3A_388, %dma_start3A_389] : memref<160x128xi32, #tpu.memory_space<vmem>> -> memref<1x128xi32, #tpu.memory_space<vmem>>
      %dma_start3A_391 = tpu.memref_squeeze %dma_start3A_390 : memref<1x128xi32, #tpu.memory_space<vmem>> -> memref<128xi32, #tpu.memory_space<vmem>>
      %dma_start3A_392 = arith.constant 0 : i32
      %dma_start3A_393 = arith.constant 0 : i32
      %dma_start3A_394 = tpu.memref_slice %arg3[%dma_start3A_392, %dma_start3A_393] : memref<10240x64xf32, #tpu.memory_space<hbm>> -> memref<10240x64xf32, #tpu.memory_space<hbm>>
      tpu.enqueue_indirect_dma source(%dma_start3A_394 : memref<10240x64xf32, #tpu.memory_space<hbm>>) target(%arg10 : memref<128x64xf32, #tpu.memory_space<vmem>>) offsets(%dma_start3A_391 : memref<128xi32, #tpu.memory_space<vmem>>) semaphore(%arg15 : memref<!tpu.dma_semaphore, #tpu.memory_space<semaphore_mem>>)
      %add3A_395 = arith.constant 1 : i32
      %add3A_396 = arith.addi %add3A_365, %add3A_395 : i32
      %dma_wait3A_397 = arith.constant 0 : i32
      %dma_wait3A_398 = tpu.memref_slice %arg8[%add3A_396, %dma_wait3A_397] : memref<160x128xi32, #tpu.memory_space<vmem>> -> memref<1x128xi32, #tpu.memory_space<vmem>>
      %dma_wait3A_399 = tpu.memref_squeeze %dma_wait3A_398 : memref<1x128xi32, #tpu.memory_space<vmem>> -> memref<128xi32, #tpu.memory_space<vmem>>
      %dma_wait3A_400 = arith.constant 0 : i32
      %dma_wait3A_401 = arith.constant 0 : i32
      %dma_wait3A_402 = tpu.memref_slice %arg3[%dma_wait3A_400, %dma_wait3A_401] : memref<10240x64xf32, #tpu.memory_space<hbm>> -> memref<10240x64xf32, #tpu.memory_space<hbm>>
      tpu.wait_indirect_dma semaphore(%arg18 : memref<!tpu.dma_semaphore, #tpu.memory_space<semaphore_mem>>) src(%dma_wait3A_402 : memref<10240x64xf32, #tpu.memory_space<hbm>>) dst(%arg13 : memref<128x64xf32, #tpu.memory_space<vmem>>)
      %dma_start3A_403 = arith.constant 0 : i32
      %dma_start3A_404 = tpu.memref_slice %arg9[%add3A_396, %dma_start3A_403] : memref<158x128xi32, #tpu.memory_space<vmem>> -> memref<1x128xi32, #tpu.memory_space<vmem>>
      %dma_start3A_405 = tpu.memref_squeeze %dma_start3A_404 : memref<1x128xi32, #tpu.memory_space<vmem>> -> memref<128xi32, #tpu.memory_space<vmem>>
      %dma_start3A_406 = arith.constant 0 : i32
      %dma_start3A_407 = arith.constant 0 : i32
      %dma_start3A_408 = tpu.memref_slice %arg23[%dma_start3A_406, %dma_start3A_407] : memref<10240x64xf32, #tpu.memory_space<vmem_shared>> -> memref<10240x64xf32, #tpu.memory_space<vmem_shared>>
      tpu.enqueue_indirect_dma source(%arg13 : memref<128x64xf32, #tpu.memory_space<vmem>>) target(%dma_start3A_408 : memref<10240x64xf32, #tpu.memory_space<vmem_shared>>) offsets(%dma_start3A_405 : memref<128xi32, #tpu.memory_space<vmem>>) semaphore(%arg22 : memref<!tpu.dma_semaphore, #tpu.memory_space<semaphore_mem>>) {add = true}
      %sub3A_409 = arith.constant 2 : i32
      %sub3A_410 = arith.subi %add3A_396, %sub3A_409 : i32
      %dma_wait3A_411 = arith.constant 0 : i32
      %dma_wait3A_412 = tpu.memref_slice %arg9[%sub3A_410, %dma_wait3A_411] : memref<158x128xi32, #tpu.memory_space<vmem>> -> memref<1x128xi32, #tpu.memory_space<vmem>>
      %dma_wait3A_413 = tpu.memref_squeeze %dma_wait3A_412 : memref<1x128xi32, #tpu.memory_space<vmem>> -> memref<128xi32, #tpu.memory_space<vmem>>
      %dma_wait3A_414 = arith.constant 0 : i32
      %dma_wait3A_415 = arith.constant 0 : i32
      %dma_wait3A_416 = tpu.memref_slice %arg23[%dma_wait3A_414, %dma_wait3A_415] : memref<10240x64xf32, #tpu.memory_space<vmem_shared>> -> memref<10240x64xf32, #tpu.memory_space<vmem_shared>>
      tpu.wait_indirect_dma semaphore(%arg20 : memref<!tpu.dma_semaphore, #tpu.memory_space<semaphore_mem>>) src(%arg11 : memref<128x64xf32, #tpu.memory_space<vmem>>) dst(%dma_wait3A_416 : memref<10240x64xf32, #tpu.memory_space<vmem_shared>>)
      %add3A_417 = arith.constant 2 : i32
      %add3A_418 = arith.addi %add3A_396, %add3A_417 : i32
      %dma_start3A_419 = arith.constant 0 : i32
      %dma_start3A_420 = tpu.memref_slice %arg8[%add3A_418, %dma_start3A_419] : memref<160x128xi32, #tpu.memory_space<vmem>> -> memref<1x128xi32, #tpu.memory_space<vmem>>
      %dma_start3A_421 = tpu.memref_squeeze %dma_start3A_420 : memref<1x128xi32, #tpu.memory_space<vmem>> -> memref<128xi32, #tpu.memory_space<vmem>>
      %dma_start3A_422 = arith.constant 0 : i32
      %dma_start3A_423 = arith.constant 0 : i32
      %dma_start3A_424 = tpu.memref_slice %arg3[%dma_start3A_422, %dma_start3A_423] : memref<10240x64xf32, #tpu.memory_space<hbm>> -> memref<10240x64xf32, #tpu.memory_space<hbm>>
      tpu.enqueue_indirect_dma source(%dma_start3A_424 : memref<10240x64xf32, #tpu.memory_space<hbm>>) target(%arg11 : memref<128x64xf32, #tpu.memory_space<vmem>>) offsets(%dma_start3A_421 : memref<128xi32, #tpu.memory_space<vmem>>) semaphore(%arg16 : memref<!tpu.dma_semaphore, #tpu.memory_space<semaphore_mem>>)
      %add3A_425 = arith.constant 2 : i32
      %add3A_426 = arith.addi %add3A_365, %add3A_425 : i32
      %dma_wait3A_427 = arith.constant 0 : i32
      %dma_wait3A_428 = tpu.memref_slice %arg8[%add3A_426, %dma_wait3A_427] : memref<160x128xi32, #tpu.memory_space<vmem>> -> memref<1x128xi32, #tpu.memory_space<vmem>>
      %dma_wait3A_429 = tpu.memref_squeeze %dma_wait3A_428 : memref<1x128xi32, #tpu.memory_space<vmem>> -> memref<128xi32, #tpu.memory_space<vmem>>
      %dma_wait3A_430 = arith.constant 0 : i32
      %dma_wait3A_431 = arith.constant 0 : i32
      %dma_wait3A_432 = tpu.memref_slice %arg3[%dma_wait3A_430, %dma_wait3A_431] : memref<10240x64xf32, #tpu.memory_space<hbm>> -> memref<10240x64xf32, #tpu.memory_space<hbm>>
      tpu.wait_indirect_dma semaphore(%arg15 : memref<!tpu.dma_semaphore, #tpu.memory_space<semaphore_mem>>) src(%dma_wait3A_432 : memref<10240x64xf32, #tpu.memory_space<hbm>>) dst(%arg10 : memref<128x64xf32, #tpu.memory_space<vmem>>)
      %dma_start3A_433 = arith.constant 0 : i32
      %dma_start3A_434 = tpu.memref_slice %arg9[%add3A_426, %dma_start3A_433] : memref<158x128xi32, #tpu.memory_space<vmem>> -> memref<1x128xi32, #tpu.memory_space<vmem>>
      %dma_start3A_435 = tpu.memref_squeeze %dma_start3A_434 : memref<1x128xi32, #tpu.memory_space<vmem>> -> memref<128xi32, #tpu.memory_space<vmem>>
      %dma_start3A_436 = arith.constant 0 : i32
      %dma_start3A_437 = arith.constant 0 : i32
      %dma_start3A_438 = tpu.memref_slice %arg23[%dma_start3A_436, %dma_start3A_437] : memref<10240x64xf32, #tpu.memory_space<vmem_shared>> -> memref<10240x64xf32, #tpu.memory_space<vmem_shared>>
      tpu.enqueue_indirect_dma source(%arg10 : memref<128x64xf32, #tpu.memory_space<vmem>>) target(%dma_start3A_438 : memref<10240x64xf32, #tpu.memory_space<vmem_shared>>) offsets(%dma_start3A_435 : memref<128xi32, #tpu.memory_space<vmem>>) semaphore(%arg19 : memref<!tpu.dma_semaphore, #tpu.memory_space<semaphore_mem>>) {add = true}
      %sub3A_439 = arith.constant 2 : i32
      %sub3A_440 = arith.subi %add3A_426, %sub3A_439 : i32
      %dma_wait3A_441 = arith.constant 0 : i32
      %dma_wait3A_442 = tpu.memref_slice %arg9[%sub3A_440, %dma_wait3A_441] : memref<158x128xi32, #tpu.memory_space<vmem>> -> memref<1x128xi32, #tpu.memory_space<vmem>>
      %dma_wait3A_443 = tpu.memref_squeeze %dma_wait3A_442 : memref<1x128xi32, #tpu.memory_space<vmem>> -> memref<128xi32, #tpu.memory_space<vmem>>
      %dma_wait3A_444 = arith.constant 0 : i32
      %dma_wait3A_445 = arith.constant 0 : i32
      %dma_wait3A_446 = tpu.memref_slice %arg23[%dma_wait3A_444, %dma_wait3A_445] : memref<10240x64xf32, #tpu.memory_space<vmem_shared>> -> memref<10240x64xf32, #tpu.memory_space<vmem_shared>>
      tpu.wait_indirect_dma semaphore(%arg21 : memref<!tpu.dma_semaphore, #tpu.memory_space<semaphore_mem>>) src(%arg12 : memref<128x64xf32, #tpu.memory_space<vmem>>) dst(%dma_wait3A_446 : memref<10240x64xf32, #tpu.memory_space<vmem_shared>>)
      %add3A_447 = arith.constant 2 : i32
      %add3A_448 = arith.addi %add3A_426, %add3A_447 : i32
      %dma_start3A_449 = arith.constant 0 : i32
      %dma_start3A_450 = tpu.memref_slice %arg8[%add3A_448, %dma_start3A_449] : memref<160x128xi32, #tpu.memory_space<vmem>> -> memref<1x128xi32, #tpu.memory_space<vmem>>
      %dma_start3A_451 = tpu.memref_squeeze %dma_start3A_450 : memref<1x128xi32, #tpu.memory_space<vmem>> -> memref<128xi32, #tpu.memory_space<vmem>>
      %dma_start3A_452 = arith.constant 0 : i32
      %dma_start3A_453 = arith.constant 0 : i32
      %dma_start3A_454 = tpu.memref_slice %arg3[%dma_start3A_452, %dma_start3A_453] : memref<10240x64xf32, #tpu.memory_space<hbm>> -> memref<10240x64xf32, #tpu.memory_space<hbm>>
      tpu.enqueue_indirect_dma source(%dma_start3A_454 : memref<10240x64xf32, #tpu.memory_space<hbm>>) target(%arg12 : memref<128x64xf32, #tpu.memory_space<vmem>>) offsets(%dma_start3A_451 : memref<128xi32, #tpu.memory_space<vmem>>) semaphore(%arg17 : memref<!tpu.dma_semaphore, #tpu.memory_space<semaphore_mem>>)
      %add3A_455 = arith.constant 3 : i32
      %add3A_456 = arith.addi %add3A_365, %add3A_455 : i32
      %dma_wait3A_457 = arith.constant 0 : i32
      %dma_wait3A_458 = tpu.memref_slice %arg8[%add3A_456, %dma_wait3A_457] : memref<160x128xi32, #tpu.memory_space<vmem>> -> memref<1x128xi32, #tpu.memory_space<vmem>>
      %dma_wait3A_459 = tpu.memref_squeeze %dma_wait3A_458 : memref<1x128xi32, #tpu.memory_space<vmem>> -> memref<128xi32, #tpu.memory_space<vmem>>
      %dma_wait3A_460 = arith.constant 0 : i32
      %dma_wait3A_461 = arith.constant 0 : i32
      %dma_wait3A_462 = tpu.memref_slice %arg3[%dma_wait3A_460, %dma_wait3A_461] : memref<10240x64xf32, #tpu.memory_space<hbm>> -> memref<10240x64xf32, #tpu.memory_space<hbm>>
      tpu.wait_indirect_dma semaphore(%arg16 : memref<!tpu.dma_semaphore, #tpu.memory_space<semaphore_mem>>) src(%dma_wait3A_462 : memref<10240x64xf32, #tpu.memory_space<hbm>>) dst(%arg11 : memref<128x64xf32, #tpu.memory_space<vmem>>)
      %dma_start3A_463 = arith.constant 0 : i32
      %dma_start3A_464 = tpu.memref_slice %arg9[%add3A_456, %dma_start3A_463] : memref<158x128xi32, #tpu.memory_space<vmem>> -> memref<1x128xi32, #tpu.memory_space<vmem>>
      %dma_start3A_465 = tpu.memref_squeeze %dma_start3A_464 : memref<1x128xi32, #tpu.memory_space<vmem>> -> memref<128xi32, #tpu.memory_space<vmem>>
      %dma_start3A_466 = arith.constant 0 : i32
      %dma_start3A_467 = arith.constant 0 : i32
      %dma_start3A_468 = tpu.memref_slice %arg23[%dma_start3A_466, %dma_start3A_467] : memref<10240x64xf32, #tpu.memory_space<vmem_shared>> -> memref<10240x64xf32, #tpu.memory_space<vmem_shared>>
      tpu.enqueue_indirect_dma source(%arg11 : memref<128x64xf32, #tpu.memory_space<vmem>>) target(%dma_start3A_468 : memref<10240x64xf32, #tpu.memory_space<vmem_shared>>) offsets(%dma_start3A_465 : memref<128xi32, #tpu.memory_space<vmem>>) semaphore(%arg20 : memref<!tpu.dma_semaphore, #tpu.memory_space<semaphore_mem>>) {add = true}
      %sub3A_469 = arith.constant 2 : i32
      %sub3A_470 = arith.subi %add3A_456, %sub3A_469 : i32
      %dma_wait3A_471 = arith.constant 0 : i32
      %dma_wait3A_472 = tpu.memref_slice %arg9[%sub3A_470, %dma_wait3A_471] : memref<158x128xi32, #tpu.memory_space<vmem>> -> memref<1x128xi32, #tpu.memory_space<vmem>>
      %dma_wait3A_473 = tpu.memref_squeeze %dma_wait3A_472 : memref<1x128xi32, #tpu.memory_space<vmem>> -> memref<128xi32, #tpu.memory_space<vmem>>
      %dma_wait3A_474 = arith.constant 0 : i32
      %dma_wait3A_475 = arith.constant 0 : i32
      %dma_wait3A_476 = tpu.memref_slice %arg23[%dma_wait3A_474, %dma_wait3A_475] : memref<10240x64xf32, #tpu.memory_space<vmem_shared>> -> memref<10240x64xf32, #tpu.memory_space<vmem_shared>>
      tpu.wait_indirect_dma semaphore(%arg22 : memref<!tpu.dma_semaphore, #tpu.memory_space<semaphore_mem>>) src(%arg13 : memref<128x64xf32, #tpu.memory_space<vmem>>) dst(%dma_wait3A_476 : memref<10240x64xf32, #tpu.memory_space<vmem_shared>>)
      %add3A_477 = arith.constant 2 : i32
      %add3A_478 = arith.addi %add3A_456, %add3A_477 : i32
      %dma_start3A_479 = arith.constant 0 : i32
      %dma_start3A_480 = tpu.memref_slice %arg8[%add3A_478, %dma_start3A_479] : memref<160x128xi32, #tpu.memory_space<vmem>> -> memref<1x128xi32, #tpu.memory_space<vmem>>
      %dma_start3A_481 = tpu.memref_squeeze %dma_start3A_480 : memref<1x128xi32, #tpu.memory_space<vmem>> -> memref<128xi32, #tpu.memory_space<vmem>>
      %dma_start3A_482 = arith.constant 0 : i32
      %dma_start3A_483 = arith.constant 0 : i32
      %dma_start3A_484 = tpu.memref_slice %arg3[%dma_start3A_482, %dma_start3A_483] : memref<10240x64xf32, #tpu.memory_space<hbm>> -> memref<10240x64xf32, #tpu.memory_space<hbm>>
      tpu.enqueue_indirect_dma source(%dma_start3A_484 : memref<10240x64xf32, #tpu.memory_space<hbm>>) target(%arg13 : memref<128x64xf32, #tpu.memory_space<vmem>>) offsets(%dma_start3A_481 : memref<128xi32, #tpu.memory_space<vmem>>) semaphore(%arg18 : memref<!tpu.dma_semaphore, #tpu.memory_space<semaphore_mem>>)
    }
    %scan3A_327 = arith.constant 39 : i32
    %dma_wait3A_328 = arith.constant 156 : i32
    %dma_wait3A_329 = arith.constant 0 : i32
    %dma_wait3A_330 = tpu.memref_slice %arg9[%dma_wait3A_328, %dma_wait3A_329] : memref<158x128xi32, #tpu.memory_space<vmem>> -> memref<1x128xi32, #tpu.memory_space<vmem>>
    %dma_wait3A_331 = tpu.memref_squeeze %dma_wait3A_330 : memref<1x128xi32, #tpu.memory_space<vmem>> -> memref<128xi32, #tpu.memory_space<vmem>>
    %dma_wait3A_332 = arith.constant 0 : i32
    %dma_wait3A_333 = arith.constant 0 : i32
    %dma_wait3A_334 = tpu.memref_slice %arg23[%dma_wait3A_332, %dma_wait3A_333] : memref<10240x64xf32, #tpu.memory_space<vmem_shared>> -> memref<10240x64xf32, #tpu.memory_space<vmem_shared>>
    tpu.wait_indirect_dma semaphore(%arg19 : memref<!tpu.dma_semaphore, #tpu.memory_space<semaphore_mem>>) src(%arg10 : memref<128x64xf32, #tpu.memory_space<vmem>>) dst(%dma_wait3A_334 : memref<10240x64xf32, #tpu.memory_space<vmem_shared>>)
    %dma_wait3A_335 = arith.constant 157 : i32
    %dma_wait3A_336 = arith.constant 0 : i32
    %dma_wait3A_337 = tpu.memref_slice %arg9[%dma_wait3A_335, %dma_wait3A_336] : memref<158x128xi32, #tpu.memory_space<vmem>> -> memref<1x128xi32, #tpu.memory_space<vmem>>
    %dma_wait3A_338 = tpu.memref_squeeze %dma_wait3A_337 : memref<1x128xi32, #tpu.memory_space<vmem>> -> memref<128xi32, #tpu.memory_space<vmem>>
    %dma_wait3A_339 = arith.constant 0 : i32
    %dma_wait3A_340 = arith.constant 0 : i32
    %dma_wait3A_341 = tpu.memref_slice %arg23[%dma_wait3A_339, %dma_wait3A_340] : memref<10240x64xf32, #tpu.memory_space<vmem_shared>> -> memref<10240x64xf32, #tpu.memory_space<vmem_shared>>
    tpu.wait_indirect_dma semaphore(%arg20 : memref<!tpu.dma_semaphore, #tpu.memory_space<semaphore_mem>>) src(%arg11 : memref<128x64xf32, #tpu.memory_space<vmem>>) dst(%dma_wait3A_341 : memref<10240x64xf32, #tpu.memory_space<vmem_shared>>)
    %dma_wait3A_342 = arith.constant 158 : i32
    %dma_wait3A_343 = arith.constant 0 : i32
    %dma_wait3A_344 = tpu.memref_slice %arg8[%dma_wait3A_342, %dma_wait3A_343] : memref<160x128xi32, #tpu.memory_space<vmem>> -> memref<1x128xi32, #tpu.memory_space<vmem>>
    %dma_wait3A_345 = tpu.memref_squeeze %dma_wait3A_344 : memref<1x128xi32, #tpu.memory_space<vmem>> -> memref<128xi32, #tpu.memory_space<vmem>>
    %dma_wait3A_346 = arith.constant 0 : i32
    %dma_wait3A_347 = arith.constant 0 : i32
    %dma_wait3A_348 = tpu.memref_slice %arg3[%dma_wait3A_346, %dma_wait3A_347] : memref<10240x64xf32, #tpu.memory_space<hbm>> -> memref<10240x64xf32, #tpu.memory_space<hbm>>
    tpu.wait_indirect_dma semaphore(%arg17 : memref<!tpu.dma_semaphore, #tpu.memory_space<semaphore_mem>>) src(%dma_wait3A_348 : memref<10240x64xf32, #tpu.memory_space<hbm>>) dst(%arg12 : memref<128x64xf32, #tpu.memory_space<vmem>>)
    %dma_wait3A_349 = arith.constant 159 : i32
    %dma_wait3A_350 = arith.constant 0 : i32
    %dma_wait3A_351 = tpu.memref_slice %arg8[%dma_wait3A_349, %dma_wait3A_350] : memref<160x128xi32, #tpu.memory_space<vmem>> -> memref<1x128xi32, #tpu.memory_space<vmem>>
    %dma_wait3A_352 = tpu.memref_squeeze %dma_wait3A_351 : memref<1x128xi32, #tpu.memory_space<vmem>> -> memref<128xi32, #tpu.memory_space<vmem>>
    %dma_wait3A_353 = arith.constant 0 : i32
    %dma_wait3A_354 = arith.constant 0 : i32
    %dma_wait3A_355 = tpu.memref_slice %arg3[%dma_wait3A_353, %dma_wait3A_354] : memref<10240x64xf32, #tpu.memory_space<hbm>> -> memref<10240x64xf32, #tpu.memory_space<hbm>>
    tpu.wait_indirect_dma semaphore(%arg18 : memref<!tpu.dma_semaphore, #tpu.memory_space<semaphore_mem>>) src(%dma_wait3A_355 : memref<10240x64xf32, #tpu.memory_space<hbm>>) dst(%arg13 : memref<128x64xf32, #tpu.memory_space<vmem>>)
    %barrier3A_356 = arith.constant 0 : index
    tpu.barrier barrier_id(%barrier3A_356)
    %mul3A_357 = arith.constant 640 : i32
    %mul3A_358 = arith.muli %arg1, %mul3A_357 : i32
    %mul3A_359 = arith.constant 640 : i32
    %mul3A_360 = arith.muli %arg1, %mul3A_359 : i32
    "tpu.region"() ({
      %run_scoped3A = tpu.sem_alloc : memref<!tpu.dma_semaphore, #tpu.memory_space<semaphore_mem>>
      %dma_start3A_361 = arith.constant 0 : i32
      %dma_start3A_362 = tpu.memref_slice %arg7[%arg0, %mul3A_360, %dma_start3A_361] : memref<2x10240x64xf32, #tpu.memory_space<hbm>> -> memref<1x640x64xf32, #tpu.memory_space<hbm>>
      %dma_start3A_363 = tpu.memref_squeeze %dma_start3A_362 : memref<1x640x64xf32, #tpu.memory_space<hbm>> -> memref<640x64xf32, #tpu.memory_space<hbm>>
      %dma_start3A_364 = arith.constant 0 : i32
      %dma_start3A_365 = tpu.memref_slice %arg23[%mul3A_358, %dma_start3A_364] : memref<10240x64xf32, #tpu.memory_space<vmem_shared>> -> memref<640x64xf32, #tpu.memory_space<vmem_shared>>
      tpu.enqueue_dma source(%dma_start3A_365 : memref<640x64xf32, #tpu.memory_space<vmem_shared>>) target(%dma_start3A_363 : memref<640x64xf32, #tpu.memory_space<hbm>>) target_semaphore(%run_scoped3A : memref<!tpu.dma_semaphore, #tpu.memory_space<semaphore_mem>>)
      %dma_wait3A_366 = arith.constant 0 : i32
      %dma_wait3A_367 = tpu.memref_slice %arg7[%arg0, %mul3A_360, %dma_wait3A_366] : memref<2x10240x64xf32, #tpu.memory_space<hbm>> -> memref<1x640x64xf32, #tpu.memory_space<hbm>>
      %dma_wait3A_368 = tpu.memref_squeeze %dma_wait3A_367 : memref<1x640x64xf32, #tpu.memory_space<hbm>> -> memref<640x64xf32, #tpu.memory_space<hbm>>
      %dma_wait3A_369 = arith.constant 0 : i32
      %dma_wait3A_370 = tpu.memref_slice %arg23[%mul3A_358, %dma_wait3A_369] : memref<10240x64xf32, #tpu.memory_space<vmem_shared>> -> memref<640x64xf32, #tpu.memory_space<vmem_shared>>
      tpu.wait_dma2 semaphore(%run_scoped3A : memref<!tpu.dma_semaphore, #tpu.memory_space<semaphore_mem>>) src(%dma_wait3A_370 : memref<640x64xf32, #tpu.memory_space<vmem_shared>>) dst(%dma_wait3A_368 : memref<640x64xf32, #tpu.memory_space<hbm>>)
      tpu.yield
    }) : () -> ()
    return
  }
}

module attributes {stable_mosaic.version = 14 : i64} {
  func.func @_tc_a_body(%arg0: i32, %arg1: memref<1024x128xf32, #tpu.memory_space<vmem>>, %arg2: memref<128x128xf32, #tpu.memory_space<vmem>>, %arg3: memref<1024x2xf32, #tpu.memory_space<vmem>>, %arg4: memref<1024x64xf32, #tpu.memory_space<vmem>>, %arg5: memref<1024x64xf32, #tpu.memory_space<vmem>>) attributes {dimension_semantics = [#tpu.dimension_semantics<arbitrary>], iteration_bounds = array<i64: 10>, scalar_prefetch = 0 : i64, scratch_operands = 0 : i64, tpu.core_type = #tpu.core_type<tc>, window_params = [{transform_indices = @transform_0, window_bounds = array<i64: 1024, 128>}, {pipeline_mode = #tpu.pipeline_mode<synchronous>, transform_indices = @transform_1, window_bounds = array<i64: 128, 128>}, {transform_indices = @transform_2, window_bounds = array<i64: 1024, 2>}, {transform_indices = @transform_3, window_bounds = array<i64: 1024, 64>}, {transform_indices = @transform_4, window_bounds = array<i64: 1024, 64>}]} {
    %get3A = arith.constant 0 : index
    %get3A_0 = arith.constant 0 : index
    %get3A_1 = vector.load %arg3[%get3A, %get3A_0] : memref<1024x2xf32, #tpu.memory_space<vmem>>, vector<1024x1xf32>
    %get3A_2 = arith.constant 0 : index
    %get3A_3 = arith.constant 1 : index
    %get3A_4 = vector.load %arg3[%get3A_2, %get3A_3] : memref<1024x2xf32, #tpu.memory_space<vmem>>, vector<1024x1xf32>
    %add3A = arith.addf %get3A_1, %get3A_4 : vector<1024x1xf32>
    %add3A_5 = arith.constant 1.000000e+00 : f32
    %add3A_6 = vector.broadcast %add3A_5 : f32 to vector<1024x1xf32>
    %add3A_7 = arith.addf %add3A, %add3A_6 : vector<1024x1xf32>
    %rsqrt3A = math.rsqrt %add3A_7 : vector<1024x1xf32>
    %get3A_8 = arith.constant 0 : index
    %get3A_9 = arith.constant 0 : index
    %get3A_10 = vector.load %arg1[%get3A_8, %get3A_9] : memref<1024x128xf32, #tpu.memory_space<vmem>>, vector<1024x128xf32>
    %get3A_11 = arith.constant 0 : index
    %get3A_12 = arith.constant 0 : index
    %get3A_13 = vector.load %arg2[%get3A_11, %get3A_12] : memref<128x128xf32, #tpu.memory_space<vmem>>, vector<128x128xf32>
    %dot_general3A = arith.constant dense<0.000000e+00> : vector<1024x128xf32>
    %dot_general3A_14 = tpu.matmul %get3A_10, %get3A_13, %dot_general3A {dimension_numbers = #tpu.dot_dimension_numbers<[1], [0], [0], [1], [0, 0, 1, 1], [], []>, transpose_lhs_hint = false} : vector<1024x128xf32>, vector<128x128xf32>, vector<1024x128xf32> -> vector<1024x128xf32>
    %mul3A = vector.broadcast %rsqrt3A : vector<1024x1xf32> to vector<1024x128xf32>
    %mul3A_15 = arith.mulf %dot_general3A_14, %mul3A : vector<1024x128xf32>
    %slice3A = vector.extract_strided_slice %mul3A_15 {offsets = [0, 0], sizes = [1024, 64], strides = [1, 1]} : vector<1024x128xf32> to vector<1024x64xf32>
    %swap3A = arith.constant 0 : index
    %swap3A_16 = arith.constant 0 : index
    %swap3A_17 = vector.load %arg4[%swap3A, %swap3A_16] : memref<1024x64xf32, #tpu.memory_space<vmem>>, vector<1024x64xf32>
    tpu.vector_store %arg4[%swap3A, %swap3A_16], %slice3A {strides = array<i32>} : memref<1024x64xf32, #tpu.memory_space<vmem>>, vector<1024x64xf32>,
    %slice3A_18 = vector.extract_strided_slice %mul3A_15 {offsets = [0, 64], sizes = [1024, 64], strides = [1, 1]} : vector<1024x128xf32> to vector<1024x64xf32>
    %swap3A_19 = arith.constant 0 : index
    %swap3A_20 = arith.constant 0 : index
    %swap3A_21 = vector.load %arg5[%swap3A_19, %swap3A_20] : memref<1024x64xf32, #tpu.memory_space<vmem>>, vector<1024x64xf32>
    tpu.vector_store %arg5[%swap3A_19, %swap3A_20], %slice3A_18 {strides = array<i32>} : memref<1024x64xf32, #tpu.memory_space<vmem>>, vector<1024x64xf32>,
    return
  }
  func.func @transform_0(%arg0: i32) -> (i32, i32) {
    %c0_i32 = arith.constant 0 : i32
    %c0_i32_0 = arith.constant 0 : i32
    return %arg0, %c0_i32 : i32, i32
  }
  func.func @transform_1(%arg0: i32) -> (i32, i32) {
    %c0_i32 = arith.constant 0 : i32
    %c0_i32_0 = arith.constant 0 : i32
    %c0_i32_1 = arith.constant 0 : i32
    return %c0_i32, %c0_i32_0 : i32, i32
  }
  func.func @transform_2(%arg0: i32) -> (i32, i32) {
    %c0_i32 = arith.constant 0 : i32
    %c0_i32_0 = arith.constant 0 : i32
    return %arg0, %c0_i32 : i32, i32
  }
  func.func @transform_3(%arg0: i32) -> (i32, i32) {
    %c0_i32 = arith.constant 0 : i32
    %c0_i32_0 = arith.constant 0 : i32
    return %arg0, %c0_i32 : i32, i32
  }
  func.func @transform_4(%arg0: i32) -> (i32, i32) {
    %c0_i32 = arith.constant 0 : i32
    %c0_i32_0 = arith.constant 0 : i32
    return %arg0, %c0_i32 : i32, i32
  }
}

module attributes {stable_mosaic.version = 14 : i64} {
  func.func @_tc_b_body(%arg0: i32, %arg1: memref<2x1024x64xf32, #tpu.memory_space<vmem>>, %arg2: memref<2x1024x64xf32, #tpu.memory_space<vmem>>, %arg3: memref<1024x64xf32, #tpu.memory_space<vmem>>, %arg4: memref<1024x64xf32, #tpu.memory_space<vmem>>, %arg5: memref<1024x2xf32, #tpu.memory_space<vmem>>, %arg6: memref<1x128xf32, #tpu.memory_space<vmem>>, %arg7: memref<128x64xf32, #tpu.memory_space<vmem>>, %arg8: memref<1024x64xf32, #tpu.memory_space<vmem>>) attributes {dimension_semantics = [#tpu.dimension_semantics<arbitrary>], iteration_bounds = array<i64: 10>, scalar_prefetch = 0 : i64, scratch_operands = 0 : i64, tpu.core_type = #tpu.core_type<tc>, window_params = [{transform_indices = @transform_0, window_bounds = array<i64: 2, 1024, 64>}, {transform_indices = @transform_1, window_bounds = array<i64: 2, 1024, 64>}, {transform_indices = @transform_2, window_bounds = array<i64: 1024, 64>}, {transform_indices = @transform_3, window_bounds = array<i64: 1024, 64>}, {transform_indices = @transform_4, window_bounds = array<i64: 1024, 2>}, {pipeline_mode = #tpu.pipeline_mode<synchronous>, transform_indices = @transform_5, window_bounds = array<i64: 1, 128>}, {pipeline_mode = #tpu.pipeline_mode<synchronous>, transform_indices = @transform_6, window_bounds = array<i64: 128, 64>}, {transform_indices = @transform_7, window_bounds = array<i64: 1024, 64>}]} {
    %get3A = arith.constant 0 : index
    %get3A_0 = arith.constant 0 : index
    %get3A_1 = vector.load %arg5[%get3A, %get3A_0] : memref<1024x2xf32, #tpu.memory_space<vmem>>, vector<1024x1xf32>
    %get3A_2 = arith.constant 0 : index
    %get3A_3 = arith.constant 1 : index
    %get3A_4 = vector.load %arg5[%get3A_2, %get3A_3] : memref<1024x2xf32, #tpu.memory_space<vmem>>, vector<1024x1xf32>
    %add3A = arith.addf %get3A_1, %get3A_4 : vector<1024x1xf32>
    %add3A_5 = arith.constant 1.000000e+00 : f32
    %add3A_6 = vector.broadcast %add3A_5 : f32 to vector<1024x1xf32>
    %add3A_7 = arith.addf %add3A, %add3A_6 : vector<1024x1xf32>
    %rsqrt3A = math.rsqrt %add3A_7 : vector<1024x1xf32>
    %get3A_8 = arith.constant 0 : index
    %get3A_9 = arith.constant 0 : index
    %get3A_10 = arith.constant 0 : index
    %get3A_11 = vector.load %arg1[%get3A_8, %get3A_9, %get3A_10] : memref<2x1024x64xf32, #tpu.memory_space<vmem>>, vector<1x1024x64xf32>
    %get3A_12 = vector.shape_cast %get3A_11 : vector<1x1024x64xf32> to vector<1024x64xf32>
    %get3A_13 = arith.constant 1 : index
    %get3A_14 = arith.constant 0 : index
    %get3A_15 = arith.constant 0 : index
    %get3A_16 = vector.load %arg1[%get3A_13, %get3A_14, %get3A_15] : memref<2x1024x64xf32, #tpu.memory_space<vmem>>, vector<1x1024x64xf32>
    %get3A_17 = vector.shape_cast %get3A_16 : vector<1x1024x64xf32> to vector<1024x64xf32>
    %add3A_18 = arith.addf %get3A_12, %get3A_17 : vector<1024x64xf32>
    %get3A_19 = arith.constant 0 : index
    %get3A_20 = arith.constant 0 : index
    %get3A_21 = vector.load %arg3[%get3A_19, %get3A_20] : memref<1024x64xf32, #tpu.memory_space<vmem>>, vector<1024x64xf32>
    %add3A_22 = arith.addf %add3A_18, %get3A_21 : vector<1024x64xf32>
    %get3A_23 = arith.constant 0 : index
    %get3A_24 = arith.constant 0 : index
    %get3A_25 = arith.constant 0 : index
    %get3A_26 = vector.load %arg2[%get3A_23, %get3A_24, %get3A_25] : memref<2x1024x64xf32, #tpu.memory_space<vmem>>, vector<1x1024x64xf32>
    %get3A_27 = vector.shape_cast %get3A_26 : vector<1x1024x64xf32> to vector<1024x64xf32>
    %get3A_28 = arith.constant 1 : index
    %get3A_29 = arith.constant 0 : index
    %get3A_30 = arith.constant 0 : index
    %get3A_31 = vector.load %arg2[%get3A_28, %get3A_29, %get3A_30] : memref<2x1024x64xf32, #tpu.memory_space<vmem>>, vector<1x1024x64xf32>
    %get3A_32 = vector.shape_cast %get3A_31 : vector<1x1024x64xf32> to vector<1024x64xf32>
    %add3A_33 = arith.addf %get3A_27, %get3A_32 : vector<1024x64xf32>
    %get3A_34 = arith.constant 0 : index
    %get3A_35 = arith.constant 0 : index
    %get3A_36 = vector.load %arg4[%get3A_34, %get3A_35] : memref<1024x64xf32, #tpu.memory_space<vmem>>, vector<1024x64xf32>
    %add3A_37 = arith.addf %add3A_33, %get3A_36 : vector<1024x64xf32>
    %mul3A = vector.broadcast %rsqrt3A : vector<1024x1xf32> to vector<1024x64xf32>
    %mul3A_38 = arith.mulf %add3A_22, %mul3A : vector<1024x64xf32>
    %get3A_39 = arith.constant 0 : index
    %get3A_40 = arith.constant 0 : index
    %get3A_41 = vector.load %arg6[%get3A_39, %get3A_40] : memref<1x128xf32, #tpu.memory_space<vmem>>, vector<1x64xf32>
    %add3A_42 = vector.broadcast %get3A_41 : vector<1x64xf32> to vector<1024x64xf32>
    %add3A_43 = arith.addf %mul3A_38, %add3A_42 : vector<1024x64xf32>
    %max3A = arith.constant 0.000000e+00 : f32
    %max3A_44 = vector.broadcast %max3A : f32 to vector<1024x64xf32>
    %max3A_45 = arith.maximumf %add3A_43, %max3A_44 : vector<1024x64xf32>
    %mul3A_46 = vector.broadcast %rsqrt3A : vector<1024x1xf32> to vector<1024x64xf32>
    %mul3A_47 = arith.mulf %add3A_37, %mul3A_46 : vector<1024x64xf32>
    %get3A_48 = arith.constant 0 : index
    %get3A_49 = arith.constant 64 : index
    %get3A_50 = vector.load %arg6[%get3A_48, %get3A_49] : memref<1x128xf32, #tpu.memory_space<vmem>>, vector<1x64xf32>
    %add3A_51 = vector.broadcast %get3A_50 : vector<1x64xf32> to vector<1024x64xf32>
    %add3A_52 = arith.addf %mul3A_47, %add3A_51 : vector<1024x64xf32>
    %max3A_53 = arith.constant 0.000000e+00 : f32
    %max3A_54 = vector.broadcast %max3A_53 : f32 to vector<1024x64xf32>
    %max3A_55 = arith.maximumf %add3A_52, %max3A_54 : vector<1024x64xf32>
    %get3A_56 = arith.constant 0 : index
    %get3A_57 = arith.constant 0 : index
    %get3A_58 = vector.load %arg7[%get3A_56, %get3A_57] : memref<128x64xf32, #tpu.memory_space<vmem>>, vector<64x64xf32>
    %dot_general3A = arith.constant dense<0.000000e+00> : vector<1024x64xf32>
    %dot_general3A_59 = tpu.matmul %max3A_45, %get3A_58, %dot_general3A {dimension_numbers = #tpu.dot_dimension_numbers<[1], [0], [0], [1], [0, 0, 1, 1], [], []>, transpose_lhs_hint = false} : vector<1024x64xf32>, vector<64x64xf32>, vector<1024x64xf32> -> vector<1024x64xf32>
    %get3A_60 = arith.constant 64 : index
    %get3A_61 = arith.constant 0 : index
    %get3A_62 = vector.load %arg7[%get3A_60, %get3A_61] : memref<128x64xf32, #tpu.memory_space<vmem>>, vector<64x64xf32>
    %dot_general3A_63 = arith.constant dense<0.000000e+00> : vector<1024x64xf32>
    %dot_general3A_64 = tpu.matmul %max3A_55, %get3A_62, %dot_general3A_63 {dimension_numbers = #tpu.dot_dimension_numbers<[1], [0], [0], [1], [0, 0, 1, 1], [], []>, transpose_lhs_hint = false} : vector<1024x64xf32>, vector<64x64xf32>, vector<1024x64xf32> -> vector<1024x64xf32>
    %add3A_65 = arith.addf %dot_general3A_59, %dot_general3A_64 : vector<1024x64xf32>
    %mul3A_66 = vector.broadcast %rsqrt3A : vector<1024x1xf32> to vector<1024x64xf32>
    %mul3A_67 = arith.mulf %add3A_65, %mul3A_66 : vector<1024x64xf32>
    %swap3A = arith.constant 0 : index
    %swap3A_68 = arith.constant 0 : index
    %swap3A_69 = vector.load %arg8[%swap3A, %swap3A_68] : memref<1024x64xf32, #tpu.memory_space<vmem>>, vector<1024x64xf32>
    tpu.vector_store %arg8[%swap3A, %swap3A_68], %mul3A_67 {strides = array<i32>} : memref<1024x64xf32, #tpu.memory_space<vmem>>, vector<1024x64xf32>,
    return
  }
  func.func @transform_0(%arg0: i32) -> (i32, i32, i32) {
    %c0_i32 = arith.constant 0 : i32
    %c0_i32_0 = arith.constant 0 : i32
    %c0_i32_1 = arith.constant 0 : i32
    return %c0_i32, %arg0, %c0_i32_0 : i32, i32, i32
  }
  func.func @transform_1(%arg0: i32) -> (i32, i32, i32) {
    %c0_i32 = arith.constant 0 : i32
    %c0_i32_0 = arith.constant 0 : i32
    %c0_i32_1 = arith.constant 0 : i32
    return %c0_i32, %arg0, %c0_i32_0 : i32, i32, i32
  }
  func.func @transform_2(%arg0: i32) -> (i32, i32) {
    %c0_i32 = arith.constant 0 : i32
    %c0_i32_0 = arith.constant 0 : i32
    return %arg0, %c0_i32 : i32, i32
  }
  func.func @transform_3(%arg0: i32) -> (i32, i32) {
    %c0_i32 = arith.constant 0 : i32
    %c0_i32_0 = arith.constant 0 : i32
    return %arg0, %c0_i32 : i32, i32
  }
  func.func @transform_4(%arg0: i32) -> (i32, i32) {
    %c0_i32 = arith.constant 0 : i32
    %c0_i32_0 = arith.constant 0 : i32
    return %arg0, %c0_i32 : i32, i32
  }
  func.func @transform_5(%arg0: i32) -> (i32, i32) {
    %c0_i32 = arith.constant 0 : i32
    %c0_i32_0 = arith.constant 0 : i32
    %c0_i32_1 = arith.constant 0 : i32
    return %c0_i32, %c0_i32_0 : i32, i32
  }
  func.func @transform_6(%arg0: i32) -> (i32, i32) {
    %c0_i32 = arith.constant 0 : i32
    %c0_i32_0 = arith.constant 0 : i32
    %c0_i32_1 = arith.constant 0 : i32
    return %c0_i32, %c0_i32_0 : i32, i32
  }
  func.func @transform_7(%arg0: i32) -> (i32, i32) {
    %c0_i32 = arith.constant 0 : i32
    %c0_i32_0 = arith.constant 0 : i32
    return %arg0, %c0_i32 : i32, i32
  }
}

module attributes {stable_mosaic.version = 14 : i64} {
  func.func @_tc_c_body(%arg0: i32, %arg1: memref<2x1000x64xf32, #tpu.memory_space<vmem>>, %arg2: memref<1000x64xf32, #tpu.memory_space<vmem>>, %arg3: memref<1000x2xf32, #tpu.memory_space<vmem>>, %arg4: memref<1x64xf32, #tpu.memory_space<vmem>>, %arg5: memref<1000x64xf32, #tpu.memory_space<vmem>>) attributes {dimension_semantics = [#tpu.dimension_semantics<arbitrary>], iteration_bounds = array<i64: 10>, scalar_prefetch = 0 : i64, scratch_operands = 0 : i64, tpu.core_type = #tpu.core_type<tc>, window_params = [{transform_indices = @transform_0, window_bounds = array<i64: 2, 1000, 64>}, {transform_indices = @transform_1, window_bounds = array<i64: 1000, 64>}, {transform_indices = @transform_2, window_bounds = array<i64: 1000, 2>}, {pipeline_mode = #tpu.pipeline_mode<synchronous>, transform_indices = @transform_3, window_bounds = array<i64: 1, 64>}, {transform_indices = @transform_4, window_bounds = array<i64: 1000, 64>}]} {
    %get3A = arith.constant 0 : index
    %get3A_0 = arith.constant 0 : index
    %get3A_1 = vector.load %arg3[%get3A, %get3A_0] : memref<1000x2xf32, #tpu.memory_space<vmem>>, vector<1000x1xf32>
    %get3A_2 = arith.constant 0 : index
    %get3A_3 = arith.constant 1 : index
    %get3A_4 = vector.load %arg3[%get3A_2, %get3A_3] : memref<1000x2xf32, #tpu.memory_space<vmem>>, vector<1000x1xf32>
    %add3A = arith.addf %get3A_1, %get3A_4 : vector<1000x1xf32>
    %add3A_5 = arith.constant 1.000000e+00 : f32
    %add3A_6 = vector.broadcast %add3A_5 : f32 to vector<1000x1xf32>
    %add3A_7 = arith.addf %add3A, %add3A_6 : vector<1000x1xf32>
    %rsqrt3A = math.rsqrt %add3A_7 : vector<1000x1xf32>
    %get3A_8 = arith.constant 0 : index
    %get3A_9 = arith.constant 0 : index
    %get3A_10 = arith.constant 0 : index
    %get3A_11 = vector.load %arg1[%get3A_8, %get3A_9, %get3A_10] : memref<2x1000x64xf32, #tpu.memory_space<vmem>>, vector<1x1000x64xf32>
    %get3A_12 = vector.shape_cast %get3A_11 : vector<1x1000x64xf32> to vector<1000x64xf32>
    %get3A_13 = arith.constant 1 : index
    %get3A_14 = arith.constant 0 : index
    %get3A_15 = arith.constant 0 : index
    %get3A_16 = vector.load %arg1[%get3A_13, %get3A_14, %get3A_15] : memref<2x1000x64xf32, #tpu.memory_space<vmem>>, vector<1x1000x64xf32>
    %get3A_17 = vector.shape_cast %get3A_16 : vector<1x1000x64xf32> to vector<1000x64xf32>
    %add3A_18 = arith.addf %get3A_12, %get3A_17 : vector<1000x64xf32>
    %get3A_19 = arith.constant 0 : index
    %get3A_20 = arith.constant 0 : index
    %get3A_21 = vector.load %arg2[%get3A_19, %get3A_20] : memref<1000x64xf32, #tpu.memory_space<vmem>>, vector<1000x64xf32>
    %add3A_22 = arith.addf %add3A_18, %get3A_21 : vector<1000x64xf32>
    %mul3A = vector.broadcast %rsqrt3A : vector<1000x1xf32> to vector<1000x64xf32>
    %mul3A_23 = arith.mulf %add3A_22, %mul3A : vector<1000x64xf32>
    %get3A_24 = arith.constant 0 : index
    %get3A_25 = arith.constant 0 : index
    %get3A_26 = vector.load %arg4[%get3A_24, %get3A_25] : memref<1x64xf32, #tpu.memory_space<vmem>>, vector<1x64xf32>
    %add3A_27 = vector.broadcast %get3A_26 : vector<1x64xf32> to vector<1000x64xf32>
    %add3A_28 = arith.addf %mul3A_23, %add3A_27 : vector<1000x64xf32>
    %swap3A = arith.constant 0 : index
    %swap3A_29 = arith.constant 0 : index
    %swap3A_30 = vector.load %arg5[%swap3A, %swap3A_29] : memref<1000x64xf32, #tpu.memory_space<vmem>>, vector<1000x64xf32>
    tpu.vector_store %arg5[%swap3A, %swap3A_29], %add3A_28 {strides = array<i32>} : memref<1000x64xf32, #tpu.memory_space<vmem>>, vector<1000x64xf32>,
    return
  }
  func.func @transform_0(%arg0: i32) -> (i32, i32, i32) {
    %c0_i32 = arith.constant 0 : i32
    %c0_i32_0 = arith.constant 0 : i32
    %c0_i32_1 = arith.constant 0 : i32
    return %c0_i32, %arg0, %c0_i32_0 : i32, i32, i32
  }
  func.func @transform_1(%arg0: i32) -> (i32, i32) {
    %c0_i32 = arith.constant 0 : i32
    %c0_i32_0 = arith.constant 0 : i32
    return %arg0, %c0_i32 : i32, i32
  }
  func.func @transform_2(%arg0: i32) -> (i32, i32) {
    %c0_i32 = arith.constant 0 : i32
    %c0_i32_0 = arith.constant 0 : i32
    return %arg0, %c0_i32 : i32, i32
  }
  func.func @transform_3(%arg0: i32) -> (i32, i32) {
    %c0_i32 = arith.constant 0 : i32
    %c0_i32_0 = arith.constant 0 : i32
    %c0_i32_1 = arith.constant 0 : i32
    return %c0_i32, %c0_i32_0 : i32, i32
  }
  func.func @transform_4(%arg0: i32) -> (i32, i32) {
    %c0_i32 = arith.constant 0 : i32
    %c0_i32_0 = arith.constant 0 : i32
    return %arg0, %c0_i32 : i32, i32
  }
}

</mosaic_0001>

<sc_bundles>
// kernel: kernel.11.cloned.1.call-start
scs
__scs_entry_jumppad:
0x0: {  	(pc) =	sbr.rel $0x88, $3  }
0x1: {  	(tag) =	ssettag $0x0;
	lr =	simm.s32 $0x1  }
0x2: {  	[smem:$0x3F9B] =	sst lr;
	_ =	strace $0xD0000000  }
0x3: {  	_ = 	snop  }
0x4: {  	_ = 	snop  }
0x5: {  	_ = 	snop  }
0x6: {  	_ = 	snop  }
0x7: {  	_ = 	snop  }
__scs_overlays_trampoline_lowered:
0x8: {  	[smem:$0x3FAA] =	sst s0  }
0x9: {  	[smem:$0x3FAB] =	sst s1  }
0xa: {  	[smem:$0x3FAC] =	sst s2  }
0xb: {  	[smem:$0x3FAD] =	sst s3  }
0xc: {  	[smem:$0x3FAE] =	sst s4  }
0xd: {  	[smem:$0x3FAF] =	sst s5  }
0xe: {  	[smem:$0x3FB0] =	sst s6  }
0xf: {  	[smem:$0x3FB1] =	sst s7  }
0x10: {  	[smem:$0x3FB2] =	sst s8  }
0x11: {  	[smem:$0x3FB3] =	sst s9;
	s0 =	simm.s32 @!p0 $0x0  }
0x12: {  	s1 =	sld [smem:$0x3F99];
	s0 =	simm.s32 @p0 $0x1  }
0x13: {  	[smem:$0x3FB4] =	sst s0;
	s0 =	simm.s32 @!p1 $0x0  }
0x14: {  	s2 =	sld [smem:$0x3F98];
	s0 =	simm.s32 @p1 $0x1  }
0x15: {  	[smem:$0x3FB5] =	sst s0;
	s0 =	simm.s32 @!p2 $0x0  }
0x16: {  	s3 =	sld [smem:$0x3FDB];
	s0 =	simm.s32 @p2 $0x1  }
0x17: {  	s4 =	simm.s32 $0x1BF5;
	[smem:$0x3FB7] =	sst s0  }
0x18: {  	s0 =	sld [smem:$0x3F9A];
	_ =	swait.ge [sflag:s4], $0x0  }
0x19: {  	s7 =	sld [smem:$0x3F9B]  }
0x1a: {  	s8 =	sadd.s32 $0xFFFFE003, lr  }
0x1b: {  	s9 =	sadd.s32 $0xFFFFFEF7, lr;
	s5 =	simm.s32 $0xFFFFFFFF;
	p2 =	slt.u32 s8, $0xFFFFF086  }
0x1c: {  	p1 =	slt.u32 s9, $0xF7A;
	s5 =	simm.s32 @!p2 $0x0  }
0x1d: {  	s5 =	simm.s32 @p1 $0x1;
	p0 =	seq.s32 s7, s2  }
0x1e: {  	s7 =	smul.u32 @!p0 $0xF7A, s2;
	p2 =	seq.s32 @!p0 s5, $0x0  }
0x1f: {  	s9 =	smul.u32 $0xF7A, s1;
	s8 =	simm.s32 @!p0 $0x1BF5;
	p2 =	por !p2, p0  }
0x20: {  	[sflag:s8] =	ssyncset.s32 @!p0 $0xFFFFF086;
	s6 =	sadd.s32 @!p0 s3, s7;
	s7 =	simm.s32 @!p0 $0x108  }
0x21: {  	s3 =	sadd.s32 s3, s9;
	s6 =	sadd.s32 @!p0 $0x88, s6;
	s7 =	simm.s32 @p2 $0x1082  }
0x22: {  	[simem:s7], [sflag:s8] =	dma.local @!p0 [hbm:s6], $0xF7A  }
0x23: {  	s9 =	sor.u32 $0xD0000000, s2;
	s6 =	simm.s32 $0x108;
	_ =	swait.ge @!p0 [sflag:s8], $0x0  }
0x24: {  	s3 =	sadd.s32 $0x88, s3;
	s6 =	simm.s32 @!p1 $0x1082;
	[sflag:s4] =	ssyncset.s32 $0xFFFFF086  }
0x25: {  	[simem:s6], [sflag:s4] =	dma.local [hbm:s3], $0xF7A  }
0x26: {  	[smem:$0x3F9B] =	sst s1;
	(tag) =	ssettag s2;
	_ =	strace s9  }
0x27: {  	s1 =	sld [smem:$0x3FAB]  }
0x28: {  	s2 =	sld [smem:$0x3FAC]  }
0x29: {  	s4 =	sld [smem:$0x3FAE]  }
0x2a: {  	p0 =	seq.s32 s5, $0x0;
	s5 =	sld [smem:$0x3FAF]  }
0x2b: {  	s6 =	sld [smem:$0x3FB0]  }
0x2c: {  	s7 =	sld [smem:$0x3FB1]  }
0x2d: {  	s3 =	simm.s32 $0x108;
	s8 =	sld [smem:$0x3FB2]  }
0x2e: {  	s3 =	simm.s32 @!p0 $0x1082;
	s9 =	sld [smem:$0x3FB3]  }
0x2f: {  	lr =	sadd.s32 s0, s3;
	s0 =	sld [smem:$0x3FAA]  }
0x30: {  	s3 =	sld [smem:$0x3FAD]  }
0x31: {  	[smem:$0x3FB6] =	sst s10  }
0x32: {  	s10 =	sld [smem:$0x3FB4];
	_ =	sdelay $0x3  }
0x33: {  	p0 =	seq.s32 s10, $0x1;
	s10 =	sld [smem:$0x3FB6];
	_ =	sdelay $0x3  }
0x34: {  	[smem:$0x3FB6] =	sst s10  }
0x35: {  	s10 =	sld [smem:$0x3FB5];
	_ =	sdelay $0x3  }
0x36: {  	p1 =	seq.s32 s10, $0x1;
	s10 =	sld [smem:$0x3FB6];
	_ =	sdelay $0x3  }
0x37: {  	[smem:$0x3FB6] =	sst s10  }
0x38: {  	s10 =	sld [smem:$0x3FB7]  }
0x39: {  	_ = 	snop;
	(pc) =	sbr.ind lr, $3  }
0x3a: {  	_ = 	snop  }
0x3b: {  	_ = 	snop  }
0x3c: {  	p2 =	seq.s32 s10, $0x1;
	s10 =	sld [smem:$0x3FB6]  }
0x3d: {  	_ =	shalt  }
0x3e: {  	_ =	shalt  }
0x3f: {  	_ =	shalt  }
0x40: {  	_ =	shalt  }
0x41: {  	_ =	shalt  }
0x42: {  	_ =	shalt  }
0x43: {  	_ =	shalt  }
0x44: {  	_ =	shalt  }
0x45: {  	_ =	shalt  }
0x46: {  	_ =	shalt  }
0x47: {  	_ =	shalt  }
0x48: {  	_ =	shalt  }
0x49: {  	_ =	shalt  }
0x4a: {  	_ =	shalt  }
0x4b: {  	_ =	shalt  }
0x4c: {  	_ =	shalt  }
0x4d: {  	_ =	shalt  }
0x4e: {  	_ =	shalt  }
0x4f: {  	_ =	shalt  }
0x50: {  	_ =	shalt  }
0x51: {  	_ =	shalt  }
0x52: {  	_ =	shalt  }
0x53: {  	_ =	shalt  }
0x54: {  	_ =	shalt  }
0x55: {  	_ =	shalt  }
0x56: {  	_ =	shalt  }
0x57: {  	_ =	shalt  }
0x58: {  	_ =	shalt  }
0x59: {  	_ =	shalt  }
0x5a: {  	_ =	shalt  }
0x5b: {  	_ =	shalt  }
0x5c: {  	_ =	shalt  }
0x5d: {  	_ =	shalt  }
0x5e: {  	_ =	shalt  }
0x5f: {  	_ =	shalt  }
0x60: {  	_ =	shalt  }
0x61: {  	_ =	shalt  }
0x62: {  	_ =	shalt  }
0x63: {  	_ =	shalt  }
0x64: {  	_ =	shalt  }
0x65: {  	_ =	shalt  }
0x66: {  	_ =	shalt  }
0x67: {  	_ =	shalt  }
0x68: {  	_ =	shalt  }
0x69: {  	_ =	shalt  }
0x6a: {  	_ =	shalt  }
0x6b: {  	_ =	shalt  }
0x6c: {  	_ =	shalt  }
0x6d: {  	_ =	shalt  }
0x6e: {  	_ =	shalt  }
0x6f: {  	_ =	shalt  }
0x70: {  	_ =	shalt  }
0x71: {  	_ =	shalt  }
0x72: {  	_ =	shalt  }
0x73: {  	_ =	shalt  }
0x74: {  	_ =	shalt  }
0x75: {  	_ =	shalt  }
0x76: {  	_ =	shalt  }
0x77: {  	_ =	shalt  }
0x78: {  	_ =	shalt  }
0x79: {  	_ =	shalt  }
0x7a: {  	_ =	shalt  }
0x7b: {  	_ =	shalt  }
0x7c: {  	_ =	shalt  }
0x7d: {  	_ =	shalt  }
0x7e: {  	_ =	shalt  }
0x7f: {  	_ =	shalt  }
0x80: {  	_ =	shalt  }
0x81: {  	_ =	shalt  }
0x82: {  	_ =	shalt  }
0x83: {  	_ =	shalt  }
0x84: {  	_ =	shalt  }
0x85: {  	_ =	shalt  }
0x86: {  	_ =	shalt  }
0x87: {  	_ =	shalt  }
.Lfunc_end0:
.L_simem_size_0:
called_computation.1_lowered:
.L_overlay_start_0:
0x88: {  	s2 =	sld [smem:$0x3FD9]  }
0x89: {  	s3 =	sld [smem:$0x3FFE];
	_ =	sdelay $0x1  }
0x8a: {  	s1 =	srdreg.scid  }
0x8b: {  	s0 =	sand.u32 $0x1, s1  }
0x8c: {  	s17 =	sshll.u32 s0, $0xA;
	s2 =	sadd.s32 s3, s2  }
0x8d: {  	s2 =	sadd.s32 s2, s17  }
0x8e: {  	[smem:$0x3FC2] =	sst s2  }
0x8f: {  	_ = 	snop  }
0x90: {  	s2 =	sld [smem:$0x3FD0];
	(tm) =	ssettm $0x1  }
0x91: {  	s18 =	sld [smem:$0x3FFB];
	_ =	sdelay $0x3  }
0x92: {  	_ =	strace s18  }
0x93: {  	s3 =	sld [smem:$0x3FFC];
	_ =	sdelay $0x3  }
0x94: {  	_ =	strace s3  }
0x95: {  	s3 =	sld [smem:$0x3FFD];
	_ =	sdelay $0x3  }
0x96: {  	_ =	strace s3  }
0x97: {  	_ =	strace $0x8FFFFFFF  }
0x98: {  	s19 =	sld [smem:$0x3FDB];
	_ =	sdelay $0x1  }
0x99: {  	s4 =	simm.s32 $_scs_section_size  }
0x9a: {  	s5 =	simm.s32 $_size__tile_overlayer_lowered;
	s6 =	simm.s32 $_tile_overlayer_lowered  }
0x9b: {  	s22 =	simm.s32 $0x1BFF;
	s21 =	sshll.u32 s6, $0x1;
	s3 =	sadd.s32 s4, s19  }
0x9c: {  	s7 =	simm.s32 $0x0;
	s20 =	sshll.u32 s5, $0x1;
	s5 =	sadd.s32 s21, s3  }
0x9d: {  	[timem:s7], [sflag:s22] =	dma.local [hbm:s5], s20  }
0x9e: {  	_ =	swait.ge [sflag:s22], s20  }
0x9f: {  	s4 =	ssub.s32 $0x0, s20;
	[sflag:s22] =	ssyncset.done $0x0  }
0xa0: {  	[sflag:s22] =	ssyncadd.s32 s4;
	_ =	sdelay $0x1  }
0xa1: {  	s23 =	simm.s32 $0x1B8B  }
0xa2: {  	_ =	swait.ge [sflag:s23], $0x1  }
0xa3: {  	[sflag:s23] =	ssyncset.done $0x0  }
0xa4: {  	s25 =	simm.s32 $0x1B8E;
	s24 =	sld [smem:$0x3FFE];
	[sflag:s23] =	ssyncadd.s32 $0xFFFFFFFF  }
0xa5: {  	s26 =	simm.s32 $execute0_lowered;
	[smem:$0x3FD2] =	sst s25  }
0xa6: {  	s5 =	sshll.u32 s26, $0x1;
	_ =	strace $0x80000049;
	[dreg:$0x1] =	wrdreg $0xFFFFFFFF  }
0xa7: {  	s28 =	simm.s32 $_size_execute0_lowered;
	s3 =	sadd.s32 s3, s5;
	[dreg:$0x0] =	wrdreg $0x0  }
0xa8: {  	s5 =	sshll.u32 s28, $0x1;
	[dreg:$0x2] =	wrdreg s3  }
0xa9: {  	[dreg:$0x3] =	wrdreg s5  }
0xaa: {  	[dreg:$0x4] =	wrdreg $0xC0  }
0xab: {  	_ =	task [dreg:s7], $0x5FFFF  }
0xac: {  	[dreg:$0x1] =	wrdreg $0xFFFFFFFF  }
0xad: {  	[dreg:$0x0] =	wrdreg $0x60  }
0xae: {  	[dreg:$0x2] =	wrdreg s24  }
0xaf: {  	[dreg:$0x3] =	wrdreg s2  }
0xb0: {  	[dreg:$0x4] =	wrdreg $0x13F000  }
0xb1: {  	[dreg:$0x5] =	wrdreg $0x9  }
0xb2: {  	_ =	task.clear_ibuf [dreg:s7], $0x6FFFF;
	_ =	strace $0x90000049  }
0xb3: {  	s29 =	simm.s32 $0x9;
	_ =	strace $0x8000004B  }
0xb4: {  	_ =	swait.ge [sflag:s29], $0x1  }
0xb5: {  	[sflag:s29] =	ssyncadd.s32 $0xFFFFFFFF  }
0xb6: {  	_ =	strace $0x9000004B  }
0xb7: {  	_ =	sfence  }
0xb8: {  	s30 =	sld [smem:$0x0];
	_ =	sdelay $0x2  }
0xb9: {  	s31 =	sshll.u32 s1, $0xD;
	s1 =	sshrl.u32 s1, $0x2  }
0xba: {  	s3 =	sand.u32 $0x4000, s31;
	s1 =	sadd.s32 s1, s30  }
0xbb: {  	s0 =	sor.u32 s3, s0;
	s1 =	sshll.u32 s1, $0x11  }
0xbc: {  	s0 =	sor.u32 s1, s0  }
0xbd: {  	s0 =	sadd.s32 $0x8F2B, s0  }
0xbe: {  	[sflag:s0] =	ssyncadd.remote.s32 $0x1  }
0xbf: {  	_ =	sfence.sel $0xFFFF  }
0xc0: {  	[dreg:$0x0] =	wrdreg $0xFFFFFFFF;
	(pc) =	sbr.abs _section_cstart, $3  }
0xc1: {  	[dreg:$0x1] =	wrdreg $0xFFFFFFFF  }
0xc2: {  	_ =	task.clear_ibuf [dreg:s7], $0x2FFFF;
	_ =	strace $0x9FFFFFFF  }
0xc3: {  	(tm) =	ssettm $0x7FFFFFFF  }
tec
execute0_lowered:
.L_overlay_start_1:
0x0: {  	(tag) =	ssettag $0x1  }
0x1: {  	s0 =	rddreg [dreg:$0x0]  }
0x2: {  	s1 =	rddreg [dreg:$0x1]  }
0x3: {  	s2 =	rddreg [dreg:$0x2];
	s3 =	srdreg.scid  }
0x4: {  	s9 =	stileid.u32;
	s4 =	simm.s32 $0x0;
	s16 =	simm.s32 $0x9  }
0x5: {  	s17 =	simm.s32 $0x5000;
	s18 =	simm.s32 $0x80;
	s19 =	simm.s32 $0x9F00  }
0x6: {  	s20 =	simm.s32 $0xBF00;
	s21 =	simm.s32 $0x11F00;
	s28 =	simm.s32 $0x180  }
0x7: {  	s29 =	simm.s32 $0xFF00;
	s30 =	simm.s32 $0x3;
	s31 =	simm.s32 $0x5  }
0x8: {  	s3 =	sand.u32 $0x1, s3;
	s6 =	smul.u32 $0xA000, s9;
	[smem:$0x7FF] =	sst s4  }
0x9: {  	s5 =	sshll.u32 s9, $0x1;
	s4 =	sadd.s32 $0x16400, s0;
	s9 =	smul.u32 $0x28000, s9  }
0xa: {  	s7 =	smul.u32 $0xA0000, s3;
	_ =	strace $0x8000004A;
	s8 =	sor.u32 s3, s5  }
0xb: {  	s5 =	sadd.s32 $0x2A400, s0;
	s3 =	ssub.s32 $0x2, s3;
	s8 =	smul.u32 $0x9E0, s8  }
0xc: {  	s22 =	sshrl.u32 s3, $0x1;
	s23 =	sshrl.u32 s9, $0x2;
	s7 =	sadd.s32 s6, s7  }
0xd: {  	s3 =	ssub.s32 s3, s22;
	s22 =	simm.s32 $0x1;
	s7 =	sshrl.u32 s7, $0x3  }
0xe: {  	s10 =	sadd.s32 s8, s0;
	s1 =	sadd.s32 s1, s8;
	s8 =	sadd.s32 s6, s2  }
0xf: {  	s26 =	smax.u32 s3, $0x1;
	s3 =	simm.s32 $0x7;
	s6 =	simm.s32 $0x8  }
0x10: {  	s0 =	sadd.s32 s7, s0;
	[dreg:$0x4] =	wrdreg s1;
	s24 =	sadd.s32 $0x2800, s10  }
0x11: {  	s1 =	sadd.s32 s23, s2;
	[dreg:$0x8] =	wrdreg s26;
	s23 =	simm.s32 $0x100  }
0x12: {  	s26 =	simm.s32 $0x5080;
	s7 =	simm.s32 $0x0;
	[dreg:$0x5] =	wrdreg s24  }
0x13: {  	s9 =	sadd.s32 $0x2000, s1;
	s10 =	sadd.s32 $0x4000, s1;
	s11 =	sadd.s32 $0x6000, s1  }
0x14: {  	s12 =	sadd.s32 $0x8000, s1;
	s25 =	sadd.s32 $0x66400, s0;
	s0 =	sadd.s32 $0x3E400, s0  }
0x15: {  	s24 =	simm.s32 $0xDF00;
	s1 =	simm.s32 $0x6;
	[dreg:$0x6] =	wrdreg s25  }
0x16: {  	v0 =	vimm.s32 $0x0;
	v1 =	vimm.f32 $0.0e+00;
	[dreg:$0x7] =	wrdreg s0;
	s25 =	simm.s32 $0x2;
	s0 =	simm.s32 $0x4  }
.LBB2_1:
0x17: {  	s13 =	simm.s32 $0x0;
	s14 =	rddreg [dreg:$0x4]  }
0x18: {  	[tilespmem:s13], [sflag:$0x9] =	stream.linear.gather [hbm4b:s14+s13], $0x4F00, $0x38;
	[tilespmem:$0x1DF00] =	vst v63  }
0x19: {  	_ =	swait.ge [sflag:s16], $0x4F00  }
0x1a: {  	[sflag:s16] =	ssyncset.done $0x0  }
0x1b: {  	s15 =	rddreg [dreg:$0x5];
	[sflag:s16] =	ssyncadd.s32 $0xFFFFB100  }
0x1c: {  	[tilespmem:s17], [sflag:$0x9] =	stream.linear.gather [hbm4b:s15+s13], $0x4F00, $0x38;
	[tilespmem:$0x1DF00] =	vst v63  }
0x1d: {  	_ =	swait.ge [sflag:s16], $0x4F00  }
0x1e: {  	[sflag:s16] =	ssyncset.done $0x0  }
0x1f: {  	[sflag:s16] =	ssyncadd.s32 $0xFFFFB100  }
0x20: {  	[tilespmem:$0x4F00] =	vst v0  }
0x21: {  	[tilespmem:$0x4F80] =	vst v0  }
0x22: {  	[tilespmem:$0x4F10] =	vst v0  }
0x23: {  	[tilespmem:$0x4F90] =	vst v0  }
0x24: {  	[tilespmem:$0x4F20] =	vst v0  }
0x25: {  	[tilespmem:$0x4FA0] =	vst v0  }
0x26: {  	[tilespmem:$0x4F30] =	vst v0  }
0x27: {  	[tilespmem:$0x4FB0] =	vst v0  }
0x28: {  	[tilespmem:$0x4F40] =	vst v0  }
0x29: {  	[tilespmem:$0x4FC0] =	vst v0  }
0x2a: {  	[tilespmem:$0x4F50] =	vst v0  }
0x2b: {  	[tilespmem:$0x4FD0] =	vst v0  }
0x2c: {  	[tilespmem:$0x4F60] =	vst v0  }
0x2d: {  	[tilespmem:$0x4FE0] =	vst v0  }
0x2e: {  	[tilespmem:$0x4F70] =	vst v0  }
0x2f: {  	s14 =	simm.s32 $0x100;
	s13 =	simm.s32 $0x0;
	[tilespmem:$0x4FF0] =	vst v0  }
.LBB2_2:
0x30: {  	p0 =	sne.s32 s14, $0x7F00;
	[tilespmem:s13+$0x11F30] =	vst v1;
	s15 =	smov.u32 s14;
	s14 =	sadd.s32 $0x100, s14  }
.Ltmp0:
0x31: {  	[tilespmem:s13+$0x11F20] =	vst v1;
	(pc) =	sbr.rel @p0 .LBB2_2-.Ltmp0, $3  }
0x32: {  	[tilespmem:s13+$0x11F00] =	vst v1  }
0x33: {  	[tilespmem:s13+$0x11F10] =	vst v1;
	_ =	sdelay $0x1  }
0x34: {  	s13 =	sshra.s32 s15, $0x2  }
0x35: {  	[tilespmem:s13+$0x11F30] =	vst v1  }
0x36: {  	[tilespmem:s13+$0x11F20] =	vst v1  }
0x37: {  	[tilespmem:s13+$0x11F00] =	vst v1  }
0x38: {  	[tilespmem:s13+$0x11F10] =	vst v1;
	s14 =	simm.s32 $0x0  }
0x39: {  	[tilespmem:s19], [sflag:$0x1] =	stream.indirect.gather [hbm4b:s4+s18], $0x40, s14, s18, $0xb8;
	[tilespmem:$0x1DF00] =	vst v63  }
0x3a: {  	_ = 	snop  }
0x3b: {  	[tilespmem:s20], [sflag:$0x2] =	stream.indirect.gather [hbm4b:s4+s18], $0x40, s18, s18, $0xb8;
	[tilespmem:$0x1DF00] =	vst v63  }
0x3c: {  	_ = 	snop  }
0x3d: {  	[spmem:s8] =	stream.linear.scatter [tilespmem:s21], [sflag:$0x9], $0x2000, $0x38;
	[tilespmem:$0x1DF00] =	vst v63  }
0x3e: {  	_ =	swait.ge [sflag:s16], $0x2000  }
0x3f: {  	[sflag:s16] =	ssyncset.done $0x0  }
0x40: {  	[sflag:s16] =	ssyncadd.s32 $0xFFFFE000  }
0x41: {  	[spmem:s9] =	stream.linear.scatter [tilespmem:s21], [sflag:$0x9], $0x2000, $0x38;
	[tilespmem:$0x1DF00] =	vst v63  }
0x42: {  	_ =	swait.ge [sflag:s16], $0x2000  }
0x43: {  	[sflag:s16] =	ssyncset.done $0x0  }
0x44: {  	[sflag:s16] =	ssyncadd.s32 $0xFFFFE000  }
0x45: {  	[spmem:s10] =	stream.linear.scatter [tilespmem:s21], [sflag:$0x9], $0x2000, $0x38;
	[tilespmem:$0x1DF00] =	vst v63  }
0x46: {  	_ =	swait.ge [sflag:s16], $0x2000  }
0x47: {  	[sflag:s16] =	ssyncset.done $0x0  }
0x48: {  	[sflag:s16] =	ssyncadd.s32 $0xFFFFE000  }
0x49: {  	[spmem:s11] =	stream.linear.scatter [tilespmem:s21], [sflag:$0x9], $0x2000, $0x38;
	[tilespmem:$0x1DF00] =	vst v63  }
0x4a: {  	_ =	swait.ge [sflag:s16], $0x2000  }
0x4b: {  	[sflag:s16] =	ssyncset.done $0x0  }
0x4c: {  	[sflag:s16] =	ssyncadd.s32 $0xFFFFE000  }
0x4d: {  	[spmem:s12] =	stream.linear.scatter [tilespmem:s21], [sflag:$0x9], $0x2000, $0x38;
	[tilespmem:$0x1DF00] =	vst v63  }
0x4e: {  	_ =	swait.ge [sflag:s16], $0x2000  }
0x4f: {  	[sflag:s16] =	ssyncset.done $0x0  }
0x50: {  	[sflag:s16] =	ssyncadd.s32 $0xFFFFE000  }
0x51: {  	[bflag:$0x0] =	sbarrier.arrive $0xFFFF  }
0x52: {  	_ =	swait.ge [sflag:s22], $0x2000  }
0x53: {  	[sflag:s22] =	ssyncset.done $0x0  }
0x54: {  	[sflag:s22] =	ssyncadd.s32 $0xFFFFE000  }
0x55: {  	[spmem:s2] =	stream.indirect.scatter.add.f32 [tilespmem:s19], [sflag:$0x5], $0x40, s17, s18, $0xb8;
	[tilespmem:$0x1DF00] =	vst v63  }
0x56: {  	_ = 	snop  }
0x57: {  	[tilespmem:s24], [sflag:$0x3] =	stream.indirect.gather [hbm4b:s4+s18], $0x40, s23, s18, $0xb8;
	[tilespmem:$0x1DF00] =	vst v63  }
0x58: {  	_ =	swait.ge [sflag:s25], $0x2000  }
0x59: {  	[sflag:s25] =	ssyncset.done $0x0  }
0x5a: {  	[sflag:s25] =	ssyncadd.s32 $0xFFFFE000  }
0x5b: {  	[spmem:s2] =	stream.indirect.scatter.add.f32 [tilespmem:s20], [sflag:$0x6], $0x40, s26, s18, $0xb8;
	[tilespmem:$0x1DF00] =	vst v63  }
0x5c: {  	_ = 	snop  }
0x5d: {  	[tilespmem:s29], [sflag:$0x4] =	stream.indirect.gather [hbm4b:s4+s18], $0x40, s28, s18, $0xb8;
	[tilespmem:$0x1DF00] =	vst v63  }
0x5e: {  	_ =	swait.ge [sflag:s30], $0x2000  }
0x5f: {  	[sflag:s30] =	ssyncset.done $0x0  }
0x60: {  	s15 =	simm.s32 $0x5100;
	[sflag:s30] =	ssyncadd.s32 $0xFFFFE000  }
0x61: {  	[spmem:s2] =	stream.indirect.scatter.add.f32 [tilespmem:s24], [sflag:$0x7], $0x40, s15, s18, $0xb8;
	[tilespmem:$0x1DF00] =	vst v63  }
0x62: {  	_ =	swait.ge [sflag:s31], $0x2000  }
0x63: {  	[sflag:s31] =	ssyncset.done $0x0  }
0x64: {  	s14 =	simm.s32 $0x200;
	[sflag:s31] =	ssyncadd.s32 $0xFFFFE000  }
0x65: {  	[tilespmem:s19], [sflag:$0x1] =	stream.indirect.gather [hbm4b:s4+s18], $0x40, s14, s18, $0xb8;
	[tilespmem:$0x1DF00] =	vst v63  }
0x66: {  	_ =	swait.ge [sflag:s0], $0x2000  }
0x67: {  	[sflag:s0] =	ssyncset.done $0x0  }
0x68: {  	s15 =	simm.s32 $0x5180;
	[sflag:s0] =	ssyncadd.s32 $0xFFFFE000  }
0x69: {  	[spmem:s2] =	stream.indirect.scatter.add.f32 [tilespmem:s29], [sflag:$0x8], $0x40, s15, s18, $0xb8;
	[tilespmem:$0x1DF00] =	vst v63  }
0x6a: {  	_ =	swait.ge [sflag:s1], $0x2000  }
0x6b: {  	[sflag:s1] =	ssyncset.done $0x0  }
0x6c: {  	s14 =	simm.s32 $0x280;
	[sflag:s1] =	ssyncadd.s32 $0xFFFFE000  }
0x6d: {  	[tilespmem:s20], [sflag:$0x2] =	stream.indirect.gather [hbm4b:s4+s18], $0x40, s14, s18, $0xb8;
	[tilespmem:$0x1DF00] =	vst v63  }
0x6e: {  	_ =	swait.ge [sflag:s22], $0x2000  }
0x6f: {  	[sflag:s22] =	ssyncset.done $0x0  }
0x70: {  	s15 =	simm.s32 $0x5200;
	[sflag:s22] =	ssyncadd.s32 $0xFFFFE000  }
0x71: {  	[spmem:s2] =	stream.indirect.scatter.add.f32 [tilespmem:s19], [sflag:$0x5], $0x40, s15, s18, $0xb8;
	[tilespmem:$0x1DF00] =	vst v63  }
0x72: {  	_ =	swait.ge [sflag:s3], $0x2000  }
0x73: {  	[sflag:s3] =	ssyncset.done $0x0  }
0x74: {  	s14 =	simm.s32 $0x300;
	[sflag:s3] =	ssyncadd.s32 $0xFFFFE000  }
0x75: {  	[tilespmem:s24], [sflag:$0x3] =	stream.indirect.gather [hbm4b:s4+s18], $0x40, s14, s18, $0xb8;
	[tilespmem:$0x1DF00] =	vst v63  }
0x76: {  	_ =	swait.ge [sflag:s25], $0x2000  }
0x77: {  	[sflag:s25] =	ssyncset.done $0x0  }
0x78: {  	s15 =	simm.s32 $0x5280;
	[sflag:s25] =	ssyncadd.s32 $0xFFFFE000  }
0x79: {  	[spmem:s2] =	stream.indirect.scatter.add.f32 [tilespmem:s20], [sflag:$0x6], $0x40, s15, s18, $0xb8;
	[tilespmem:$0x1DF00] =	vst v63  }
0x7a: {  	_ =	swait.ge [sflag:s6], $0x2000  }
0x7b: {  	[sflag:s6] =	ssyncset.done $0x0  }
0x7c: {  	s13 =	simm.s32 $0x800;
	s14 =	simm.s32 $0x380;
	[sflag:s6] =	ssyncadd.s32 $0xFFFFE000  }
.LBB2_4:
0x7d: {  	[tilespmem:s29], [sflag:$0x4] =	stream.indirect.gather [hbm4b:s4+s18], $0x40, s14, s18, $0xb8;
	[tilespmem:$0x1DF00] =	vst v63  }
0x7e: {  	s14 =	smov.u32 s13  }
0x7f: {  	p0 =	sne.s32 s13, $0x13000;
	s13 =	sadd.s32 $0x800, s13;
	_ =	swait.ge [sflag:s30], $0x2000  }
0x80: {  	s14 =	sshra.s32 s14, $0x2;
	[sflag:s30] =	ssyncset.done $0x0  }
0x81: {  	s15 =	sadd.s32 $0x5100, s14;
	[sflag:s30] =	ssyncadd.s32 $0xFFFFE000  }
0x82: {  	[spmem:s2] =	stream.indirect.scatter.add.f32 [tilespmem:s24], [sflag:$0x7], $0x40, s15, s18, $0xb8;
	[tilespmem:$0x1DF00] =	vst v63  }
0x83: {  	_ =	swait.ge [sflag:s31], $0x2000  }
0x84: {  	[sflag:s31] =	ssyncset.done $0x0  }
0x85: {  	s15 =	sadd.s32 $0x200, s14;
	[sflag:s31] =	ssyncadd.s32 $0xFFFFE000  }
0x86: {  	[tilespmem:s19], [sflag:$0x1] =	stream.indirect.gather [hbm4b:s4+s18], $0x40, s15, s18, $0xb8;
	[tilespmem:$0x1DF00] =	vst v63  }
0x87: {  	_ =	swait.ge [sflag:s0], $0x2000  }
0x88: {  	[sflag:s0] =	ssyncset.done $0x0  }
0x89: {  	s15 =	sadd.s32 $0x5180, s14;
	[sflag:s0] =	ssyncadd.s32 $0xFFFFE000  }
0x8a: {  	[spmem:s2] =	stream.indirect.scatter.add.f32 [tilespmem:s29], [sflag:$0x8], $0x40, s15, s18, $0xb8;
	[tilespmem:$0x1DF00] =	vst v63  }
0x8b: {  	_ =	swait.ge [sflag:s1], $0x2000  }
0x8c: {  	[sflag:s1] =	ssyncset.done $0x0  }
0x8d: {  	s15 =	sadd.s32 $0x280, s14;
	[sflag:s1] =	ssyncadd.s32 $0xFFFFE000  }
0x8e: {  	[tilespmem:s20], [sflag:$0x2] =	stream.indirect.gather [hbm4b:s4+s18], $0x40, s15, s18, $0xb8;
	[tilespmem:$0x1DF00] =	vst v63  }
0x8f: {  	_ =	swait.ge [sflag:s22], $0x2000  }
0x90: {  	[sflag:s22] =	ssyncset.done $0x0  }
0x91: {  	s15 =	sadd.s32 $0x5200, s14;
	[sflag:s22] =	ssyncadd.s32 $0xFFFFE000  }
0x92: {  	[spmem:s2] =	stream.indirect.scatter.add.f32 [tilespmem:s19], [sflag:$0x5], $0x40, s15, s18, $0xb8;
	[tilespmem:$0x1DF00] =	vst v63  }
0x93: {  	_ =	swait.ge [sflag:s3], $0x2000  }
0x94: {  	[sflag:s3] =	ssyncset.done $0x0  }
0x95: {  	s15 =	sadd.s32 $0x300, s14;
	[sflag:s3] =	ssyncadd.s32 $0xFFFFE000  }
0x96: {  	[tilespmem:s24], [sflag:$0x3] =	stream.indirect.gather [hbm4b:s4+s18], $0x40, s15, s18, $0xb8;
	[tilespmem:$0x1DF00] =	vst v63  }
0x97: {  	_ =	swait.ge [sflag:s25], $0x2000  }
0x98: {  	[sflag:s25] =	ssyncset.done $0x0  }
.Ltmp1:
0x99: {  	s15 =	sadd.s32 $0x5280, s14;
	[sflag:s25] =	ssyncadd.s32 $0xFFFFE000;
	(pc) =	sbr.rel @p0 .LBB2_4-.Ltmp1, $4  }
0x9a: {  	[spmem:s2] =	stream.indirect.scatter.add.f32 [tilespmem:s20], [sflag:$0x6], $0x40, s15, s18, $0xb8;
	[tilespmem:$0x1DF00] =	vst v63  }
0x9b: {  	_ =	swait.ge [sflag:s6], $0x2000  }
0x9c: {  	[sflag:s6] =	ssyncset.done $0x0  }
0x9d: {  	s14 =	sadd.s32 $0x380, s14;
	[sflag:s6] =	ssyncadd.s32 $0xFFFFE000  }
0x9e: {  	[tilespmem:s29], [sflag:$0x4] =	stream.indirect.gather [hbm4b:s4+s18], $0x40, s14, s18, $0xb8;
	[tilespmem:$0x1DF00] =	vst v63  }
0x9f: {  	_ =	swait.ge [sflag:s31], $0x2000  }
0xa0: {  	[sflag:s31] =	ssyncset.done $0x0  }
0xa1: {  	[sflag:s31] =	ssyncadd.s32 $0xFFFFE000  }
0xa2: {  	_ =	swait.ge [sflag:s1], $0x2000  }
0xa3: {  	[sflag:s1] =	ssyncset.done $0x0  }
0xa4: {  	[sflag:s1] =	ssyncadd.s32 $0xFFFFE000  }
0xa5: {  	_ =	swait.ge [sflag:s30], $0x2000  }
0xa6: {  	[sflag:s30] =	ssyncset.done $0x0  }
0xa7: {  	[sflag:s30] =	ssyncadd.s32 $0xFFFFE000  }
0xa8: {  	_ =	swait.ge [sflag:s0], $0x2000  }
0xa9: {  	[sflag:s0] =	ssyncset.done $0x0  }
0xaa: {  	s13 =	simm.s32 $0x0;
	[sflag:s0] =	ssyncadd.s32 $0xFFFFE000  }
0xab: {  	[tilespmem:s19], [sflag:$0x1] =	stream.indirect.gather [hbm4b:s5+s18], $0x40, s13, s18, $0xb8;
	[tilespmem:$0x1DF00] =	vst v63  }
0xac: {  	s15 =	stileid.u32  }
0xad: {  	[tilespmem:s20], [sflag:$0x2] =	stream.indirect.gather [hbm4b:s5+s18], $0x40, s18, s18, $0xb8;
	[tilespmem:$0x1DF00] =	vst v63  }
0xae: {  	s13 =	sshll.u32 s15, $0x6;
	[bflag:$0x0] =	sbarrier.arrive $0xFFFF  }
0xaf: {  	s14 =	sshrl.u32 s8, $0x3;
	s13 =	sor.u32 $0x1C09, s13;
	s15 =	rddreg [dreg:$0x6]  }
0xb0: {  	[hbm:s15], [sflag:s13] =	dma.local [spmem:s14], $0x1400  }
0xb1: {  	_ =	swait.ge [sflag:s16], $0x1400  }
0xb2: {  	[sflag:s16] =	ssyncset.done $0x0  }
0xb3: {  	[sflag:s16] =	ssyncadd.s32 $0xFFFFEC00  }
0xb4: {  	[spmem:s8] =	stream.linear.scatter [tilespmem:s21], [sflag:$0x9], $0x2000, $0x38;
	[tilespmem:$0x1DF00] =	vst v63  }
0xb5: {  	_ =	swait.ge [sflag:s16], $0x2000  }
0xb6: {  	[sflag:s16] =	ssyncset.done $0x0  }
0xb7: {  	[sflag:s16] =	ssyncadd.s32 $0xFFFFE000  }
0xb8: {  	[spmem:s9] =	stream.linear.scatter [tilespmem:s21], [sflag:$0x9], $0x2000, $0x38;
	[tilespmem:$0x1DF00] =	vst v63  }
0xb9: {  	_ =	swait.ge [sflag:s16], $0x2000  }
0xba: {  	[sflag:s16] =	ssyncset.done $0x0  }
0xbb: {  	[sflag:s16] =	ssyncadd.s32 $0xFFFFE000  }
0xbc: {  	[spmem:s10] =	stream.linear.scatter [tilespmem:s21], [sflag:$0x9], $0x2000, $0x38;
	[tilespmem:$0x1DF00] =	vst v63  }
0xbd: {  	_ =	swait.ge [sflag:s16], $0x2000  }
0xbe: {  	[sflag:s16] =	ssyncset.done $0x0  }
0xbf: {  	[sflag:s16] =	ssyncadd.s32 $0xFFFFE000  }
0xc0: {  	[spmem:s11] =	stream.linear.scatter [tilespmem:s21], [sflag:$0x9], $0x2000, $0x38;
	[tilespmem:$0x1DF00] =	vst v63  }
0xc1: {  	_ =	swait.ge [sflag:s16], $0x2000  }
0xc2: {  	[sflag:s16] =	ssyncset.done $0x0  }
0xc3: {  	[sflag:s16] =	ssyncadd.s32 $0xFFFFE000  }
0xc4: {  	[spmem:s12] =	stream.linear.scatter [tilespmem:s21], [sflag:$0x9], $0x2000, $0x38;
	[tilespmem:$0x1DF00] =	vst v63  }
0xc5: {  	_ =	swait.ge [sflag:s16], $0x2000  }
0xc6: {  	[sflag:s16] =	ssyncset.done $0x0  }
0xc7: {  	[sflag:s16] =	ssyncadd.s32 $0xFFFFE000  }
0xc8: {  	[bflag:$0x0] =	sbarrier.arrive $0xFFFF  }
0xc9: {  	_ =	swait.ge [sflag:s22], $0x2000  }
0xca: {  	[sflag:s22] =	ssyncset.done $0x0  }
0xcb: {  	[sflag:s22] =	ssyncadd.s32 $0xFFFFE000  }
0xcc: {  	[spmem:s2] =	stream.indirect.scatter.add.f32 [tilespmem:s19], [sflag:$0x5], $0x40, s17, s18, $0xb8;
	[tilespmem:$0x1DF00] =	vst v63  }
0xcd: {  	_ = 	snop  }
0xce: {  	[tilespmem:s24], [sflag:$0x3] =	stream.indirect.gather [hbm4b:s5+s18], $0x40, s23, s18, $0xb8;
	[tilespmem:$0x1DF00] =	vst v63  }
0xcf: {  	_ =	swait.ge [sflag:s25], $0x2000  }
0xd0: {  	[sflag:s25] =	ssyncset.done $0x0  }
0xd1: {  	[sflag:s25] =	ssyncadd.s32 $0xFFFFE000  }
0xd2: {  	[spmem:s2] =	stream.indirect.scatter.add.f32 [tilespmem:s20], [sflag:$0x6], $0x40, s26, s18, $0xb8;
	[tilespmem:$0x1DF00] =	vst v63  }
0xd3: {  	_ = 	snop  }
0xd4: {  	[tilespmem:s29], [sflag:$0x4] =	stream.indirect.gather [hbm4b:s5+s18], $0x40, s28, s18, $0xb8;
	[tilespmem:$0x1DF00] =	vst v63  }
0xd5: {  	_ =	swait.ge [sflag:s30], $0x2000  }
0xd6: {  	[sflag:s30] =	ssyncset.done $0x0  }
0xd7: {  	s26 =	simm.s32 $0x5100;
	[sflag:s30] =	ssyncadd.s32 $0xFFFFE000  }
0xd8: {  	[spmem:s2] =	stream.indirect.scatter.add.f32 [tilespmem:s24], [sflag:$0x7], $0x40, s26, s18, $0xb8;
	[tilespmem:$0x1DF00] =	vst v63  }
0xd9: {  	_ =	swait.ge [sflag:s31], $0x2000  }
0xda: {  	[sflag:s31] =	ssyncset.done $0x0  }
0xdb: {  	s23 =	simm.s32 $0x200;
	[sflag:s31] =	ssyncadd.s32 $0xFFFFE000  }
0xdc: {  	[tilespmem:s19], [sflag:$0x1] =	stream.indirect.gather [hbm4b:s5+s18], $0x40, s23, s18, $0xb8;
	[tilespmem:$0x1DF00] =	vst v63  }
0xdd: {  	_ =	swait.ge [sflag:s0], $0x2000  }
0xde: {  	[sflag:s0] =	ssyncset.done $0x0  }
0xdf: {  	s26 =	simm.s32 $0x5180;
	[sflag:s0] =	ssyncadd.s32 $0xFFFFE000  }
0xe0: {  	[spmem:s2] =	stream.indirect.scatter.add.f32 [tilespmem:s29], [sflag:$0x8], $0x40, s26, s18, $0xb8;
	[tilespmem:$0x1DF00] =	vst v63  }
0xe1: {  	_ =	swait.ge [sflag:s1], $0x2000  }
0xe2: {  	[sflag:s1] =	ssyncset.done $0x0  }
0xe3: {  	s23 =	simm.s32 $0x280;
	[sflag:s1] =	ssyncadd.s32 $0xFFFFE000  }
0xe4: {  	[tilespmem:s20], [sflag:$0x2] =	stream.indirect.gather [hbm4b:s5+s18], $0x40, s23, s18, $0xb8;
	[tilespmem:$0x1DF00] =	vst v63  }
0xe5: {  	_ =	swait.ge [sflag:s22], $0x2000  }
0xe6: {  	[sflag:s22] =	ssyncset.done $0x0  }
0xe7: {  	s26 =	simm.s32 $0x5200;
	[sflag:s22] =	ssyncadd.s32 $0xFFFFE000  }
0xe8: {  	[spmem:s2] =	stream.indirect.scatter.add.f32 [tilespmem:s19], [sflag:$0x5], $0x40, s26, s18, $0xb8;
	[tilespmem:$0x1DF00] =	vst v63  }
0xe9: {  	_ =	swait.ge [sflag:s3], $0x2000  }
0xea: {  	[sflag:s3] =	ssyncset.done $0x0  }
0xeb: {  	s23 =	simm.s32 $0x300;
	[sflag:s3] =	ssyncadd.s32 $0xFFFFE000  }
0xec: {  	[tilespmem:s24], [sflag:$0x3] =	stream.indirect.gather [hbm4b:s5+s18], $0x40, s23, s18, $0xb8;
	[tilespmem:$0x1DF00] =	vst v63  }
0xed: {  	_ =	swait.ge [sflag:s25], $0x2000  }
0xee: {  	[sflag:s25] =	ssyncset.done $0x0  }
0xef: {  	s26 =	simm.s32 $0x5280;
	[sflag:s25] =	ssyncadd.s32 $0xFFFFE000  }
0xf0: {  	[spmem:s2] =	stream.indirect.scatter.add.f32 [tilespmem:s20], [sflag:$0x6], $0x40, s26, s18, $0xb8;
	[tilespmem:$0x1DF00] =	vst v63  }
0xf1: {  	_ =	swait.ge [sflag:s6], $0x2000  }
0xf2: {  	[sflag:s6] =	ssyncset.done $0x0  }
0xf3: {  	s15 =	simm.s32 $0x800;
	s23 =	simm.s32 $0x380;
	[sflag:s6] =	ssyncadd.s32 $0xFFFFE000  }
.LBB2_6:
0xf4: {  	[tilespmem:s29], [sflag:$0x4] =	stream.indirect.gather [hbm4b:s5+s18], $0x40, s23, s18, $0xb8;
	[tilespmem:$0x1DF00] =	vst v63  }
0xf5: {  	s23 =	smov.u32 s15  }
0xf6: {  	p0 =	sne.s32 s15, $0x13000;
	s15 =	sadd.s32 $0x800, s15;
	_ =	swait.ge [sflag:s30], $0x2000  }
0xf7: {  	s23 =	sshra.s32 s23, $0x2;
	[sflag:s30] =	ssyncset.done $0x0  }
0xf8: {  	s26 =	sadd.s32 $0x5100, s23;
	[sflag:s30] =	ssyncadd.s32 $0xFFFFE000  }
0xf9: {  	[spmem:s2] =	stream.indirect.scatter.add.f32 [tilespmem:s24], [sflag:$0x7], $0x40, s26, s18, $0xb8;
	[tilespmem:$0x1DF00] =	vst v63  }
0xfa: {  	_ =	swait.ge [sflag:s31], $0x2000  }
0xfb: {  	[sflag:s31] =	ssyncset.done $0x0  }
0xfc: {  	s26 =	sadd.s32 $0x200, s23;
	[sflag:s31] =	ssyncadd.s32 $0xFFFFE000  }
0xfd: {  	[tilespmem:s19], [sflag:$0x1] =	stream.indirect.gather [hbm4b:s5+s18], $0x40, s26, s18, $0xb8;
	[tilespmem:$0x1DF00] =	vst v63  }
0xfe: {  	_ =	swait.ge [sflag:s0], $0x2000  }
0xff: {  	[sflag:s0] =	ssyncset.done $0x0  }
0x100: {  	s26 =	sadd.s32 $0x5180, s23;
	[sflag:s0] =	ssyncadd.s32 $0xFFFFE000  }
0x101: {  	[spmem:s2] =	stream.indirect.scatter.add.f32 [tilespmem:s29], [sflag:$0x8], $0x40, s26, s18, $0xb8;
	[tilespmem:$0x1DF00] =	vst v63  }
0x102: {  	_ =	swait.ge [sflag:s1], $0x2000  }
0x103: {  	[sflag:s1] =	ssyncset.done $0x0  }
0x104: {  	s26 =	sadd.s32 $0x280, s23;
	[sflag:s1] =	ssyncadd.s32 $0xFFFFE000  }
0x105: {  	[tilespmem:s20], [sflag:$0x2] =	stream.indirect.gather [hbm4b:s5+s18], $0x40, s26, s18, $0xb8;
	[tilespmem:$0x1DF00] =	vst v63  }
0x106: {  	_ =	swait.ge [sflag:s22], $0x2000  }
0x107: {  	[sflag:s22] =	ssyncset.done $0x0  }
0x108: {  	s26 =	sadd.s32 $0x5200, s23;
	[sflag:s22] =	ssyncadd.s32 $0xFFFFE000  }
0x109: {  	[spmem:s2] =	stream.indirect.scatter.add.f32 [tilespmem:s19], [sflag:$0x5], $0x40, s26, s18, $0xb8;
	[tilespmem:$0x1DF00] =	vst v63  }
0x10a: {  	_ =	swait.ge [sflag:s3], $0x2000  }
0x10b: {  	[sflag:s3] =	ssyncset.done $0x0  }
0x10c: {  	s26 =	sadd.s32 $0x300, s23;
	[sflag:s3] =	ssyncadd.s32 $0xFFFFE000  }
0x10d: {  	[tilespmem:s24], [sflag:$0x3] =	stream.indirect.gather [hbm4b:s5+s18], $0x40, s26, s18, $0xb8;
	[tilespmem:$0x1DF00] =	vst v63  }
0x10e: {  	_ =	swait.ge [sflag:s25], $0x2000  }
0x10f: {  	[sflag:s25] =	ssyncset.done $0x0  }
.Ltmp2:
0x110: {  	s26 =	sadd.s32 $0x5280, s23;
	[sflag:s25] =	ssyncadd.s32 $0xFFFFE000;
	(pc) =	sbr.rel @p0 .LBB2_6-.Ltmp2, $4  }
0x111: {  	[spmem:s2] =	stream.indirect.scatter.add.f32 [tilespmem:s20], [sflag:$0x6], $0x40, s26, s18, $0xb8;
	[tilespmem:$0x1DF00] =	vst v63  }
0x112: {  	_ =	swait.ge [sflag:s6], $0x2000  }
0x113: {  	[sflag:s6] =	ssyncset.done $0x0  }
0x114: {  	s23 =	sadd.s32 $0x380, s23;
	[sflag:s6] =	ssyncadd.s32 $0xFFFFE000  }
0x115: {  	[tilespmem:s29], [sflag:$0x4] =	stream.indirect.gather [hbm4b:s5+s18], $0x40, s23, s18, $0xb8;
	[tilespmem:$0x1DF00] =	vst v63  }
0x116: {  	_ =	swait.ge [sflag:s31], $0x2000  }
0x117: {  	[sflag:s31] =	ssyncset.done $0x0  }
0x118: {  	[sflag:s31] =	ssyncadd.s32 $0xFFFFE000  }
0x119: {  	_ =	swait.ge [sflag:s1], $0x2000  }
0x11a: {  	[sflag:s1] =	ssyncset.done $0x0  }
0x11b: {  	[sflag:s1] =	ssyncadd.s32 $0xFFFFE000  }
0x11c: {  	_ =	swait.ge [sflag:s30], $0x2000  }
0x11d: {  	[sflag:s30] =	ssyncset.done $0x0  }
0x11e: {  	[sflag:s30] =	ssyncadd.s32 $0xFFFFE000  }
0x11f: {  	_ =	swait.ge [sflag:s0], $0x2000  }
0x120: {  	[sflag:s0] =	ssyncset.done $0x0  }
0x121: {  	[sflag:s0] =	ssyncadd.s32 $0xFFFFE000  }
0x122: {  	[bflag:$0x0] =	sbarrier.arrive $0xFFFF  }
0x123: {  	s15 =	rddreg [dreg:$0x7]  }
0x124: {  	[hbm:s15], [sflag:s13] =	dma.local [spmem:s14], $0x1400  }
0x125: {  	_ =	swait.ge [sflag:s16], $0x1400  }
0x126: {  	s7 =	sadd.s32 $0x1, s7;
	s26 =	rddreg [dreg:$0x8]  }
0x127: {  	p0 =	sne.s32 s7, s26  }
.Ltmp3:
0x128: {  	_ = 	snop;
	(pc) =	sbr.rel @p0 .LBB2_1-.Ltmp3, $3  }
0x129: {  	_ =	sdelay $0x1  }
0x12a: {  	[sflag:s16] =	ssyncset.done $0x0  }
0x12b: {  	s23 =	simm.s32 $0x100;
	[sflag:s16] =	ssyncadd.s32 $0xFFFFEC00;
	s26 =	simm.s32 $0x5080  }
0x12c: {  	_ =	sfence.sel $0x180000  }
0x12d: {  	[bflag:$0x0] =	sbarrier.arrive $0xFFFF  }
0x12e: {  	_ =	strace $0x9000004A  }
0x12f: {  	s0 =	stileid.u32;
	[bflag:$0x2] =	sbarrier.arrive $0xFFFF  }
0x130: {  	p0 =	sne.s32 s0, $0x0;
	s0 =	rddreg [dreg:$0x3]  }
0x131: {  	s0 =	sadd.s32 @!p0 $0x100000, s0  }
0x132: {  	[sflag:s0] =	ssyncadd.tile.s32 @!p0 $0x1;
	_ =	shalt  }
.Lfunc_end2:
_tile_overlayer_lowered:
.L_overlay_start_2:
0x133: {  	(tag) =	ssettag $0x2  }
0x134: {  	s0 =	rddreg [dreg:$0x0];
	s2 =	stileid.u32  }
0x135: {  	s1 =	rddreg [dreg:$0x1];
	p0 =	sne.s32 s2, $0x0  }
0x136: {  	s3 =	rddreg [dreg:$0x2];
	[bflag:$0x3] =	sbarrier.arrive $0xFFFF;
	s2 =	simm.s32 @!p0 $0x1C09  }
0x137: {  	[timem:s3], [sflag:s2] =	dma.local @!p0 [hbm:s0], s1  }
0x138: {  	s0 =	simm.s32 @!p0 $0x9  }
0x139: {  	_ =	swait.ge @!p0 [sflag:s0], s1  }
0x13a: {  	s1 =	ssub.s32 @!p0 $0x0, s1;
	[sflag:s0] =	ssyncset.done @!p0 $0x0  }
0x13b: {  	[sflag:s0] =	ssyncadd.s32 @!p0 s1  }
0x13c: {  	[bflag:$0x3] =	sbarrier.arrive $0xFFFF  }
0x13d: {  	_ =	shalt  }

// kernel: kernel.14.cloned.1.call-start
scs
__scs_entry_jumppad:
0x0: {  	(pc) =	sbr.rel $0x88, $3  }
0x1: {  	(tag) =	ssettag $0x0;
	lr =	simm.s32 $0x1  }
0x2: {  	[smem:$0x3F9B] =	sst lr;
	_ =	strace $0xD0000000  }
0x3: {  	_ = 	snop  }
0x4: {  	_ = 	snop  }
0x5: {  	_ = 	snop  }
0x6: {  	_ = 	snop  }
0x7: {  	_ = 	snop  }
__scs_overlays_trampoline_lowered:
0x8: {  	[smem:$0x3FAA] =	sst s0  }
0x9: {  	[smem:$0x3FAB] =	sst s1  }
0xa: {  	[smem:$0x3FAC] =	sst s2  }
0xb: {  	[smem:$0x3FAD] =	sst s3  }
0xc: {  	[smem:$0x3FAE] =	sst s4  }
0xd: {  	[smem:$0x3FAF] =	sst s5  }
0xe: {  	[smem:$0x3FB0] =	sst s6  }
0xf: {  	[smem:$0x3FB1] =	sst s7  }
0x10: {  	[smem:$0x3FB2] =	sst s8  }
0x11: {  	[smem:$0x3FB3] =	sst s9;
	s0 =	simm.s32 @!p0 $0x0  }
0x12: {  	s1 =	sld [smem:$0x3F99];
	s0 =	simm.s32 @p0 $0x1  }
0x13: {  	[smem:$0x3FB4] =	sst s0;
	s0 =	simm.s32 @!p1 $0x0  }
0x14: {  	s2 =	sld [smem:$0x3F98];
	s0 =	simm.s32 @p1 $0x1  }
0x15: {  	[smem:$0x3FB5] =	sst s0;
	s0 =	simm.s32 @!p2 $0x0  }
0x16: {  	s3 =	sld [smem:$0x3FDB];
	s0 =	simm.s32 @p2 $0x1  }
0x17: {  	s4 =	simm.s32 $0x1BF5;
	[smem:$0x3FB7] =	sst s0  }
0x18: {  	s0 =	sld [smem:$0x3F9A];
	_ =	swait.ge [sflag:s4], $0x0  }
0x19: {  	s7 =	sld [smem:$0x3F9B]  }
0x1a: {  	s8 =	sadd.s32 $0xFFFFE003, lr  }
0x1b: {  	s9 =	sadd.s32 $0xFFFFFEF7, lr;
	s5 =	simm.s32 $0xFFFFFFFF;
	p2 =	slt.u32 s8, $0xFFFFF086  }
0x1c: {  	p1 =	slt.u32 s9, $0xF7A;
	s5 =	simm.s32 @!p2 $0x0  }
0x1d: {  	s5 =	simm.s32 @p1 $0x1;
	p0 =	seq.s32 s7, s2  }
0x1e: {  	s7 =	smul.u32 @!p0 $0xF7A, s2;
	p2 =	seq.s32 @!p0 s5, $0x0  }
0x1f: {  	s9 =	smul.u32 $0xF7A, s1;
	s8 =	simm.s32 @!p0 $0x1BF5;
	p2 =	por !p2, p0  }
0x20: {  	[sflag:s8] =	ssyncset.s32 @!p0 $0xFFFFF086;
	s6 =	sadd.s32 @!p0 s3, s7;
	s7 =	simm.s32 @!p0 $0x108  }
0x21: {  	s3 =	sadd.s32 s3, s9;
	s6 =	sadd.s32 @!p0 $0x88, s6;
	s7 =	simm.s32 @p2 $0x1082  }
0x22: {  	[simem:s7], [sflag:s8] =	dma.local @!p0 [hbm:s6], $0xF7A  }
0x23: {  	s9 =	sor.u32 $0xD0000000, s2;
	s6 =	simm.s32 $0x108;
	_ =	swait.ge @!p0 [sflag:s8], $0x0  }
0x24: {  	s3 =	sadd.s32 $0x88, s3;
	s6 =	simm.s32 @!p1 $0x1082;
	[sflag:s4] =	ssyncset.s32 $0xFFFFF086  }
0x25: {  	[simem:s6], [sflag:s4] =	dma.local [hbm:s3], $0xF7A  }
0x26: {  	[smem:$0x3F9B] =	sst s1;
	(tag) =	ssettag s2;
	_ =	strace s9  }
0x27: {  	s1 =	sld [smem:$0x3FAB]  }
0x28: {  	s2 =	sld [smem:$0x3FAC]  }
0x29: {  	s4 =	sld [smem:$0x3FAE]  }
0x2a: {  	p0 =	seq.s32 s5, $0x0;
	s5 =	sld [smem:$0x3FAF]  }
0x2b: {  	s6 =	sld [smem:$0x3FB0]  }
0x2c: {  	s7 =	sld [smem:$0x3FB1]  }
0x2d: {  	s3 =	simm.s32 $0x108;
	s8 =	sld [smem:$0x3FB2]  }
0x2e: {  	s3 =	simm.s32 @!p0 $0x1082;
	s9 =	sld [smem:$0x3FB3]  }
0x2f: {  	lr =	sadd.s32 s0, s3;
	s0 =	sld [smem:$0x3FAA]  }
0x30: {  	s3 =	sld [smem:$0x3FAD]  }
0x31: {  	[smem:$0x3FB6] =	sst s10  }
0x32: {  	s10 =	sld [smem:$0x3FB4];
	_ =	sdelay $0x3  }
0x33: {  	p0 =	seq.s32 s10, $0x1;
	s10 =	sld [smem:$0x3FB6];
	_ =	sdelay $0x3  }
0x34: {  	[smem:$0x3FB6] =	sst s10  }
0x35: {  	s10 =	sld [smem:$0x3FB5];
	_ =	sdelay $0x3  }
0x36: {  	p1 =	seq.s32 s10, $0x1;
	s10 =	sld [smem:$0x3FB6];
	_ =	sdelay $0x3  }
0x37: {  	[smem:$0x3FB6] =	sst s10  }
0x38: {  	s10 =	sld [smem:$0x3FB7]  }
0x39: {  	_ = 	snop;
	(pc) =	sbr.ind lr, $3  }
0x3a: {  	_ = 	snop  }
0x3b: {  	_ = 	snop  }
0x3c: {  	p2 =	seq.s32 s10, $0x1;
	s10 =	sld [smem:$0x3FB6]  }
0x3d: {  	_ =	shalt  }
0x3e: {  	_ =	shalt  }
0x3f: {  	_ =	shalt  }
0x40: {  	_ =	shalt  }
0x41: {  	_ =	shalt  }
0x42: {  	_ =	shalt  }
0x43: {  	_ =	shalt  }
0x44: {  	_ =	shalt  }
0x45: {  	_ =	shalt  }
0x46: {  	_ =	shalt  }
0x47: {  	_ =	shalt  }
0x48: {  	_ =	shalt  }
0x49: {  	_ =	shalt  }
0x4a: {  	_ =	shalt  }
0x4b: {  	_ =	shalt  }
0x4c: {  	_ =	shalt  }
0x4d: {  	_ =	shalt  }
0x4e: {  	_ =	shalt  }
0x4f: {  	_ =	shalt  }
0x50: {  	_ =	shalt  }
0x51: {  	_ =	shalt  }
0x52: {  	_ =	shalt  }
0x53: {  	_ =	shalt  }
0x54: {  	_ =	shalt  }
0x55: {  	_ =	shalt  }
0x56: {  	_ =	shalt  }
0x57: {  	_ =	shalt  }
0x58: {  	_ =	shalt  }
0x59: {  	_ =	shalt  }
0x5a: {  	_ =	shalt  }
0x5b: {  	_ =	shalt  }
0x5c: {  	_ =	shalt  }
0x5d: {  	_ =	shalt  }
0x5e: {  	_ =	shalt  }
0x5f: {  	_ =	shalt  }
0x60: {  	_ =	shalt  }
0x61: {  	_ =	shalt  }
0x62: {  	_ =	shalt  }
0x63: {  	_ =	shalt  }
0x64: {  	_ =	shalt  }
0x65: {  	_ =	shalt  }
0x66: {  	_ =	shalt  }
0x67: {  	_ =	shalt  }
0x68: {  	_ =	shalt  }
0x69: {  	_ =	shalt  }
0x6a: {  	_ =	shalt  }
0x6b: {  	_ =	shalt  }
0x6c: {  	_ =	shalt  }
0x6d: {  	_ =	shalt  }
0x6e: {  	_ =	shalt  }
0x6f: {  	_ =	shalt  }
0x70: {  	_ =	shalt  }
0x71: {  	_ =	shalt  }
0x72: {  	_ =	shalt  }
0x73: {  	_ =	shalt  }
0x74: {  	_ =	shalt  }
0x75: {  	_ =	shalt  }
0x76: {  	_ =	shalt  }
0x77: {  	_ =	shalt  }
0x78: {  	_ =	shalt  }
0x79: {  	_ =	shalt  }
0x7a: {  	_ =	shalt  }
0x7b: {  	_ =	shalt  }
0x7c: {  	_ =	shalt  }
0x7d: {  	_ =	shalt  }
0x7e: {  	_ =	shalt  }
0x7f: {  	_ =	shalt  }
0x80: {  	_ =	shalt  }
0x81: {  	_ =	shalt  }
0x82: {  	_ =	shalt  }
0x83: {  	_ =	shalt  }
0x84: {  	_ =	shalt  }
0x85: {  	_ =	shalt  }
0x86: {  	_ =	shalt  }
0x87: {  	_ =	shalt  }
.Lfunc_end0:
.L_simem_size_0:
called_computation.2_lowered:
.L_overlay_start_0:
0x88: {  	s2 =	sld [smem:$0x3FD9]  }
0x89: {  	s3 =	sld [smem:$0x3FFE];
	_ =	sdelay $0x1  }
0x8a: {  	s1 =	srdreg.scid  }
0x8b: {  	s0 =	sand.u32 $0x1, s1  }
0x8c: {  	s17 =	sshll.u32 s0, $0xA;
	s2 =	sadd.s32 s3, s2  }
0x8d: {  	s2 =	sadd.s32 s2, s17  }
0x8e: {  	[smem:$0x3FC2] =	sst s2  }
0x8f: {  	_ = 	snop  }
0x90: {  	s2 =	sld [smem:$0x3FD0];
	(tm) =	ssettm $0x1  }
0x91: {  	s18 =	sld [smem:$0x3FFB];
	_ =	sdelay $0x3  }
0x92: {  	_ =	strace s18  }
0x93: {  	s3 =	sld [smem:$0x3FFC];
	_ =	sdelay $0x3  }
0x94: {  	_ =	strace s3  }
0x95: {  	s3 =	sld [smem:$0x3FFD];
	_ =	sdelay $0x3  }
0x96: {  	_ =	strace s3  }
0x97: {  	_ =	strace $0x8FFFFFFF  }
0x98: {  	s19 =	sld [smem:$0x3FDB];
	_ =	sdelay $0x1  }
0x99: {  	s4 =	simm.s32 $_scs_section_size  }
0x9a: {  	s5 =	simm.s32 $_size__tile_overlayer_lowered;
	s6 =	simm.s32 $_tile_overlayer_lowered  }
0x9b: {  	s22 =	simm.s32 $0x1BFF;
	s21 =	sshll.u32 s6, $0x1;
	s3 =	sadd.s32 s4, s19  }
0x9c: {  	s7 =	simm.s32 $0x0;
	s20 =	sshll.u32 s5, $0x1;
	s5 =	sadd.s32 s21, s3  }
0x9d: {  	[timem:s7], [sflag:s22] =	dma.local [hbm:s5], s20  }
0x9e: {  	_ =	swait.ge [sflag:s22], s20  }
0x9f: {  	s4 =	ssub.s32 $0x0, s20;
	[sflag:s22] =	ssyncset.done $0x0  }
0xa0: {  	[sflag:s22] =	ssyncadd.s32 s4;
	_ =	sdelay $0x1  }
0xa1: {  	s23 =	simm.s32 $0x1B8B  }
0xa2: {  	_ =	swait.ge [sflag:s23], $0x1  }
0xa3: {  	[sflag:s23] =	ssyncset.done $0x0  }
0xa4: {  	s25 =	simm.s32 $0x1B8E;
	s24 =	sld [smem:$0x3FFE];
	[sflag:s23] =	ssyncadd.s32 $0xFFFFFFFF  }
0xa5: {  	s26 =	simm.s32 $execute0_lowered;
	[smem:$0x3FD2] =	sst s25  }
0xa6: {  	s5 =	sshll.u32 s26, $0x1;
	_ =	strace $0x8000004C;
	[dreg:$0x1] =	wrdreg $0xFFFFFFFF  }
0xa7: {  	s28 =	simm.s32 $_size_execute0_lowered;
	s3 =	sadd.s32 s3, s5;
	[dreg:$0x0] =	wrdreg $0x0  }
0xa8: {  	s5 =	sshll.u32 s28, $0x1;
	[dreg:$0x2] =	wrdreg s3  }
0xa9: {  	[dreg:$0x3] =	wrdreg s5  }
0xaa: {  	[dreg:$0x4] =	wrdreg $0xC0  }
0xab: {  	_ =	task [dreg:s7], $0x5FFFF  }
0xac: {  	[dreg:$0x1] =	wrdreg $0xFFFFFFFF  }
0xad: {  	[dreg:$0x0] =	wrdreg $0x60  }
0xae: {  	[dreg:$0x2] =	wrdreg s24  }
0xaf: {  	[dreg:$0x3] =	wrdreg s2  }
0xb0: {  	[dreg:$0x4] =	wrdreg $0x13F000  }
0xb1: {  	[dreg:$0x5] =	wrdreg $0x9  }
0xb2: {  	_ =	task.clear_ibuf [dreg:s7], $0x6FFFF;
	_ =	strace $0x9000004C  }
0xb3: {  	s29 =	simm.s32 $0x9;
	_ =	strace $0x8000004E  }
0xb4: {  	_ =	swait.ge [sflag:s29], $0x1  }
0xb5: {  	[sflag:s29] =	ssyncadd.s32 $0xFFFFFFFF  }
0xb6: {  	_ =	strace $0x9000004E  }
0xb7: {  	_ =	sfence  }
0xb8: {  	s30 =	sld [smem:$0x0];
	_ =	sdelay $0x2  }
0xb9: {  	s31 =	sshll.u32 s1, $0xD;
	s1 =	sshrl.u32 s1, $0x2  }
0xba: {  	s3 =	sand.u32 $0x4000, s31;
	s1 =	sadd.s32 s1, s30  }
0xbb: {  	s0 =	sor.u32 s3, s0;
	s1 =	sshll.u32 s1, $0x11  }
0xbc: {  	s0 =	sor.u32 s1, s0  }
0xbd: {  	s0 =	sadd.s32 $0x8F2B, s0  }
0xbe: {  	[sflag:s0] =	ssyncadd.remote.s32 $0x1  }
0xbf: {  	_ =	sfence.sel $0xFFFF  }
0xc0: {  	[dreg:$0x0] =	wrdreg $0xFFFFFFFF;
	(pc) =	sbr.abs _section_cstart, $3  }
0xc1: {  	[dreg:$0x1] =	wrdreg $0xFFFFFFFF  }
0xc2: {  	_ =	task.clear_ibuf [dreg:s7], $0x2FFFF;
	_ =	strace $0x9FFFFFFF  }
0xc3: {  	(tm) =	ssettm $0x7FFFFFFF  }
tec
execute0_lowered:
.L_overlay_start_1:
0x0: {  	(tag) =	ssettag $0x1  }
0x1: {  	s0 =	rddreg [dreg:$0x0]  }
0x2: {  	s1 =	rddreg [dreg:$0x1]  }
0x3: {  	s2 =	rddreg [dreg:$0x2]  }
0x4: {  	s6 =	simm.s32 $0x0;
	s4 =	srdreg.scid;
	s3 =	stileid.u32  }
0x5: {  	s14 =	simm.s32 $0x9;
	s15 =	simm.s32 $0x5000;
	s16 =	simm.s32 $0x80  }
0x6: {  	s17 =	simm.s32 $0x9F00;
	s18 =	simm.s32 $0xBF00;
	s19 =	simm.s32 $0x11F00  }
0x7: {  	s20 =	simm.s32 $0x1;
	s22 =	simm.s32 $0xDF00;
	s28 =	simm.s32 $0x3  }
0x8: {  	s29 =	simm.s32 $0x5;
	s30 =	simm.s32 $0x4;
	s31 =	simm.s32 $0x6  }
0x9: {  	s21 =	simm.s32 $0x0;
	s5 =	sand.u32 $0x1, s4;
	s7 =	smul.u32 $0xA000, s3  }
0xa: {  	s23 =	sshll.u32 s3, $0x1;
	[smem:$0x7FF] =	sst s6;
	s9 =	smul.u32 $0x28000, s3  }
0xb: {  	s4 =	sadd.s32 $0x16400, s0;
	s24 =	sor.u32 s5, s23;
	s8 =	smul.u32 $0xA0000, s5  }
0xc: {  	_ =	strace $0x8000004D;
	s5 =	ssub.s32 $0x2, s5;
	s23 =	simm.s32 $0x2  }
0xd: {  	s6 =	smul.u32 $0x9E0, s24;
	s11 =	sshrl.u32 s5, $0x1;
	s25 =	sshrl.u32 s9, $0x2  }
0xe: {  	s8 =	sadd.s32 s7, s8;
	s13 =	ssub.s32 s5, s11;
	s26 =	sadd.s32 s25, s2  }
0xf: {  	s7 =	sadd.s32 s7, s2;
	s10 =	sadd.s32 s6, s0;
	s8 =	sshrl.u32 s8, $0x3  }
0x10: {  	s5 =	sadd.s32 s1, s6;
	s9 =	sadd.s32 $0x4000, s26;
	s11 =	sadd.s32 $0x8000, s26  }
0x11: {  	s13 =	smax.u32 s13, $0x1;
	s1 =	simm.s32 $0x8;
	s0 =	sadd.s32 s8, s0  }
0x12: {  	s6 =	sadd.s32 $0x2800, s10;
	s8 =	sadd.s32 $0x2000, s26;
	s10 =	sadd.s32 $0x6000, s26  }
0x13: {  	v0 =	vimm.s32 $0x0;
	v1 =	vimm.f32 $0.0e+00;
	s26 =	simm.s32 $0xFF00;
	s12 =	sadd.s32 $0x2A400, s0;
	s0 =	simm.s32 $0x7  }
.LBB2_1:
0x14: {  	s3 =	simm.s32 $0x0  }
0x15: {  	[tilespmem:s3], [sflag:$0x9] =	stream.linear.gather [hbm4b:s5+s3], $0x4F00, $0x38;
	[tilespmem:$0x1DF00] =	vst v63  }
0x16: {  	_ =	swait.ge [sflag:s14], $0x4F00  }
0x17: {  	[sflag:s14] =	ssyncset.done $0x0  }
0x18: {  	[sflag:s14] =	ssyncadd.s32 $0xFFFFB100  }
0x19: {  	[tilespmem:s15], [sflag:$0x9] =	stream.linear.gather [hbm4b:s6+s3], $0x4F00, $0x38;
	[tilespmem:$0x1DF00] =	vst v63  }
0x1a: {  	_ =	swait.ge [sflag:s14], $0x4F00  }
0x1b: {  	[sflag:s14] =	ssyncset.done $0x0  }
0x1c: {  	[sflag:s14] =	ssyncadd.s32 $0xFFFFB100  }
0x1d: {  	[tilespmem:$0x4F00] =	vst v0  }
0x1e: {  	[tilespmem:$0x4F80] =	vst v0  }
0x1f: {  	[tilespmem:$0x4F10] =	vst v0  }
0x20: {  	[tilespmem:$0x4F90] =	vst v0  }
0x21: {  	[tilespmem:$0x4F20] =	vst v0  }
0x22: {  	[tilespmem:$0x4FA0] =	vst v0  }
0x23: {  	[tilespmem:$0x4F30] =	vst v0  }
0x24: {  	[tilespmem:$0x4FB0] =	vst v0  }
0x25: {  	[tilespmem:$0x4F40] =	vst v0  }
0x26: {  	[tilespmem:$0x4FC0] =	vst v0  }
0x27: {  	[tilespmem:$0x4F50] =	vst v0  }
0x28: {  	[tilespmem:$0x4FD0] =	vst v0  }
0x29: {  	[tilespmem:$0x4F60] =	vst v0  }
0x2a: {  	[tilespmem:$0x4FE0] =	vst v0  }
0x2b: {  	[tilespmem:$0x4F70] =	vst v0  }
0x2c: {  	s25 =	simm.s32 $0x100;
	s24 =	simm.s32 $0x0;
	[tilespmem:$0x4FF0] =	vst v0  }
.LBB2_2:
0x2d: {  	p0 =	sne.s32 s25, $0x7F00;
	[tilespmem:s24+$0x11F30] =	vst v1;
	s3 =	smov.u32 s25;
	s25 =	sadd.s32 $0x100, s25  }
.Ltmp0:
0x2e: {  	[tilespmem:s24+$0x11F20] =	vst v1;
	(pc) =	sbr.rel @p0 .LBB2_2-.Ltmp0, $3  }
0x2f: {  	[tilespmem:s24+$0x11F00] =	vst v1  }
0x30: {  	[tilespmem:s24+$0x11F10] =	vst v1;
	_ =	sdelay $0x1  }
0x31: {  	s24 =	sshra.s32 s3, $0x2  }
0x32: {  	[tilespmem:s24+$0x11F30] =	vst v1  }
0x33: {  	[tilespmem:s24+$0x11F20] =	vst v1  }
0x34: {  	[tilespmem:s24+$0x11F00] =	vst v1  }
0x35: {  	[tilespmem:s24+$0x11F10] =	vst v1;
	s3 =	simm.s32 $0x0  }
0x36: {  	[tilespmem:s17], [sflag:$0x1] =	stream.indirect.gather [hbm4b:s4+s16], $0x40, s3, s16, $0xb8;
	[tilespmem:$0x1DF00] =	vst v63  }
0x37: {  	_ = 	snop  }
0x38: {  	[tilespmem:s18], [sflag:$0x2] =	stream.indirect.gather [hbm4b:s4+s16], $0x40, s16, s16, $0xb8;
	[tilespmem:$0x1DF00] =	vst v63  }
0x39: {  	_ = 	snop  }
0x3a: {  	[spmem:s7] =	stream.linear.scatter [tilespmem:s19], [sflag:$0x9], $0x2000, $0x38;
	[tilespmem:$0x1DF00] =	vst v63  }
0x3b: {  	_ =	swait.ge [sflag:s14], $0x2000  }
0x3c: {  	[sflag:s14] =	ssyncset.done $0x0  }
0x3d: {  	[sflag:s14] =	ssyncadd.s32 $0xFFFFE000  }
0x3e: {  	[spmem:s8] =	stream.linear.scatter [tilespmem:s19], [sflag:$0x9], $0x2000, $0x38;
	[tilespmem:$0x1DF00] =	vst v63  }
0x3f: {  	_ =	swait.ge [sflag:s14], $0x2000  }
0x40: {  	[sflag:s14] =	ssyncset.done $0x0  }
0x41: {  	[sflag:s14] =	ssyncadd.s32 $0xFFFFE000  }
0x42: {  	[spmem:s9] =	stream.linear.scatter [tilespmem:s19], [sflag:$0x9], $0x2000, $0x38;
	[tilespmem:$0x1DF00] =	vst v63  }
0x43: {  	_ =	swait.ge [sflag:s14], $0x2000  }
0x44: {  	[sflag:s14] =	ssyncset.done $0x0  }
0x45: {  	[sflag:s14] =	ssyncadd.s32 $0xFFFFE000  }
0x46: {  	[spmem:s10] =	stream.linear.scatter [tilespmem:s19], [sflag:$0x9], $0x2000, $0x38;
	[tilespmem:$0x1DF00] =	vst v63  }
0x47: {  	_ =	swait.ge [sflag:s14], $0x2000  }
0x48: {  	[sflag:s14] =	ssyncset.done $0x0  }
0x49: {  	[sflag:s14] =	ssyncadd.s32 $0xFFFFE000  }
0x4a: {  	[spmem:s11] =	stream.linear.scatter [tilespmem:s19], [sflag:$0x9], $0x2000, $0x38;
	[tilespmem:$0x1DF00] =	vst v63  }
0x4b: {  	_ =	swait.ge [sflag:s14], $0x2000  }
0x4c: {  	[sflag:s14] =	ssyncset.done $0x0  }
0x4d: {  	[sflag:s14] =	ssyncadd.s32 $0xFFFFE000  }
0x4e: {  	[bflag:$0x0] =	sbarrier.arrive $0xFFFF  }
0x4f: {  	_ =	swait.ge [sflag:s20], $0x2000  }
0x50: {  	[sflag:s20] =	ssyncset.done $0x0  }
0x51: {  	[sflag:s20] =	ssyncadd.s32 $0xFFFFE000  }
0x52: {  	[spmem:s2] =	stream.indirect.scatter.add.f32 [tilespmem:s17], [sflag:$0x5], $0x40, s15, s16, $0xb8;
	[tilespmem:$0x1DF00] =	vst v63  }
0x53: {  	s24 =	simm.s32 $0x100  }
0x54: {  	[tilespmem:s22], [sflag:$0x3] =	stream.indirect.gather [hbm4b:s4+s16], $0x40, s24, s16, $0xb8;
	[tilespmem:$0x1DF00] =	vst v63  }
0x55: {  	_ =	swait.ge [sflag:s23], $0x2000  }
0x56: {  	[sflag:s23] =	ssyncset.done $0x0  }
0x57: {  	s25 =	simm.s32 $0x5080;
	[sflag:s23] =	ssyncadd.s32 $0xFFFFE000  }
0x58: {  	[spmem:s2] =	stream.indirect.scatter.add.f32 [tilespmem:s18], [sflag:$0x6], $0x40, s25, s16, $0xb8;
	[tilespmem:$0x1DF00] =	vst v63  }
0x59: {  	s24 =	simm.s32 $0x180  }
0x5a: {  	[tilespmem:s26], [sflag:$0x4] =	stream.indirect.gather [hbm4b:s4+s16], $0x40, s24, s16, $0xb8;
	[tilespmem:$0x1DF00] =	vst v63  }
0x5b: {  	_ =	swait.ge [sflag:s28], $0x2000  }
0x5c: {  	[sflag:s28] =	ssyncset.done $0x0  }
0x5d: {  	s25 =	simm.s32 $0x5100;
	[sflag:s28] =	ssyncadd.s32 $0xFFFFE000  }
0x5e: {  	[spmem:s2] =	stream.indirect.scatter.add.f32 [tilespmem:s22], [sflag:$0x7], $0x40, s25, s16, $0xb8;
	[tilespmem:$0x1DF00] =	vst v63  }
0x5f: {  	_ =	swait.ge [sflag:s29], $0x2000  }
0x60: {  	[sflag:s29] =	ssyncset.done $0x0  }
0x61: {  	s24 =	simm.s32 $0x200;
	[sflag:s29] =	ssyncadd.s32 $0xFFFFE000  }
0x62: {  	[tilespmem:s17], [sflag:$0x1] =	stream.indirect.gather [hbm4b:s4+s16], $0x40, s24, s16, $0xb8;
	[tilespmem:$0x1DF00] =	vst v63  }
0x63: {  	_ =	swait.ge [sflag:s30], $0x2000  }
0x64: {  	[sflag:s30] =	ssyncset.done $0x0  }
0x65: {  	s25 =	simm.s32 $0x5180;
	[sflag:s30] =	ssyncadd.s32 $0xFFFFE000  }
0x66: {  	[spmem:s2] =	stream.indirect.scatter.add.f32 [tilespmem:s26], [sflag:$0x8], $0x40, s25, s16, $0xb8;
	[tilespmem:$0x1DF00] =	vst v63  }
0x67: {  	_ =	swait.ge [sflag:s31], $0x2000  }
0x68: {  	[sflag:s31] =	ssyncset.done $0x0  }
0x69: {  	s24 =	simm.s32 $0x280;
	[sflag:s31] =	ssyncadd.s32 $0xFFFFE000  }
0x6a: {  	[tilespmem:s18], [sflag:$0x2] =	stream.indirect.gather [hbm4b:s4+s16], $0x40, s24, s16, $0xb8;
	[tilespmem:$0x1DF00] =	vst v63  }
0x6b: {  	_ =	swait.ge [sflag:s20], $0x2000  }
0x6c: {  	[sflag:s20] =	ssyncset.done $0x0  }
0x6d: {  	s25 =	simm.s32 $0x5200;
	[sflag:s20] =	ssyncadd.s32 $0xFFFFE000  }
0x6e: {  	[spmem:s2] =	stream.indirect.scatter.add.f32 [tilespmem:s17], [sflag:$0x5], $0x40, s25, s16, $0xb8;
	[tilespmem:$0x1DF00] =	vst v63  }
0x6f: {  	_ =	swait.ge [sflag:s0], $0x2000  }
0x70: {  	[sflag:s0] =	ssyncset.done $0x0  }
0x71: {  	s24 =	simm.s32 $0x300;
	[sflag:s0] =	ssyncadd.s32 $0xFFFFE000  }
0x72: {  	[tilespmem:s22], [sflag:$0x3] =	stream.indirect.gather [hbm4b:s4+s16], $0x40, s24, s16, $0xb8;
	[tilespmem:$0x1DF00] =	vst v63  }
0x73: {  	_ =	swait.ge [sflag:s23], $0x2000  }
0x74: {  	[sflag:s23] =	ssyncset.done $0x0  }
0x75: {  	s25 =	simm.s32 $0x5280;
	[sflag:s23] =	ssyncadd.s32 $0xFFFFE000  }
0x76: {  	[spmem:s2] =	stream.indirect.scatter.add.f32 [tilespmem:s18], [sflag:$0x6], $0x40, s25, s16, $0xb8;
	[tilespmem:$0x1DF00] =	vst v63  }
0x77: {  	_ =	swait.ge [sflag:s1], $0x2000  }
0x78: {  	[sflag:s1] =	ssyncset.done $0x0  }
0x79: {  	s24 =	simm.s32 $0x800;
	s25 =	simm.s32 $0x380;
	[sflag:s1] =	ssyncadd.s32 $0xFFFFE000  }
.LBB2_4:
0x7a: {  	[tilespmem:s26], [sflag:$0x4] =	stream.indirect.gather [hbm4b:s4+s16], $0x40, s25, s16, $0xb8;
	[tilespmem:$0x1DF00] =	vst v63  }
0x7b: {  	s3 =	smov.u32 s24  }
0x7c: {  	p0 =	sne.s32 s24, $0x13000;
	s24 =	sadd.s32 $0x800, s24;
	_ =	swait.ge [sflag:s28], $0x2000  }
0x7d: {  	s25 =	sshra.s32 s3, $0x2;
	[sflag:s28] =	ssyncset.done $0x0  }
0x7e: {  	s3 =	sadd.s32 $0x5100, s25;
	[sflag:s28] =	ssyncadd.s32 $0xFFFFE000  }
0x7f: {  	[spmem:s2] =	stream.indirect.scatter.add.f32 [tilespmem:s22], [sflag:$0x7], $0x40, s3, s16, $0xb8;
	[tilespmem:$0x1DF00] =	vst v63  }
0x80: {  	_ =	swait.ge [sflag:s29], $0x2000  }
0x81: {  	[sflag:s29] =	ssyncset.done $0x0  }
0x82: {  	s3 =	sadd.s32 $0x200, s25;
	[sflag:s29] =	ssyncadd.s32 $0xFFFFE000  }
0x83: {  	[tilespmem:s17], [sflag:$0x1] =	stream.indirect.gather [hbm4b:s4+s16], $0x40, s3, s16, $0xb8;
	[tilespmem:$0x1DF00] =	vst v63  }
0x84: {  	_ =	swait.ge [sflag:s30], $0x2000  }
0x85: {  	[sflag:s30] =	ssyncset.done $0x0  }
0x86: {  	s3 =	sadd.s32 $0x5180, s25;
	[sflag:s30] =	ssyncadd.s32 $0xFFFFE000  }
0x87: {  	[spmem:s2] =	stream.indirect.scatter.add.f32 [tilespmem:s26], [sflag:$0x8], $0x40, s3, s16, $0xb8;
	[tilespmem:$0x1DF00] =	vst v63  }
0x88: {  	_ =	swait.ge [sflag:s31], $0x2000  }
0x89: {  	[sflag:s31] =	ssyncset.done $0x0  }
0x8a: {  	s3 =	sadd.s32 $0x280, s25;
	[sflag:s31] =	ssyncadd.s32 $0xFFFFE000  }
0x8b: {  	[tilespmem:s18], [sflag:$0x2] =	stream.indirect.gather [hbm4b:s4+s16], $0x40, s3, s16, $0xb8;
	[tilespmem:$0x1DF00] =	vst v63  }
0x8c: {  	_ =	swait.ge [sflag:s20], $0x2000  }
0x8d: {  	[sflag:s20] =	ssyncset.done $0x0  }
0x8e: {  	s3 =	sadd.s32 $0x5200, s25;
	[sflag:s20] =	ssyncadd.s32 $0xFFFFE000  }
0x8f: {  	[spmem:s2] =	stream.indirect.scatter.add.f32 [tilespmem:s17], [sflag:$0x5], $0x40, s3, s16, $0xb8;
	[tilespmem:$0x1DF00] =	vst v63  }
0x90: {  	_ =	swait.ge [sflag:s0], $0x2000  }
0x91: {  	[sflag:s0] =	ssyncset.done $0x0  }
0x92: {  	s3 =	sadd.s32 $0x300, s25;
	[sflag:s0] =	ssyncadd.s32 $0xFFFFE000  }
0x93: {  	[tilespmem:s22], [sflag:$0x3] =	stream.indirect.gather [hbm4b:s4+s16], $0x40, s3, s16, $0xb8;
	[tilespmem:$0x1DF00] =	vst v63  }
0x94: {  	_ =	swait.ge [sflag:s23], $0x2000  }
0x95: {  	[sflag:s23] =	ssyncset.done $0x0  }
.Ltmp1:
0x96: {  	s3 =	sadd.s32 $0x5280, s25;
	[sflag:s23] =	ssyncadd.s32 $0xFFFFE000;
	(pc) =	sbr.rel @p0 .LBB2_4-.Ltmp1, $4  }
0x97: {  	[spmem:s2] =	stream.indirect.scatter.add.f32 [tilespmem:s18], [sflag:$0x6], $0x40, s3, s16, $0xb8;
	[tilespmem:$0x1DF00] =	vst v63  }
0x98: {  	_ =	swait.ge [sflag:s1], $0x2000  }
0x99: {  	[sflag:s1] =	ssyncset.done $0x0  }
0x9a: {  	s25 =	sadd.s32 $0x380, s25;
	[sflag:s1] =	ssyncadd.s32 $0xFFFFE000  }
0x9b: {  	[tilespmem:s26], [sflag:$0x4] =	stream.indirect.gather [hbm4b:s4+s16], $0x40, s25, s16, $0xb8;
	[tilespmem:$0x1DF00] =	vst v63  }
0x9c: {  	_ =	swait.ge [sflag:s29], $0x2000  }
0x9d: {  	[sflag:s29] =	ssyncset.done $0x0  }
0x9e: {  	[sflag:s29] =	ssyncadd.s32 $0xFFFFE000  }
0x9f: {  	_ =	swait.ge [sflag:s31], $0x2000  }
0xa0: {  	[sflag:s31] =	ssyncset.done $0x0  }
0xa1: {  	[sflag:s31] =	ssyncadd.s32 $0xFFFFE000  }
0xa2: {  	_ =	swait.ge [sflag:s28], $0x2000  }
0xa3: {  	[sflag:s28] =	ssyncset.done $0x0  }
0xa4: {  	[sflag:s28] =	ssyncadd.s32 $0xFFFFE000  }
0xa5: {  	s3 =	stileid.u32;
	_ =	swait.ge [sflag:s30], $0x2000  }
0xa6: {  	s24 =	sshrl.u32 s7, $0x3;
	s21 =	sadd.s32 $0x1, s21;
	[sflag:s30] =	ssyncset.done $0x0  }
0xa7: {  	s3 =	sshll.u32 s3, $0x6;
	p0 =	sne.s32 s21, s13;
	[sflag:s30] =	ssyncadd.s32 $0xFFFFE000  }
.Ltmp2:
0xa8: {  	s3 =	sor.u32 $0x1C09, s3;
	[bflag:$0x0] =	sbarrier.arrive $0xFFFF;
	(pc) =	sbr.rel @p0 .LBB2_1-.Ltmp2, $4  }
0xa9: {  	[hbm:s12], [sflag:s3] =	dma.local [spmem:s24], $0x1400  }
0xaa: {  	_ =	swait.ge [sflag:s14], $0x1400  }
0xab: {  	[sflag:s14] =	ssyncset.done $0x0  }
0xac: {  	[sflag:s14] =	ssyncadd.s32 $0xFFFFEC00  }
0xad: {  	_ =	sfence.sel $0x180000  }
0xae: {  	[bflag:$0x0] =	sbarrier.arrive $0xFFFF  }
0xaf: {  	_ =	strace $0x9000004D  }
0xb0: {  	s0 =	stileid.u32;
	[bflag:$0x2] =	sbarrier.arrive $0xFFFF  }
0xb1: {  	p0 =	sne.s32 s0, $0x0;
	s0 =	rddreg [dreg:$0x3]  }
0xb2: {  	s0 =	sadd.s32 @!p0 $0x100000, s0  }
0xb3: {  	[sflag:s0] =	ssyncadd.tile.s32 @!p0 $0x1;
	_ =	shalt  }
.Lfunc_end2:
_tile_overlayer_lowered:
.L_overlay_start_2:
0xb4: {  	(tag) =	ssettag $0x2  }
0xb5: {  	s0 =	rddreg [dreg:$0x0];
	s2 =	stileid.u32  }
0xb6: {  	s1 =	rddreg [dreg:$0x1];
	p0 =	sne.s32 s2, $0x0  }
0xb7: {  	s3 =	rddreg [dreg:$0x2];
	[bflag:$0x3] =	sbarrier.arrive $0xFFFF;
	s2 =	simm.s32 @!p0 $0x1C09  }
0xb8: {  	[timem:s3], [sflag:s2] =	dma.local @!p0 [hbm:s0], s1  }
0xb9: {  	s0 =	simm.s32 @!p0 $0x9  }
0xba: {  	_ =	swait.ge @!p0 [sflag:s0], s1  }
0xbb: {  	s1 =	ssub.s32 @!p0 $0x0, s1;
	[sflag:s0] =	ssyncset.done @!p0 $0x0  }
0xbc: {  	[sflag:s0] =	ssyncadd.s32 @!p0 s1  }
0xbd: {  	[bflag:$0x3] =	sbarrier.arrive $0xFFFF  }
0xbe: {  	_ =	shalt  }

// kernel: kernel.8.cloned.1.call-start
scs
__scs_entry_jumppad:
0x0: {  	(pc) =	sbr.rel $0x88, $3  }
0x1: {  	(tag) =	ssettag $0x0;
	lr =	simm.s32 $0x1  }
0x2: {  	[smem:$0x3F9B] =	sst lr;
	_ =	strace $0xD0000000  }
0x3: {  	_ = 	snop  }
0x4: {  	_ = 	snop  }
0x5: {  	_ = 	snop  }
0x6: {  	_ = 	snop  }
0x7: {  	_ = 	snop  }
__scs_overlays_trampoline_lowered:
0x8: {  	[smem:$0x3FAA] =	sst s0  }
0x9: {  	[smem:$0x3FAB] =	sst s1  }
0xa: {  	[smem:$0x3FAC] =	sst s2  }
0xb: {  	[smem:$0x3FAD] =	sst s3  }
0xc: {  	[smem:$0x3FAE] =	sst s4  }
0xd: {  	[smem:$0x3FAF] =	sst s5  }
0xe: {  	[smem:$0x3FB0] =	sst s6  }
0xf: {  	[smem:$0x3FB1] =	sst s7  }
0x10: {  	[smem:$0x3FB2] =	sst s8  }
0x11: {  	[smem:$0x3FB3] =	sst s9;
	s0 =	simm.s32 @!p0 $0x0  }
0x12: {  	s1 =	sld [smem:$0x3F99];
	s0 =	simm.s32 @p0 $0x1  }
0x13: {  	[smem:$0x3FB4] =	sst s0;
	s0 =	simm.s32 @!p1 $0x0  }
0x14: {  	s2 =	sld [smem:$0x3F98];
	s0 =	simm.s32 @p1 $0x1  }
0x15: {  	[smem:$0x3FB5] =	sst s0;
	s0 =	simm.s32 @!p2 $0x0  }
0x16: {  	s3 =	sld [smem:$0x3FDB];
	s0 =	simm.s32 @p2 $0x1  }
0x17: {  	s4 =	simm.s32 $0x1BF5;
	[smem:$0x3FB7] =	sst s0  }
0x18: {  	s0 =	sld [smem:$0x3F9A];
	_ =	swait.ge [sflag:s4], $0x0  }
0x19: {  	s7 =	sld [smem:$0x3F9B]  }
0x1a: {  	s8 =	sadd.s32 $0xFFFFE003, lr  }
0x1b: {  	s9 =	sadd.s32 $0xFFFFFEF7, lr;
	s5 =	simm.s32 $0xFFFFFFFF;
	p2 =	slt.u32 s8, $0xFFFFF086  }
0x1c: {  	p1 =	slt.u32 s9, $0xF7A;
	s5 =	simm.s32 @!p2 $0x0  }
0x1d: {  	s5 =	simm.s32 @p1 $0x1;
	p0 =	seq.s32 s7, s2  }
0x1e: {  	s7 =	smul.u32 @!p0 $0xF7A, s2;
	p2 =	seq.s32 @!p0 s5, $0x0  }
0x1f: {  	s9 =	smul.u32 $0xF7A, s1;
	s8 =	simm.s32 @!p0 $0x1BF5;
	p2 =	por !p2, p0  }
0x20: {  	[sflag:s8] =	ssyncset.s32 @!p0 $0xFFFFF086;
	s6 =	sadd.s32 @!p0 s3, s7;
	s7 =	simm.s32 @!p0 $0x108  }
0x21: {  	s3 =	sadd.s32 s3, s9;
	s6 =	sadd.s32 @!p0 $0x88, s6;
	s7 =	simm.s32 @p2 $0x1082  }
0x22: {  	[simem:s7], [sflag:s8] =	dma.local @!p0 [hbm:s6], $0xF7A  }
0x23: {  	s9 =	sor.u32 $0xD0000000, s2;
	s6 =	simm.s32 $0x108;
	_ =	swait.ge @!p0 [sflag:s8], $0x0  }
0x24: {  	s3 =	sadd.s32 $0x88, s3;
	s6 =	simm.s32 @!p1 $0x1082;
	[sflag:s4] =	ssyncset.s32 $0xFFFFF086  }
0x25: {  	[simem:s6], [sflag:s4] =	dma.local [hbm:s3], $0xF7A  }
0x26: {  	[smem:$0x3F9B] =	sst s1;
	(tag) =	ssettag s2;
	_ =	strace s9  }
0x27: {  	s1 =	sld [smem:$0x3FAB]  }
0x28: {  	s2 =	sld [smem:$0x3FAC]  }
0x29: {  	s4 =	sld [smem:$0x3FAE]  }
0x2a: {  	p0 =	seq.s32 s5, $0x0;
	s5 =	sld [smem:$0x3FAF]  }
0x2b: {  	s6 =	sld [smem:$0x3FB0]  }
0x2c: {  	s7 =	sld [smem:$0x3FB1]  }
0x2d: {  	s3 =	simm.s32 $0x108;
	s8 =	sld [smem:$0x3FB2]  }
0x2e: {  	s3 =	simm.s32 @!p0 $0x1082;
	s9 =	sld [smem:$0x3FB3]  }
0x2f: {  	lr =	sadd.s32 s0, s3;
	s0 =	sld [smem:$0x3FAA]  }
0x30: {  	s3 =	sld [smem:$0x3FAD]  }
0x31: {  	[smem:$0x3FB6] =	sst s10  }
0x32: {  	s10 =	sld [smem:$0x3FB4];
	_ =	sdelay $0x3  }
0x33: {  	p0 =	seq.s32 s10, $0x1;
	s10 =	sld [smem:$0x3FB6];
	_ =	sdelay $0x3  }
0x34: {  	[smem:$0x3FB6] =	sst s10  }
0x35: {  	s10 =	sld [smem:$0x3FB5];
	_ =	sdelay $0x3  }
0x36: {  	p1 =	seq.s32 s10, $0x1;
	s10 =	sld [smem:$0x3FB6];
	_ =	sdelay $0x3  }
0x37: {  	[smem:$0x3FB6] =	sst s10  }
0x38: {  	s10 =	sld [smem:$0x3FB7]  }
0x39: {  	_ = 	snop;
	(pc) =	sbr.ind lr, $3  }
0x3a: {  	_ = 	snop  }
0x3b: {  	_ = 	snop  }
0x3c: {  	p2 =	seq.s32 s10, $0x1;
	s10 =	sld [smem:$0x3FB6]  }
0x3d: {  	_ =	shalt  }
0x3e: {  	_ =	shalt  }
0x3f: {  	_ =	shalt  }
0x40: {  	_ =	shalt  }
0x41: {  	_ =	shalt  }
0x42: {  	_ =	shalt  }
0x43: {  	_ =	shalt  }
0x44: {  	_ =	shalt  }
0x45: {  	_ =	shalt  }
0x46: {  	_ =	shalt  }
0x47: {  	_ =	shalt  }
0x48: {  	_ =	shalt  }
0x49: {  	_ =	shalt  }
0x4a: {  	_ =	shalt  }
0x4b: {  	_ =	shalt  }
0x4c: {  	_ =	shalt  }
0x4d: {  	_ =	shalt  }
0x4e: {  	_ =	shalt  }
0x4f: {  	_ =	shalt  }
0x50: {  	_ =	shalt  }
0x51: {  	_ =	shalt  }
0x52: {  	_ =	shalt  }
0x53: {  	_ =	shalt  }
0x54: {  	_ =	shalt  }
0x55: {  	_ =	shalt  }
0x56: {  	_ =	shalt  }
0x57: {  	_ =	shalt  }
0x58: {  	_ =	shalt  }
0x59: {  	_ =	shalt  }
0x5a: {  	_ =	shalt  }
0x5b: {  	_ =	shalt  }
0x5c: {  	_ =	shalt  }
0x5d: {  	_ =	shalt  }
0x5e: {  	_ =	shalt  }
0x5f: {  	_ =	shalt  }
0x60: {  	_ =	shalt  }
0x61: {  	_ =	shalt  }
0x62: {  	_ =	shalt  }
0x63: {  	_ =	shalt  }
0x64: {  	_ =	shalt  }
0x65: {  	_ =	shalt  }
0x66: {  	_ =	shalt  }
0x67: {  	_ =	shalt  }
0x68: {  	_ =	shalt  }
0x69: {  	_ =	shalt  }
0x6a: {  	_ =	shalt  }
0x6b: {  	_ =	shalt  }
0x6c: {  	_ =	shalt  }
0x6d: {  	_ =	shalt  }
0x6e: {  	_ =	shalt  }
0x6f: {  	_ =	shalt  }
0x70: {  	_ =	shalt  }
0x71: {  	_ =	shalt  }
0x72: {  	_ =	shalt  }
0x73: {  	_ =	shalt  }
0x74: {  	_ =	shalt  }
0x75: {  	_ =	shalt  }
0x76: {  	_ =	shalt  }
0x77: {  	_ =	shalt  }
0x78: {  	_ =	shalt  }
0x79: {  	_ =	shalt  }
0x7a: {  	_ =	shalt  }
0x7b: {  	_ =	shalt  }
0x7c: {  	_ =	shalt  }
0x7d: {  	_ =	shalt  }
0x7e: {  	_ =	shalt  }
0x7f: {  	_ =	shalt  }
0x80: {  	_ =	shalt  }
0x81: {  	_ =	shalt  }
0x82: {  	_ =	shalt  }
0x83: {  	_ =	shalt  }
0x84: {  	_ =	shalt  }
0x85: {  	_ =	shalt  }
0x86: {  	_ =	shalt  }
0x87: {  	_ =	shalt  }
.Lfunc_end0:
.L_simem_size_0:
called_computation_lowered:
.L_overlay_start_0:
0x88: {  	s2 =	sld [smem:$0x3FD9]  }
0x89: {  	s3 =	sld [smem:$0x3FFE];
	_ =	sdelay $0x1  }
0x8a: {  	s1 =	srdreg.scid  }
0x8b: {  	s0 =	sand.u32 $0x1, s1  }
0x8c: {  	s16 =	sshll.u32 s0, $0xA;
	s2 =	sadd.s32 s3, s2  }
0x8d: {  	s2 =	sadd.s32 s2, s16  }
0x8e: {  	[smem:$0x3FC2] =	sst s2  }
0x8f: {  	_ = 	snop  }
0x90: {  	(tm) =	ssettm $0x1  }
0x91: {  	s17 =	sld [smem:$0x3FFB];
	_ =	sdelay $0x3  }
0x92: {  	_ =	strace s17  }
0x93: {  	s2 =	sld [smem:$0x3FFC];
	_ =	sdelay $0x3  }
0x94: {  	_ =	strace s2  }
0x95: {  	s2 =	sld [smem:$0x3FFD];
	_ =	sdelay $0x3  }
0x96: {  	_ =	strace s2  }
0x97: {  	_ =	strace $0x8FFFFFFF  }
0x98: {  	s18 =	sld [smem:$0x3FDB];
	_ =	sdelay $0x1  }
0x99: {  	s19 =	simm.s32 $_scs_section_size  }
0x9a: {  	s4 =	simm.s32 $_size__tile_overlayer_lowered;
	s5 =	simm.s32 $_tile_overlayer_lowered  }
0x9b: {  	s22 =	simm.s32 $0x1BFF;
	s21 =	sshll.u32 s5, $0x1;
	s2 =	sadd.s32 s19, s18  }
0x9c: {  	s6 =	simm.s32 $0x0;
	s20 =	sshll.u32 s4, $0x1;
	s4 =	sadd.s32 s21, s2  }
0x9d: {  	[timem:s6], [sflag:s22] =	dma.local [hbm:s4], s20  }
0x9e: {  	_ =	swait.ge [sflag:s22], s20  }
0x9f: {  	s3 =	ssub.s32 $0x0, s20;
	[sflag:s22] =	ssyncset.done $0x0  }
0xa0: {  	[sflag:s22] =	ssyncadd.s32 s3;
	_ =	sdelay $0x1  }
0xa1: {  	s23 =	simm.s32 $0x1B8B  }
0xa2: {  	_ =	swait.ge [sflag:s23], $0x1  }
0xa3: {  	[sflag:s23] =	ssyncset.done $0x0  }
0xa4: {  	s25 =	simm.s32 $0x1B8E;
	s24 =	sld [smem:$0x3FFE];
	[sflag:s23] =	ssyncadd.s32 $0xFFFFFFFF  }
0xa5: {  	s26 =	simm.s32 $execute0_lowered;
	[smem:$0x3FD2] =	sst s25  }
0xa6: {  	s4 =	sshll.u32 s26, $0x1;
	_ =	strace $0x80000046;
	[dreg:$0x1] =	wrdreg $0xFFFFFFFF  }
0xa7: {  	s28 =	simm.s32 $_size_execute0_lowered;
	s2 =	sadd.s32 s2, s4;
	[dreg:$0x0] =	wrdreg $0x0  }
0xa8: {  	s4 =	sshll.u32 s28, $0x1;
	[dreg:$0x2] =	wrdreg s2  }
0xa9: {  	[dreg:$0x3] =	wrdreg s4  }
0xaa: {  	[dreg:$0x4] =	wrdreg $0xC0  }
0xab: {  	_ =	task [dreg:s6], $0x5FFFF  }
0xac: {  	[dreg:$0x1] =	wrdreg $0xFFFFFFFF  }
0xad: {  	[dreg:$0x0] =	wrdreg $0x60  }
0xae: {  	[dreg:$0x2] =	wrdreg s24  }
0xaf: {  	[dreg:$0x3] =	wrdreg $0x51000  }
0xb0: {  	[dreg:$0x4] =	wrdreg $0x9  }
0xb1: {  	_ =	task.clear_ibuf [dreg:s6], $0x5FFFF;
	_ =	strace $0x90000046  }
0xb2: {  	s29 =	simm.s32 $0x9;
	_ =	strace $0x80000048  }
0xb3: {  	_ =	swait.ge [sflag:s29], $0x1  }
0xb4: {  	[sflag:s29] =	ssyncadd.s32 $0xFFFFFFFF  }
0xb5: {  	_ =	strace $0x90000048  }
0xb6: {  	_ =	sfence  }
0xb7: {  	s30 =	sld [smem:$0x0];
	_ =	sdelay $0x2  }
0xb8: {  	s31 =	sshll.u32 s1, $0xD;
	s1 =	sshrl.u32 s1, $0x2  }
0xb9: {  	s3 =	sand.u32 $0x4000, s31;
	s1 =	sadd.s32 s1, s30  }
0xba: {  	s0 =	sor.u32 s3, s0;
	s1 =	sshll.u32 s1, $0x11  }
0xbb: {  	s0 =	sor.u32 s1, s0  }
0xbc: {  	s0 =	sadd.s32 $0x8F2B, s0  }
0xbd: {  	[sflag:s0] =	ssyncadd.remote.s32 $0x1  }
0xbe: {  	_ =	sfence.sel $0xFFFF  }
0xbf: {  	[dreg:$0x0] =	wrdreg $0xFFFFFFFF;
	(pc) =	sbr.abs _section_cstart, $3  }
0xc0: {  	[dreg:$0x1] =	wrdreg $0xFFFFFFFF  }
0xc1: {  	_ =	task.clear_ibuf [dreg:s6], $0x2FFFF;
	_ =	strace $0x9FFFFFFF  }
0xc2: {  	(tm) =	ssettm $0x7FFFFFFF  }
0xc3: {  	_ =	shalt  }
tec
execute0_lowered:
.L_overlay_start_1:
0x0: {  	(tag) =	ssettag $0x1  }
0x1: {  	s1 =	srdreg.scid;
	s5 =	rddreg [dreg:$0x0]  }
0x2: {  	s0 =	stileid.u32;
	s2 =	rddreg [dreg:$0x1];
	s3 =	simm.s32 $0x0  }
0x3: {  	s12 =	simm.s32 $0x1;
	s13 =	simm.s32 $0x5080;
	s14 =	simm.s32 $0x80  }
0x4: {  	s15 =	simm.s32 $0x5000;
	s18 =	simm.s32 $0x20;
	s19 =	simm.s32 $0x10  }
0x5: {  	s20 =	simm.s32 $0x0;
	s4 =	sand.u32 $0x1, s1;
	s7 =	smul.u32 $0x500, s0  }
0x6: {  	s28 =	sshll.u32 s0, $0x1;
	[smem:$0x7FF] =	sst s3;
	s9 =	smul.u32 $0xA00, s0  }
0x7: {  	s16 =	sshll.u32 s0, $0x6;
	s1 =	sor.u32 s4, s28;
	s8 =	sshll.u32 s4, $0x7  }
0x8: {  	s29 =	ssub.s32 $0x2, s4;
	s16 =	sor.u32 $0x1C01, s16;
	s6 =	smul.u32 $0xA00, s1  }
0x9: {  	s1 =	rddreg [dreg:$0x2];
	_ =	strace $0x80000047;
	s7 =	sor.u32 s8, s7  }
0xa: {  	s30 =	sshrl.u32 s9, $0x2;
	s31 =	sshrl.u32 s29, $0x1;
	s7 =	sshrl.u32 s7, $0x3  }
0xb: {  	s4 =	sadd.s32 s30, s2;
	s11 =	ssub.s32 s29, s31;
	s6 =	sadd.s32 s6, s5  }
0xc: {  	s10 =	sadd.s32 s7, s5;
	s7 =	sadd.s32 $0x100, s4;
	s8 =	sadd.s32 $0x180, s4  }
0xd: {  	s9 =	sadd.s32 $0x200, s4;
	s11 =	smax.u32 s11, $0x1;
	s17 =	sshrl.u32 s4, $0x3  }
0xe: {  	v0 =	vimm.f32 $1.000000000e+00;
	v1 =	vimm.f32 $0.0e+00;
	s5 =	sadd.s32 $0x16400, s6;
	s6 =	sadd.s32 $0x80, s4;
	s10 =	sadd.s32 $0x2A400, s10  }
.LBB2_1:
0xf: {  	[tilespmem:s3], [sflag:$0x1] =	stream.linear.gather [hbm4b:s5+s3], $0x4F00, $0x38;
	[tilespmem:$0x5380] =	vst v63  }
0x10: {  	_ =	swait.ge [sflag:s12], $0x4F00  }
0x11: {  	[sflag:s12] =	ssyncset.done $0x0  }
0x12: {  	[sflag:s12] =	ssyncadd.s32 $0xFFFFB100  }
0x13: {  	[tilespmem:$0x5000] =	vst v0  }
0x14: {  	[tilespmem:$0x5080] =	vst v1  }
0x15: {  	[tilespmem:$0x5010] =	vst v0  }
0x16: {  	[tilespmem:$0x5090] =	vst v1  }
0x17: {  	[tilespmem:$0x5020] =	vst v0  }
0x18: {  	[tilespmem:$0x50A0] =	vst v1  }
0x19: {  	[tilespmem:$0x5030] =	vst v0  }
0x1a: {  	[tilespmem:$0x50B0] =	vst v1  }
0x1b: {  	[tilespmem:$0x5040] =	vst v0  }
0x1c: {  	[tilespmem:$0x50C0] =	vst v1  }
0x1d: {  	[tilespmem:$0x5050] =	vst v0  }
0x1e: {  	[tilespmem:$0x50D0] =	vst v1  }
0x1f: {  	[tilespmem:$0x5060] =	vst v0  }
0x20: {  	[tilespmem:$0x50E0] =	vst v1  }
0x21: {  	[tilespmem:$0x5070] =	vst v0  }
0x22: {  	[tilespmem:$0x50F0] =	vst v1  }
0x23: {  	[spmem:s4] =	stream.linear.scatter [tilespmem:s13], [sflag:$0x1], $0x80, $0x38;
	[tilespmem:$0x5380] =	vst v63  }
0x24: {  	_ =	swait.ge [sflag:s12], $0x80  }
0x25: {  	[sflag:s12] =	ssyncset.done $0x0  }
0x26: {  	[sflag:s12] =	ssyncadd.s32 $0xFFFFFF80  }
0x27: {  	[spmem:s6] =	stream.linear.scatter [tilespmem:s13], [sflag:$0x1], $0x80, $0x38;
	[tilespmem:$0x5380] =	vst v63  }
0x28: {  	_ =	swait.ge [sflag:s12], $0x80  }
0x29: {  	[sflag:s12] =	ssyncset.done $0x0  }
0x2a: {  	[sflag:s12] =	ssyncadd.s32 $0xFFFFFF80  }
0x2b: {  	[spmem:s7] =	stream.linear.scatter [tilespmem:s13], [sflag:$0x1], $0x80, $0x38;
	[tilespmem:$0x5380] =	vst v63  }
0x2c: {  	_ =	swait.ge [sflag:s12], $0x80  }
0x2d: {  	[sflag:s12] =	ssyncset.done $0x0  }
0x2e: {  	[sflag:s12] =	ssyncadd.s32 $0xFFFFFF80  }
0x2f: {  	[spmem:s8] =	stream.linear.scatter [tilespmem:s13], [sflag:$0x1], $0x80, $0x38;
	[tilespmem:$0x5380] =	vst v63  }
0x30: {  	_ =	swait.ge [sflag:s12], $0x80  }
0x31: {  	[sflag:s12] =	ssyncset.done $0x0  }
0x32: {  	[sflag:s12] =	ssyncadd.s32 $0xFFFFFF80  }
0x33: {  	[spmem:s9] =	stream.linear.scatter [tilespmem:s13], [sflag:$0x1], $0x80, $0x38;
	[tilespmem:$0x5380] =	vst v63  }
0x34: {  	_ =	swait.ge [sflag:s12], $0x80  }
0x35: {  	[sflag:s12] =	ssyncset.done $0x0  }
0x36: {  	[sflag:s12] =	ssyncadd.s32 $0xFFFFFF80  }
0x37: {  	s21 =	simm.s32 $0x0;
	[bflag:$0x0] =	sbarrier.arrive $0xFFFF  }
0x38: {  	[spmem:s2] =	stream.indirect.scatter.add.f32 [tilespmem:s15], [sflag:$0x1], $0x1, s21, s14, $0xb8;
	[tilespmem:$0x5380] =	vst v63  }
0x39: {  	_ =	swait.ge [sflag:s12], $0x80  }
0x3a: {  	s21 =	simm.s32 $0x200;
	[sflag:s12] =	ssyncset.done $0x0  }
.LBB2_2:
0x3b: {  	s22 =	sshra.s32 s21, $0x2;
	[sflag:s12] =	ssyncadd.s32 $0xFFFFFF80;
	p0 =	sne.s32 s21, $0x13A00  }
0x3c: {  	[spmem:s2] =	stream.indirect.scatter.add.f32 [tilespmem:s15], [sflag:$0x1], $0x1, s22, s14, $0xb8;
	[tilespmem:$0x5380] =	vst v63  }
.Ltmp0:
0x3d: {  	_ = 	snop;
	(pc) =	sbr.rel @p0 .LBB2_2-.Ltmp0, $4  }
0x3e: {  	_ = 	snop  }
0x3f: {  	s21 =	sadd.s32 $0x200, s21  }
0x40: {  	_ =	swait.ge [sflag:s12], $0x80  }
0x41: {  	[sflag:s12] =	ssyncset.done $0x0  }
0x42: {  	s20 =	sadd.s32 $0x1, s20  }
0x43: {  	[sflag:s12] =	ssyncadd.s32 $0xFFFFFF80;
	p0 =	sne.s32 s20, s11  }
.Ltmp1:
0x44: {  	[bflag:$0x0] =	sbarrier.arrive $0xFFFF;
	(pc) =	sbr.rel @p0 .LBB2_1-.Ltmp1, $4  }
0x45: {  	[hbm:s10@s18], [sflag:s16] =	dma.strided [spmem:s17@s19], $0x50, s12, $0x10   }
0x46: {  	_ =	swait.ge [sflag:s12], $0x50  }
0x47: {  	[sflag:s12] =	ssyncset.done $0x0  }
0x48: {  	[sflag:s12] =	ssyncadd.s32 $0xFFFFFFB0  }
0x49: {  	_ =	sfence.sel $0x180000  }
0x4a: {  	[bflag:$0x0] =	sbarrier.arrive $0xFFFF  }
0x4b: {  	p0 =	sne.s32 s0, $0x0;
	_ =	strace $0x90000047  }
0x4c: {  	s0 =	sadd.s32 @!p0 $0x100000, s1;
	[bflag:$0x2] =	sbarrier.arrive $0xFFFF  }
0x4d: {  	[sflag:s0] =	ssyncadd.tile.s32 @!p0 $0x1;
	_ =	shalt  }
.Lfunc_end2:
_tile_overlayer_lowered:
.L_overlay_start_2:
0x4e: {  	(tag) =	ssettag $0x2  }
0x4f: {  	s0 =	rddreg [dreg:$0x0];
	s2 =	stileid.u32  }
0x50: {  	s1 =	rddreg [dreg:$0x1];
	p0 =	sne.s32 s2, $0x0  }
0x51: {  	s3 =	rddreg [dreg:$0x2];
	[bflag:$0x3] =	sbarrier.arrive $0xFFFF;
	s2 =	simm.s32 @!p0 $0x1C01  }
0x52: {  	[timem:s3], [sflag:s2] =	dma.local @!p0 [hbm:s0], s1  }
0x53: {  	s0 =	simm.s32 @!p0 $0x1  }
0x54: {  	_ =	swait.ge @!p0 [sflag:s0], s1  }
0x55: {  	s1 =	ssub.s32 @!p0 $0x0, s1;
	[sflag:s0] =	ssyncset.done @!p0 $0x0  }
0x56: {  	[sflag:s0] =	ssyncadd.s32 @!p0 s1  }
0x57: {  	[bflag:$0x3] =	sbarrier.arrive $0xFFFF  }
0x58: {  	_ =	shalt  }

</sc_bundles>
